<compile_context>
chip_gen: v7x
topology: tpu7x:2x2x1
jax: 0.10.2.dev20260603
libtpu: 0.0.44.dev20260713+nightly
codegen_flags: <defaults>
</compile_context>

<pallas_src>
import functools

import jax
import jax.numpy as jnp
from jax import lax
from jax.experimental import pallas as pl
from jax.experimental.pallas import tpu as pltpu
from jax.experimental.pallas import tpu_sc as plsc

_VOCAB = 100000
_D = 128
_B = 4096
_SEQ = 200
_NCLS = 1000

_NC = 2
_NS = 16
_NW = _NC * _NS
_BPW = _B // _NW
_CHUNKS = ((0, 104), (104, 96))
_LANES = 16
_DCH = _D // _LANES


@functools.partial(
    pl.kernel,
    out_type=jax.ShapeDtypeStruct((_B, _D), jnp.float32),
    mesh=plsc.VectorSubcoreMesh(core_axis_name="c", subcore_axis_name="s"),
    scratch_types=[
        pltpu.VMEM((_SEQ,), jnp.int32),
        pltpu.VMEM((_SEQ,), jnp.int32),
        pltpu.VMEM((_SEQ,), jnp.int32),
        pltpu.VMEM((3, _SEQ, _D), jnp.float32),
        pltpu.VMEM((_BPW, _D), jnp.float32),
        pltpu.SemaphoreType.DMA,
        pltpu.SemaphoreType.DMA,
        pltpu.SemaphoreType.DMA,
        pltpu.SemaphoreType.DMA,
        pltpu.SemaphoreType.DMA,
        pltpu.SemaphoreType.DMA,
    ],
)
def _sc_embed_sum(x_hbm, emb_hbm, out_hbm, ir0, ir1, ir2, gbuf, obuf,
                  sem0, sem1, sem2, isem0, isem1, isem2):
    wid = lax.axis_index("s") * _NC + lax.axis_index("c")
    base = wid * _BPW
    sems = (sem0, sem1, sem2)
    isems = (isem0, isem1, isem2)
    idxrows = (ir0, ir1, ir2)
    nbuf = 3

    def idxcopy(i, b):
        return pltpu.make_async_copy(x_hbm.at[base + i], idxrows[b], isems[b])

    def gathers(b):
        return [
            pltpu.make_async_copy(
                emb_hbm.at[idxrows[b].at[pl.ds(off, ln)]],
                gbuf.at[b, pl.ds(off, ln)],
                sems[b],
            )
            for off, ln in _CHUNKS
        ]

    for b in range(nbuf):
        idxcopy(b, b).start()
    for b in range(nbuf):
        idxcopy(b, b).wait()
        for c in gathers(b):
            c.start()

    unroll = 4

    def row_body(i, b):
        for c in gathers(b):
            c.wait()

        @pl.when(i + nbuf < _BPW)
        def _():
            idxcopy(i + nbuf, b).start()

        def red(j, accs):
            t = unroll * j
            return tuple(
                a
                + (
                    (
                        gbuf[b, t, pl.ds(k * _LANES, _LANES)]
                        + gbuf[b, t + 1, pl.ds(k * _LANES, _LANES)]
                    )
                    + (
                        gbuf[b, t + 2, pl.ds(k * _LANES, _LANES)]
                        + gbuf[b, t + 3, pl.ds(k * _LANES, _LANES)]
                    )
                )
                for k, a in enumerate(accs)
            )

        accs = lax.fori_loop(
            0, _SEQ // unroll, red,
            tuple(jnp.zeros((_LANES,), jnp.float32) for _ in range(_DCH)),
        )
        for k, a in enumerate(accs):
            obuf[i, pl.ds(k * _LANES, _LANES)] = a

        @pl.when(i + nbuf < _BPW)
        def _():
            idxcopy(i + nbuf, b).wait()
            for c in gathers(b):
                c.start()

    def trip_body(j, carry):
        for b in range(nbuf):
            row_body(nbuf * j + b, b)
        return carry

    lax.fori_loop(0, _BPW // nbuf, trip_body, 0)
    row_body(_BPW - 2, (_BPW - 2) % nbuf)
    row_body(_BPW - 1, (_BPW - 1) % nbuf)
    pltpu.sync_copy(obuf, out_hbm.at[pl.ds(base, _BPW)])


_BM = 512


def _mm_body(e_ref, w_ref, b_ref, o_ref):
    o_ref[...] = (
        lax.dot_general(
            w_ref[...],
            e_ref[...] * (1.0 / _SEQ),
            dimension_numbers=(((1,), (1,)), ((), ())),
            preferred_element_type=jnp.float32,
        )
        + b_ref[...]
    )


def _head_matmul(e_sum, w, bcol):
    return pl.pallas_call(
        _mm_body,
        grid=(_B // _BM,),
        in_specs=[
            pl.BlockSpec((_BM, _D), lambda i: (i, 0)),
            pl.BlockSpec((_NCLS, _D), lambda i: (0, 0)),
            pl.BlockSpec((_NCLS, 1), lambda i: (0, 0)),
        ],
        out_specs=pl.BlockSpec((_NCLS, _BM), lambda i: (0, i)),
        out_shape=jax.ShapeDtypeStruct((_NCLS, _B), jnp.float32),
    )(e_sum, w, bcol)


def kernel(x, emb, W, b):
    e_sum = _sc_embed_sum(x, emb)
    out_t = _head_matmul(e_sum, W, b.reshape(_NCLS, 1))
    return jnp.transpose(out_t)

# --- scband reference (transcript-rebuilt; emitter-appended) ---
"""Pipeline reference for scband-tiny-classifier-59571196395574 (READ-ONLY COPY).

The authoritative reference and input builder live on the scoring server;
editing this copy changes nothing except your own understanding.
"""

import jax, jax.numpy as jnp
import numpy as np

VOCAB = 100000
D_MODEL = 128
N_CLASSES = 1000
BATCH = 4096
SEQ = 200


def setup_inputs(seed: int = 0) -> dict:
    key = jax.random.key(seed)
    k1, k2, k3, k4 = jax.random.split(key, 4)
    x = jax.random.randint(k1, (BATCH, SEQ), 0, VOCAB, dtype=jnp.int64 if jax.config.jax_enable_x64 else jnp.int32).astype(jnp.int32)
    emb = jax.random.normal(k2, (VOCAB, D_MODEL), dtype=jnp.float32) * 0.02
    W = jax.random.normal(k3, (N_CLASSES, D_MODEL), dtype=jnp.float32) * (1.0 / np.sqrt(D_MODEL))
    b = jax.random.normal(k4, (N_CLASSES,), dtype=jnp.float32) * 0.01
    return {"x": x, "emb": emb, "W": W, "b": b}


def reference(x, emb, W, b):
    # e = self.emb(x).mean(dim=1)
    gathered = jnp.take(emb, x, axis=0)          # [B, L, d_model]
    e = gathered.mean(axis=1)                     # [B, d_model]
    # return self.head(e)  -> Linear: e @ W.T + b
    out = e @ W.T + b                             # [B, n_classes]
    return out

if __name__ == "__main__":
    import jax
    _d = setup_inputs()
    print(jax.jit(kernel)(*tuple(_d.values())))

</pallas_src>

<mosaic_0001>
#map = affine_map<(d0, d1) -> (0, 0)>
module attributes {stable_mosaic.version = 14 : i64} {
  func.func @_sc_embed_sum(%arg0: i32, %arg1: i32, %arg2: memref<4096x200xi32, #tpu.memory_space<hbm>>, %arg3: memref<100000x128xf32, #tpu.memory_space<hbm>>, %arg4: memref<4096x128xf32, #tpu.memory_space<hbm>>, %arg5: memref<200xi32, #tpu.memory_space<vmem>>, %arg6: memref<200xi32, #tpu.memory_space<vmem>>, %arg7: memref<200xi32, #tpu.memory_space<vmem>>, %arg8: memref<3x200x128xf32, #tpu.memory_space<vmem>>, %arg9: memref<128x128xf32, #tpu.memory_space<vmem>>, %arg10: memref<!tpu.dma_semaphore, #tpu.memory_space<semaphore_mem>>, %arg11: memref<!tpu.dma_semaphore, #tpu.memory_space<semaphore_mem>>, %arg12: memref<!tpu.dma_semaphore, #tpu.memory_space<semaphore_mem>>, %arg13: memref<!tpu.dma_semaphore, #tpu.memory_space<semaphore_mem>>, %arg14: memref<!tpu.dma_semaphore, #tpu.memory_space<semaphore_mem>>, %arg15: memref<!tpu.dma_semaphore, #tpu.memory_space<semaphore_mem>>) attributes {dimension_semantics = [#tpu.dimension_semantics<core_parallel>, #tpu.dimension_semantics<subcore_parallel>], iteration_bounds = array<i64: 2, 16>, scalar_prefetch = 0 : i64, scratch_operands = 11 : i64, tpu.core_type = #tpu.core_type<sc_vector_subcore>, window_params = [{transform_indices = #map}, {transform_indices = #map}, {transform_indices = #map}]} {
    %mul3A = arith.constant 2 : i32
    %mul3A_0 = arith.muli %arg1, %mul3A : i32
    %add3A = arith.addi %mul3A_0, %arg0 : i32
    %mul3A_1 = arith.constant 128 : i32
    %mul3A_2 = arith.muli %add3A, %mul3A_1 : i32
    %add3A_3 = arith.constant 0 : i32
    %add3A_4 = arith.addi %mul3A_2, %add3A_3 : i32
    %dma_start3A = arith.constant 0 : i32
    %dma_start3A_5 = tpu.memref_slice %arg2[%add3A_4, %dma_start3A] : memref<4096x200xi32, #tpu.memory_space<hbm>> -> memref<1x200xi32, #tpu.memory_space<hbm>>
    %dma_start3A_6 = tpu.memref_squeeze %dma_start3A_5 : memref<1x200xi32, #tpu.memory_space<hbm>> -> memref<200xi32, #tpu.memory_space<hbm>>
    %dma_start3A_7 = arith.constant 0 : i32
    %dma_start3A_8 = tpu.memref_slice %arg2[%add3A_4, %dma_start3A_7] : memref<4096x200xi32, #tpu.memory_space<hbm>> -> memref<1x200xi32, #tpu.memory_space<hbm>>
    %dma_start3A_9 = tpu.memref_squeeze %dma_start3A_8 : memref<1x200xi32, #tpu.memory_space<hbm>> -> memref<200xi32, #tpu.memory_space<hbm>>
    tpu.enqueue_dma source(%dma_start3A_9 : memref<200xi32, #tpu.memory_space<hbm>>) target(%arg5 : memref<200xi32, #tpu.memory_space<vmem>>) target_semaphore(%arg13 : memref<!tpu.dma_semaphore, #tpu.memory_space<semaphore_mem>>)
    %add3A_10 = arith.constant 1 : i32
    %add3A_11 = arith.addi %mul3A_2, %add3A_10 : i32
    %dma_start3A_12 = arith.constant 0 : i32
    %dma_start3A_13 = tpu.memref_slice %arg2[%add3A_11, %dma_start3A_12] : memref<4096x200xi32, #tpu.memory_space<hbm>> -> memref<1x200xi32, #tpu.memory_space<hbm>>
    %dma_start3A_14 = tpu.memref_squeeze %dma_start3A_13 : memref<1x200xi32, #tpu.memory_space<hbm>> -> memref<200xi32, #tpu.memory_space<hbm>>
    %dma_start3A_15 = arith.constant 0 : i32
    %dma_start3A_16 = tpu.memref_slice %arg2[%add3A_11, %dma_start3A_15] : memref<4096x200xi32, #tpu.memory_space<hbm>> -> memref<1x200xi32, #tpu.memory_space<hbm>>
    %dma_start3A_17 = tpu.memref_squeeze %dma_start3A_16 : memref<1x200xi32, #tpu.memory_space<hbm>> -> memref<200xi32, #tpu.memory_space<hbm>>
    tpu.enqueue_dma source(%dma_start3A_17 : memref<200xi32, #tpu.memory_space<hbm>>) target(%arg6 : memref<200xi32, #tpu.memory_space<vmem>>) target_semaphore(%arg14 : memref<!tpu.dma_semaphore, #tpu.memory_space<semaphore_mem>>)
    %add3A_18 = arith.constant 2 : i32
    %add3A_19 = arith.addi %mul3A_2, %add3A_18 : i32
    %dma_start3A_20 = arith.constant 0 : i32
    %dma_start3A_21 = tpu.memref_slice %arg2[%add3A_19, %dma_start3A_20] : memref<4096x200xi32, #tpu.memory_space<hbm>> -> memref<1x200xi32, #tpu.memory_space<hbm>>
    %dma_start3A_22 = tpu.memref_squeeze %dma_start3A_21 : memref<1x200xi32, #tpu.memory_space<hbm>> -> memref<200xi32, #tpu.memory_space<hbm>>
    %dma_start3A_23 = arith.constant 0 : i32
    %dma_start3A_24 = tpu.memref_slice %arg2[%add3A_19, %dma_start3A_23] : memref<4096x200xi32, #tpu.memory_space<hbm>> -> memref<1x200xi32, #tpu.memory_space<hbm>>
    %dma_start3A_25 = tpu.memref_squeeze %dma_start3A_24 : memref<1x200xi32, #tpu.memory_space<hbm>> -> memref<200xi32, #tpu.memory_space<hbm>>
    tpu.enqueue_dma source(%dma_start3A_25 : memref<200xi32, #tpu.memory_space<hbm>>) target(%arg7 : memref<200xi32, #tpu.memory_space<vmem>>) target_semaphore(%arg15 : memref<!tpu.dma_semaphore, #tpu.memory_space<semaphore_mem>>)
    %add3A_26 = arith.constant 0 : i32
    %add3A_27 = arith.addi %mul3A_2, %add3A_26 : i32
    %dma_wait3A = arith.constant 0 : i32
    %dma_wait3A_28 = tpu.memref_slice %arg2[%add3A_27, %dma_wait3A] : memref<4096x200xi32, #tpu.memory_space<hbm>> -> memref<1x200xi32, #tpu.memory_space<hbm>>
    %dma_wait3A_29 = tpu.memref_squeeze %dma_wait3A_28 : memref<1x200xi32, #tpu.memory_space<hbm>> -> memref<200xi32, #tpu.memory_space<hbm>>
    %dma_wait3A_30 = arith.constant 0 : i32
    %dma_wait3A_31 = tpu.memref_slice %arg2[%add3A_27, %dma_wait3A_30] : memref<4096x200xi32, #tpu.memory_space<hbm>> -> memref<1x200xi32, #tpu.memory_space<hbm>>
    %dma_wait3A_32 = tpu.memref_squeeze %dma_wait3A_31 : memref<1x200xi32, #tpu.memory_space<hbm>> -> memref<200xi32, #tpu.memory_space<hbm>>
    tpu.wait_dma2 semaphore(%arg13 : memref<!tpu.dma_semaphore, #tpu.memory_space<semaphore_mem>>) src(%dma_wait3A_32 : memref<200xi32, #tpu.memory_space<hbm>>) dst(%arg5 : memref<200xi32, #tpu.memory_space<vmem>>)
    %dma_start3A_33 = arith.constant 0 : i32
    %dma_start3A_34 = arith.constant 0 : i32
    %dma_start3A_35 = arith.constant 0 : i32
    %dma_start3A_36 = tpu.memref_slice %arg8[%dma_start3A_33, %dma_start3A_34, %dma_start3A_35] : memref<3x200x128xf32, #tpu.memory_space<vmem>> -> memref<1x104x128xf32, #tpu.memory_space<vmem>>
    %dma_start3A_37 = tpu.memref_squeeze %dma_start3A_36 : memref<1x104x128xf32, #tpu.memory_space<vmem>> -> memref<104x128xf32, #tpu.memory_space<vmem>>
    %dma_start3A_38 = arith.constant 0 : i32
    %dma_start3A_39 = tpu.memref_slice %arg5[%dma_start3A_38] : memref<200xi32, #tpu.memory_space<vmem>> -> memref<104xi32, #tpu.memory_space<vmem>>
    %dma_start3A_40 = arith.constant 0 : i32
    %dma_start3A_41 = arith.constant 0 : i32
    %dma_start3A_42 = tpu.memref_slice %arg3[%dma_start3A_40, %dma_start3A_41] : memref<100000x128xf32, #tpu.memory_space<hbm>> -> memref<100000x128xf32, #tpu.memory_space<hbm>>
    tpu.enqueue_indirect_dma source(%dma_start3A_42 : memref<100000x128xf32, #tpu.memory_space<hbm>>) target(%dma_start3A_37 : memref<104x128xf32, #tpu.memory_space<vmem>>) offsets(%dma_start3A_39 : memref<104xi32, #tpu.memory_space<vmem>>) semaphore(%arg10 : memref<!tpu.dma_semaphore, #tpu.memory_space<semaphore_mem>>)
    %dma_start3A_43 = arith.constant 0 : i32
    %dma_start3A_44 = arith.constant 104 : i32
    %dma_start3A_45 = arith.constant 0 : i32
    %dma_start3A_46 = tpu.memref_slice %arg8[%dma_start3A_43, %dma_start3A_44, %dma_start3A_45] : memref<3x200x128xf32, #tpu.memory_space<vmem>> -> memref<1x96x128xf32, #tpu.memory_space<vmem>>
    %dma_start3A_47 = tpu.memref_squeeze %dma_start3A_46 : memref<1x96x128xf32, #tpu.memory_space<vmem>> -> memref<96x128xf32, #tpu.memory_space<vmem>>
    %dma_start3A_48 = arith.constant 104 : i32
    %dma_start3A_49 = tpu.memref_slice %arg5[%dma_start3A_48] : memref<200xi32, #tpu.memory_space<vmem>> -> memref<96xi32, #tpu.memory_space<vmem>>
    %dma_start3A_50 = arith.constant 0 : i32
    %dma_start3A_51 = arith.constant 0 : i32
    %dma_start3A_52 = tpu.memref_slice %arg3[%dma_start3A_50, %dma_start3A_51] : memref<100000x128xf32, #tpu.memory_space<hbm>> -> memref<100000x128xf32, #tpu.memory_space<hbm>>
    tpu.enqueue_indirect_dma source(%dma_start3A_52 : memref<100000x128xf32, #tpu.memory_space<hbm>>) target(%dma_start3A_47 : memref<96x128xf32, #tpu.memory_space<vmem>>) offsets(%dma_start3A_49 : memref<96xi32, #tpu.memory_space<vmem>>) semaphore(%arg10 : memref<!tpu.dma_semaphore, #tpu.memory_space<semaphore_mem>>)
    %add3A_53 = arith.constant 1 : i32
    %add3A_54 = arith.addi %mul3A_2, %add3A_53 : i32
    %dma_wait3A_55 = arith.constant 0 : i32
    %dma_wait3A_56 = tpu.memref_slice %arg2[%add3A_54, %dma_wait3A_55] : memref<4096x200xi32, #tpu.memory_space<hbm>> -> memref<1x200xi32, #tpu.memory_space<hbm>>
    %dma_wait3A_57 = tpu.memref_squeeze %dma_wait3A_56 : memref<1x200xi32, #tpu.memory_space<hbm>> -> memref<200xi32, #tpu.memory_space<hbm>>
    %dma_wait3A_58 = arith.constant 0 : i32
    %dma_wait3A_59 = tpu.memref_slice %arg2[%add3A_54, %dma_wait3A_58] : memref<4096x200xi32, #tpu.memory_space<hbm>> -> memref<1x200xi32, #tpu.memory_space<hbm>>
    %dma_wait3A_60 = tpu.memref_squeeze %dma_wait3A_59 : memref<1x200xi32, #tpu.memory_space<hbm>> -> memref<200xi32, #tpu.memory_space<hbm>>
    tpu.wait_dma2 semaphore(%arg14 : memref<!tpu.dma_semaphore, #tpu.memory_space<semaphore_mem>>) src(%dma_wait3A_60 : memref<200xi32, #tpu.memory_space<hbm>>) dst(%arg6 : memref<200xi32, #tpu.memory_space<vmem>>)
    %dma_start3A_61 = arith.constant 1 : i32
    %dma_start3A_62 = arith.constant 0 : i32
    %dma_start3A_63 = arith.constant 0 : i32
    %dma_start3A_64 = tpu.memref_slice %arg8[%dma_start3A_61, %dma_start3A_62, %dma_start3A_63] : memref<3x200x128xf32, #tpu.memory_space<vmem>> -> memref<1x104x128xf32, #tpu.memory_space<vmem>>
    %dma_start3A_65 = tpu.memref_squeeze %dma_start3A_64 : memref<1x104x128xf32, #tpu.memory_space<vmem>> -> memref<104x128xf32, #tpu.memory_space<vmem>>
    %dma_start3A_66 = arith.constant 0 : i32
    %dma_start3A_67 = tpu.memref_slice %arg6[%dma_start3A_66] : memref<200xi32, #tpu.memory_space<vmem>> -> memref<104xi32, #tpu.memory_space<vmem>>
    %dma_start3A_68 = arith.constant 0 : i32
    %dma_start3A_69 = arith.constant 0 : i32
    %dma_start3A_70 = tpu.memref_slice %arg3[%dma_start3A_68, %dma_start3A_69] : memref<100000x128xf32, #tpu.memory_space<hbm>> -> memref<100000x128xf32, #tpu.memory_space<hbm>>
    tpu.enqueue_indirect_dma source(%dma_start3A_70 : memref<100000x128xf32, #tpu.memory_space<hbm>>) target(%dma_start3A_65 : memref<104x128xf32, #tpu.memory_space<vmem>>) offsets(%dma_start3A_67 : memref<104xi32, #tpu.memory_space<vmem>>) semaphore(%arg11 : memref<!tpu.dma_semaphore, #tpu.memory_space<semaphore_mem>>)
    %dma_start3A_71 = arith.constant 1 : i32
    %dma_start3A_72 = arith.constant 104 : i32
    %dma_start3A_73 = arith.constant 0 : i32
    %dma_start3A_74 = tpu.memref_slice %arg8[%dma_start3A_71, %dma_start3A_72, %dma_start3A_73] : memref<3x200x128xf32, #tpu.memory_space<vmem>> -> memref<1x96x128xf32, #tpu.memory_space<vmem>>
    %dma_start3A_75 = tpu.memref_squeeze %dma_start3A_74 : memref<1x96x128xf32, #tpu.memory_space<vmem>> -> memref<96x128xf32, #tpu.memory_space<vmem>>
    %dma_start3A_76 = arith.constant 104 : i32
    %dma_start3A_77 = tpu.memref_slice %arg6[%dma_start3A_76] : memref<200xi32, #tpu.memory_space<vmem>> -> memref<96xi32, #tpu.memory_space<vmem>>
    %dma_start3A_78 = arith.constant 0 : i32
    %dma_start3A_79 = arith.constant 0 : i32
    %dma_start3A_80 = tpu.memref_slice %arg3[%dma_start3A_78, %dma_start3A_79] : memref<100000x128xf32, #tpu.memory_space<hbm>> -> memref<100000x128xf32, #tpu.memory_space<hbm>>
    tpu.enqueue_indirect_dma source(%dma_start3A_80 : memref<100000x128xf32, #tpu.memory_space<hbm>>) target(%dma_start3A_75 : memref<96x128xf32, #tpu.memory_space<vmem>>) offsets(%dma_start3A_77 : memref<96xi32, #tpu.memory_space<vmem>>) semaphore(%arg11 : memref<!tpu.dma_semaphore, #tpu.memory_space<semaphore_mem>>)
    %add3A_81 = arith.constant 2 : i32
    %add3A_82 = arith.addi %mul3A_2, %add3A_81 : i32
    %dma_wait3A_83 = arith.constant 0 : i32
    %dma_wait3A_84 = tpu.memref_slice %arg2[%add3A_82, %dma_wait3A_83] : memref<4096x200xi32, #tpu.memory_space<hbm>> -> memref<1x200xi32, #tpu.memory_space<hbm>>
    %dma_wait3A_85 = tpu.memref_squeeze %dma_wait3A_84 : memref<1x200xi32, #tpu.memory_space<hbm>> -> memref<200xi32, #tpu.memory_space<hbm>>
    %dma_wait3A_86 = arith.constant 0 : i32
    %dma_wait3A_87 = tpu.memref_slice %arg2[%add3A_82, %dma_wait3A_86] : memref<4096x200xi32, #tpu.memory_space<hbm>> -> memref<1x200xi32, #tpu.memory_space<hbm>>
    %dma_wait3A_88 = tpu.memref_squeeze %dma_wait3A_87 : memref<1x200xi32, #tpu.memory_space<hbm>> -> memref<200xi32, #tpu.memory_space<hbm>>
    tpu.wait_dma2 semaphore(%arg15 : memref<!tpu.dma_semaphore, #tpu.memory_space<semaphore_mem>>) src(%dma_wait3A_88 : memref<200xi32, #tpu.memory_space<hbm>>) dst(%arg7 : memref<200xi32, #tpu.memory_space<vmem>>)
    %dma_start3A_89 = arith.constant 2 : i32
    %dma_start3A_90 = arith.constant 0 : i32
    %dma_start3A_91 = arith.constant 0 : i32
    %dma_start3A_92 = tpu.memref_slice %arg8[%dma_start3A_89, %dma_start3A_90, %dma_start3A_91] : memref<3x200x128xf32, #tpu.memory_space<vmem>> -> memref<1x104x128xf32, #tpu.memory_space<vmem>>
    %dma_start3A_93 = tpu.memref_squeeze %dma_start3A_92 : memref<1x104x128xf32, #tpu.memory_space<vmem>> -> memref<104x128xf32, #tpu.memory_space<vmem>>
    %dma_start3A_94 = arith.constant 0 : i32
    %dma_start3A_95 = tpu.memref_slice %arg7[%dma_start3A_94] : memref<200xi32, #tpu.memory_space<vmem>> -> memref<104xi32, #tpu.memory_space<vmem>>
    %dma_start3A_96 = arith.constant 0 : i32
    %dma_start3A_97 = arith.constant 0 : i32
    %dma_start3A_98 = tpu.memref_slice %arg3[%dma_start3A_96, %dma_start3A_97] : memref<100000x128xf32, #tpu.memory_space<hbm>> -> memref<100000x128xf32, #tpu.memory_space<hbm>>
    tpu.enqueue_indirect_dma source(%dma_start3A_98 : memref<100000x128xf32, #tpu.memory_space<hbm>>) target(%dma_start3A_93 : memref<104x128xf32, #tpu.memory_space<vmem>>) offsets(%dma_start3A_95 : memref<104xi32, #tpu.memory_space<vmem>>) semaphore(%arg12 : memref<!tpu.dma_semaphore, #tpu.memory_space<semaphore_mem>>)
    %dma_start3A_99 = arith.constant 2 : i32
    %dma_start3A_100 = arith.constant 104 : i32
    %dma_start3A_101 = arith.constant 0 : i32
    %dma_start3A_102 = tpu.memref_slice %arg8[%dma_start3A_99, %dma_start3A_100, %dma_start3A_101] : memref<3x200x128xf32, #tpu.memory_space<vmem>> -> memref<1x96x128xf32, #tpu.memory_space<vmem>>
    %dma_start3A_103 = tpu.memref_squeeze %dma_start3A_102 : memref<1x96x128xf32, #tpu.memory_space<vmem>> -> memref<96x128xf32, #tpu.memory_space<vmem>>
    %dma_start3A_104 = arith.constant 104 : i32
    %dma_start3A_105 = tpu.memref_slice %arg7[%dma_start3A_104] : memref<200xi32, #tpu.memory_space<vmem>> -> memref<96xi32, #tpu.memory_space<vmem>>
    %dma_start3A_106 = arith.constant 0 : i32
    %dma_start3A_107 = arith.constant 0 : i32
    %dma_start3A_108 = tpu.memref_slice %arg3[%dma_start3A_106, %dma_start3A_107] : memref<100000x128xf32, #tpu.memory_space<hbm>> -> memref<100000x128xf32, #tpu.memory_space<hbm>>
    tpu.enqueue_indirect_dma source(%dma_start3A_108 : memref<100000x128xf32, #tpu.memory_space<hbm>>) target(%dma_start3A_103 : memref<96x128xf32, #tpu.memory_space<vmem>>) offsets(%dma_start3A_105 : memref<96xi32, #tpu.memory_space<vmem>>) semaphore(%arg12 : memref<!tpu.dma_semaphore, #tpu.memory_space<semaphore_mem>>)
    %scan3A = arith.constant 0 : i32
    %scan3A_109 = arith.constant 0 : i32
    %scan3A_110 = arith.constant 42 : i32
    %scan3A_111 = arith.addi %scan3A_109, %scan3A_110 : i32
    %scan3A_112 = arith.constant 1 : i32
    scf.for %scan3A_292 = %scan3A_109 to %scan3A_111 step %scan3A_112  : i32 {
      %mul3A_293 = arith.constant 3 : i32
      %mul3A_294 = arith.muli %mul3A_293, %scan3A_292 : i32
      %add3A_295 = arith.constant 0 : i32
      %add3A_296 = arith.addi %mul3A_294, %add3A_295 : i32
      %dma_wait3A_297 = arith.constant 0 : i32
      %dma_wait3A_298 = arith.constant 0 : i32
      %dma_wait3A_299 = arith.constant 0 : i32
      %dma_wait3A_300 = tpu.memref_slice %arg8[%dma_wait3A_297, %dma_wait3A_298, %dma_wait3A_299] : memref<3x200x128xf32, #tpu.memory_space<vmem>> -> memref<1x104x128xf32, #tpu.memory_space<vmem>>
      %dma_wait3A_301 = tpu.memref_squeeze %dma_wait3A_300 : memref<1x104x128xf32, #tpu.memory_space<vmem>> -> memref<104x128xf32, #tpu.memory_space<vmem>>
      %dma_wait3A_302 = arith.constant 0 : i32
      %dma_wait3A_303 = tpu.memref_slice %arg5[%dma_wait3A_302] : memref<200xi32, #tpu.memory_space<vmem>> -> memref<104xi32, #tpu.memory_space<vmem>>
      %dma_wait3A_304 = arith.constant 0 : i32
      %dma_wait3A_305 = arith.constant 0 : i32
      %dma_wait3A_306 = tpu.memref_slice %arg3[%dma_wait3A_304, %dma_wait3A_305] : memref<100000x128xf32, #tpu.memory_space<hbm>> -> memref<100000x128xf32, #tpu.memory_space<hbm>>
      tpu.wait_indirect_dma semaphore(%arg10 : memref<!tpu.dma_semaphore, #tpu.memory_space<semaphore_mem>>) src(%dma_wait3A_306 : memref<100000x128xf32, #tpu.memory_space<hbm>>) dst(%dma_wait3A_301 : memref<104x128xf32, #tpu.memory_space<vmem>>)
      %dma_wait3A_307 = arith.constant 0 : i32
      %dma_wait3A_308 = arith.constant 104 : i32
      %dma_wait3A_309 = arith.constant 0 : i32
      %dma_wait3A_310 = tpu.memref_slice %arg8[%dma_wait3A_307, %dma_wait3A_308, %dma_wait3A_309] : memref<3x200x128xf32, #tpu.memory_space<vmem>> -> memref<1x96x128xf32, #tpu.memory_space<vmem>>
      %dma_wait3A_311 = tpu.memref_squeeze %dma_wait3A_310 : memref<1x96x128xf32, #tpu.memory_space<vmem>> -> memref<96x128xf32, #tpu.memory_space<vmem>>
      %dma_wait3A_312 = arith.constant 104 : i32
      %dma_wait3A_313 = tpu.memref_slice %arg5[%dma_wait3A_312] : memref<200xi32, #tpu.memory_space<vmem>> -> memref<96xi32, #tpu.memory_space<vmem>>
      %dma_wait3A_314 = arith.constant 0 : i32
      %dma_wait3A_315 = arith.constant 0 : i32
      %dma_wait3A_316 = tpu.memref_slice %arg3[%dma_wait3A_314, %dma_wait3A_315] : memref<100000x128xf32, #tpu.memory_space<hbm>> -> memref<100000x128xf32, #tpu.memory_space<hbm>>
      tpu.wait_indirect_dma semaphore(%arg10 : memref<!tpu.dma_semaphore, #tpu.memory_space<semaphore_mem>>) src(%dma_wait3A_316 : memref<100000x128xf32, #tpu.memory_space<hbm>>) dst(%dma_wait3A_311 : memref<96x128xf32, #tpu.memory_space<vmem>>)
      %add3A_317 = arith.constant 3 : i32
      %add3A_318 = arith.addi %add3A_296, %add3A_317 : i32
      %lt3A = arith.constant 128 : i32
      %lt3A_319 = arith.cmpi slt, %add3A_318, %lt3A : i32
      %convert_element_type3A = arith.extui %lt3A_319 : i1 to i32
      %cond3A = arith.constant 0 : i32
      %cond3A_320 = arith.cmpi ne, %convert_element_type3A, %cond3A : i32
      scf.if %cond3A_320 {
        %add3A_590 = arith.constant 3 : i32
        %add3A_591 = arith.addi %add3A_296, %add3A_590 : i32
        %add3A_592 = arith.addi %mul3A_2, %add3A_591 : i32
        %dma_start3A_593 = arith.constant 0 : i32
        %dma_start3A_594 = tpu.memref_slice %arg2[%add3A_592, %dma_start3A_593] : memref<4096x200xi32, #tpu.memory_space<hbm>> -> memref<1x200xi32, #tpu.memory_space<hbm>>
        %dma_start3A_595 = tpu.memref_squeeze %dma_start3A_594 : memref<1x200xi32, #tpu.memory_space<hbm>> -> memref<200xi32, #tpu.memory_space<hbm>>
        %dma_start3A_596 = arith.constant 0 : i32
        %dma_start3A_597 = tpu.memref_slice %arg2[%add3A_592, %dma_start3A_596] : memref<4096x200xi32, #tpu.memory_space<hbm>> -> memref<1x200xi32, #tpu.memory_space<hbm>>
        %dma_start3A_598 = tpu.memref_squeeze %dma_start3A_597 : memref<1x200xi32, #tpu.memory_space<hbm>> -> memref<200xi32, #tpu.memory_space<hbm>>
        tpu.enqueue_dma source(%dma_start3A_598 : memref<200xi32, #tpu.memory_space<hbm>>) target(%arg5 : memref<200xi32, #tpu.memory_space<vmem>>) target_semaphore(%arg13 : memref<!tpu.dma_semaphore, #tpu.memory_space<semaphore_mem>>)
      } else {
      }
      %broadcast_in_dim3A_321 = arith.constant 0.000000e+00 : f32
      %broadcast_in_dim3A_322 = vector.broadcast %broadcast_in_dim3A_321 : f32 to vector<16xf32>
      %broadcast_in_dim3A_323 = arith.constant 0.000000e+00 : f32
      %broadcast_in_dim3A_324 = vector.broadcast %broadcast_in_dim3A_323 : f32 to vector<16xf32>
      %broadcast_in_dim3A_325 = arith.constant 0.000000e+00 : f32
      %broadcast_in_dim3A_326 = vector.broadcast %broadcast_in_dim3A_325 : f32 to vector<16xf32>
      %broadcast_in_dim3A_327 = arith.constant 0.000000e+00 : f32
      %broadcast_in_dim3A_328 = vector.broadcast %broadcast_in_dim3A_327 : f32 to vector<16xf32>
      %broadcast_in_dim3A_329 = arith.constant 0.000000e+00 : f32
      %broadcast_in_dim3A_330 = vector.broadcast %broadcast_in_dim3A_329 : f32 to vector<16xf32>
      %broadcast_in_dim3A_331 = arith.constant 0.000000e+00 : f32
      %broadcast_in_dim3A_332 = vector.broadcast %broadcast_in_dim3A_331 : f32 to vector<16xf32>
      %broadcast_in_dim3A_333 = arith.constant 0.000000e+00 : f32
      %broadcast_in_dim3A_334 = vector.broadcast %broadcast_in_dim3A_333 : f32 to vector<16xf32>
      %broadcast_in_dim3A_335 = arith.constant 0.000000e+00 : f32
      %broadcast_in_dim3A_336 = vector.broadcast %broadcast_in_dim3A_335 : f32 to vector<16xf32>
      %scan3A_337 = arith.constant 0 : i32
      %scan3A_338 = arith.constant 50 : i32
      %scan3A_339 = arith.addi %scan3A_337, %scan3A_338 : i32
      %scan3A_340 = arith.constant 1 : i32
      %scan3A_341:8 = scf.for %scan3A_590 = %scan3A_337 to %scan3A_339 step %scan3A_340 iter_args(%scan3A_591 = %broadcast_in_dim3A_322, %scan3A_592 = %broadcast_in_dim3A_324, %scan3A_593 = %broadcast_in_dim3A_326, %scan3A_594 = %broadcast_in_dim3A_328, %scan3A_595 = %broadcast_in_dim3A_330, %scan3A_596 = %broadcast_in_dim3A_332, %scan3A_597 = %broadcast_in_dim3A_334, %scan3A_598 = %broadcast_in_dim3A_336) -> (vector<16xf32>, vector<16xf32>, vector<16xf32>, vector<16xf32>, vector<16xf32>, vector<16xf32>, vector<16xf32>, vector<16xf32>)  : i32 {
        %mul3A_599 = arith.constant 4 : i32
        %mul3A_600 = arith.muli %mul3A_599, %scan3A_590 : i32
        %get3A = arith.constant 0 : i32
        %get3A_601 = arith.index_cast %get3A : i32 to index
        %get3A_602 = arith.index_cast %mul3A_600 : i32 to index
        %get3A_603 = arith.constant 0 : index
        %get3A_604 = tpu.vector_load %arg8[%get3A_601, %get3A_602, %get3A_603] {strides = array<i32>} : memref<3x200x128xf32, #tpu.memory_space<vmem>>, vector<1x1x16xf32>,
        %get3A_605 = vector.shape_cast %get3A_604 : vector<1x1x16xf32> to vector<16xf32>
        %add3A_606 = arith.constant 1 : i32
        %add3A_607 = arith.addi %mul3A_600, %add3A_606 : i32
        %get3A_608 = arith.constant 0 : i32
        %get3A_609 = arith.index_cast %get3A_608 : i32 to index
        %get3A_610 = arith.index_cast %add3A_607 : i32 to index
        %get3A_611 = arith.constant 0 : index
        %get3A_612 = tpu.vector_load %arg8[%get3A_609, %get3A_610, %get3A_611] {strides = array<i32>} : memref<3x200x128xf32, #tpu.memory_space<vmem>>, vector<1x1x16xf32>,
        %get3A_613 = vector.shape_cast %get3A_612 : vector<1x1x16xf32> to vector<16xf32>
        %add3A_614 = arith.addf %get3A_605, %get3A_613 : vector<16xf32>
        %add3A_615 = arith.constant 2 : i32
        %add3A_616 = arith.addi %mul3A_600, %add3A_615 : i32
        %get3A_617 = arith.constant 0 : i32
        %get3A_618 = arith.index_cast %get3A_617 : i32 to index
        %get3A_619 = arith.index_cast %add3A_616 : i32 to index
        %get3A_620 = arith.constant 0 : index
        %get3A_621 = tpu.vector_load %arg8[%get3A_618, %get3A_619, %get3A_620] {strides = array<i32>} : memref<3x200x128xf32, #tpu.memory_space<vmem>>, vector<1x1x16xf32>,
        %get3A_622 = vector.shape_cast %get3A_621 : vector<1x1x16xf32> to vector<16xf32>
        %add3A_623 = arith.constant 3 : i32
        %add3A_624 = arith.addi %mul3A_600, %add3A_623 : i32
        %get3A_625 = arith.constant 0 : i32
        %get3A_626 = arith.index_cast %get3A_625 : i32 to index
        %get3A_627 = arith.index_cast %add3A_624 : i32 to index
        %get3A_628 = arith.constant 0 : index
        %get3A_629 = tpu.vector_load %arg8[%get3A_626, %get3A_627, %get3A_628] {strides = array<i32>} : memref<3x200x128xf32, #tpu.memory_space<vmem>>, vector<1x1x16xf32>,
        %get3A_630 = vector.shape_cast %get3A_629 : vector<1x1x16xf32> to vector<16xf32>
        %add3A_631 = arith.addf %get3A_622, %get3A_630 : vector<16xf32>
        %add3A_632 = arith.addf %add3A_614, %add3A_631 : vector<16xf32>
        %add3A_633 = arith.addf %scan3A_591, %add3A_632 : vector<16xf32>
        %get3A_634 = arith.constant 0 : i32
        %get3A_635 = arith.index_cast %get3A_634 : i32 to index
        %get3A_636 = arith.index_cast %mul3A_600 : i32 to index
        %get3A_637 = arith.constant 16 : index
        %get3A_638 = tpu.vector_load %arg8[%get3A_635, %get3A_636, %get3A_637] {strides = array<i32>} : memref<3x200x128xf32, #tpu.memory_space<vmem>>, vector<1x1x16xf32>,
        %get3A_639 = vector.shape_cast %get3A_638 : vector<1x1x16xf32> to vector<16xf32>
        %add3A_640 = arith.constant 1 : i32
        %add3A_641 = arith.addi %mul3A_600, %add3A_640 : i32
        %get3A_642 = arith.constant 0 : i32
        %get3A_643 = arith.index_cast %get3A_642 : i32 to index
        %get3A_644 = arith.index_cast %add3A_641 : i32 to index
        %get3A_645 = arith.constant 16 : index
        %get3A_646 = tpu.vector_load %arg8[%get3A_643, %get3A_644, %get3A_645] {strides = array<i32>} : memref<3x200x128xf32, #tpu.memory_space<vmem>>, vector<1x1x16xf32>,
        %get3A_647 = vector.shape_cast %get3A_646 : vector<1x1x16xf32> to vector<16xf32>
        %add3A_648 = arith.addf %get3A_639, %get3A_647 : vector<16xf32>
        %add3A_649 = arith.constant 2 : i32
        %add3A_650 = arith.addi %mul3A_600, %add3A_649 : i32
        %get3A_651 = arith.constant 0 : i32
        %get3A_652 = arith.index_cast %get3A_651 : i32 to index
        %get3A_653 = arith.index_cast %add3A_650 : i32 to index
        %get3A_654 = arith.constant 16 : index
        %get3A_655 = tpu.vector_load %arg8[%get3A_652, %get3A_653, %get3A_654] {strides = array<i32>} : memref<3x200x128xf32, #tpu.memory_space<vmem>>, vector<1x1x16xf32>,
        %get3A_656 = vector.shape_cast %get3A_655 : vector<1x1x16xf32> to vector<16xf32>
        %add3A_657 = arith.constant 3 : i32
        %add3A_658 = arith.addi %mul3A_600, %add3A_657 : i32
        %get3A_659 = arith.constant 0 : i32
        %get3A_660 = arith.index_cast %get3A_659 : i32 to index
        %get3A_661 = arith.index_cast %add3A_658 : i32 to index
        %get3A_662 = arith.constant 16 : index
        %get3A_663 = tpu.vector_load %arg8[%get3A_660, %get3A_661, %get3A_662] {strides = array<i32>} : memref<3x200x128xf32, #tpu.memory_space<vmem>>, vector<1x1x16xf32>,
        %get3A_664 = vector.shape_cast %get3A_663 : vector<1x1x16xf32> to vector<16xf32>
        %add3A_665 = arith.addf %get3A_656, %get3A_664 : vector<16xf32>
        %add3A_666 = arith.addf %add3A_648, %add3A_665 : vector<16xf32>
        %add3A_667 = arith.addf %scan3A_592, %add3A_666 : vector<16xf32>
        %get3A_668 = arith.constant 0 : i32
        %get3A_669 = arith.index_cast %get3A_668 : i32 to index
        %get3A_670 = arith.index_cast %mul3A_600 : i32 to index
        %get3A_671 = arith.constant 32 : index
        %get3A_672 = tpu.vector_load %arg8[%get3A_669, %get3A_670, %get3A_671] {strides = array<i32>} : memref<3x200x128xf32, #tpu.memory_space<vmem>>, vector<1x1x16xf32>,
        %get3A_673 = vector.shape_cast %get3A_672 : vector<1x1x16xf32> to vector<16xf32>
        %add3A_674 = arith.constant 1 : i32
        %add3A_675 = arith.addi %mul3A_600, %add3A_674 : i32
        %get3A_676 = arith.constant 0 : i32
        %get3A_677 = arith.index_cast %get3A_676 : i32 to index
        %get3A_678 = arith.index_cast %add3A_675 : i32 to index
        %get3A_679 = arith.constant 32 : index
        %get3A_680 = tpu.vector_load %arg8[%get3A_677, %get3A_678, %get3A_679] {strides = array<i32>} : memref<3x200x128xf32, #tpu.memory_space<vmem>>, vector<1x1x16xf32>,
        %get3A_681 = vector.shape_cast %get3A_680 : vector<1x1x16xf32> to vector<16xf32>
        %add3A_682 = arith.addf %get3A_673, %get3A_681 : vector<16xf32>
        %add3A_683 = arith.constant 2 : i32
        %add3A_684 = arith.addi %mul3A_600, %add3A_683 : i32
        %get3A_685 = arith.constant 0 : i32
        %get3A_686 = arith.index_cast %get3A_685 : i32 to index
        %get3A_687 = arith.index_cast %add3A_684 : i32 to index
        %get3A_688 = arith.constant 32 : index
        %get3A_689 = tpu.vector_load %arg8[%get3A_686, %get3A_687, %get3A_688] {strides = array<i32>} : memref<3x200x128xf32, #tpu.memory_space<vmem>>, vector<1x1x16xf32>,
        %get3A_690 = vector.shape_cast %get3A_689 : vector<1x1x16xf32> to vector<16xf32>
        %add3A_691 = arith.constant 3 : i32
        %add3A_692 = arith.addi %mul3A_600, %add3A_691 : i32
        %get3A_693 = arith.constant 0 : i32
        %get3A_694 = arith.index_cast %get3A_693 : i32 to index
        %get3A_695 = arith.index_cast %add3A_692 : i32 to index
        %get3A_696 = arith.constant 32 : index
        %get3A_697 = tpu.vector_load %arg8[%get3A_694, %get3A_695, %get3A_696] {strides = array<i32>} : memref<3x200x128xf32, #tpu.memory_space<vmem>>, vector<1x1x16xf32>,
        %get3A_698 = vector.shape_cast %get3A_697 : vector<1x1x16xf32> to vector<16xf32>
        %add3A_699 = arith.addf %get3A_690, %get3A_698 : vector<16xf32>
        %add3A_700 = arith.addf %add3A_682, %add3A_699 : vector<16xf32>
        %add3A_701 = arith.addf %scan3A_593, %add3A_700 : vector<16xf32>
        %get3A_702 = arith.constant 0 : i32
        %get3A_703 = arith.index_cast %get3A_702 : i32 to index
        %get3A_704 = arith.index_cast %mul3A_600 : i32 to index
        %get3A_705 = arith.constant 48 : index
        %get3A_706 = tpu.vector_load %arg8[%get3A_703, %get3A_704, %get3A_705] {strides = array<i32>} : memref<3x200x128xf32, #tpu.memory_space<vmem>>, vector<1x1x16xf32>,
        %get3A_707 = vector.shape_cast %get3A_706 : vector<1x1x16xf32> to vector<16xf32>
        %add3A_708 = arith.constant 1 : i32
        %add3A_709 = arith.addi %mul3A_600, %add3A_708 : i32
        %get3A_710 = arith.constant 0 : i32
        %get3A_711 = arith.index_cast %get3A_710 : i32 to index
        %get3A_712 = arith.index_cast %add3A_709 : i32 to index
        %get3A_713 = arith.constant 48 : index
        %get3A_714 = tpu.vector_load %arg8[%get3A_711, %get3A_712, %get3A_713] {strides = array<i32>} : memref<3x200x128xf32, #tpu.memory_space<vmem>>, vector<1x1x16xf32>,
        %get3A_715 = vector.shape_cast %get3A_714 : vector<1x1x16xf32> to vector<16xf32>
        %add3A_716 = arith.addf %get3A_707, %get3A_715 : vector<16xf32>
        %add3A_717 = arith.constant 2 : i32
        %add3A_718 = arith.addi %mul3A_600, %add3A_717 : i32
        %get3A_719 = arith.constant 0 : i32
        %get3A_720 = arith.index_cast %get3A_719 : i32 to index
        %get3A_721 = arith.index_cast %add3A_718 : i32 to index
        %get3A_722 = arith.constant 48 : index
        %get3A_723 = tpu.vector_load %arg8[%get3A_720, %get3A_721, %get3A_722] {strides = array<i32>} : memref<3x200x128xf32, #tpu.memory_space<vmem>>, vector<1x1x16xf32>,
        %get3A_724 = vector.shape_cast %get3A_723 : vector<1x1x16xf32> to vector<16xf32>
        %add3A_725 = arith.constant 3 : i32
        %add3A_726 = arith.addi %mul3A_600, %add3A_725 : i32
        %get3A_727 = arith.constant 0 : i32
        %get3A_728 = arith.index_cast %get3A_727 : i32 to index
        %get3A_729 = arith.index_cast %add3A_726 : i32 to index
        %get3A_730 = arith.constant 48 : index
        %get3A_731 = tpu.vector_load %arg8[%get3A_728, %get3A_729, %get3A_730] {strides = array<i32>} : memref<3x200x128xf32, #tpu.memory_space<vmem>>, vector<1x1x16xf32>,
        %get3A_732 = vector.shape_cast %get3A_731 : vector<1x1x16xf32> to vector<16xf32>
        %add3A_733 = arith.addf %get3A_724, %get3A_732 : vector<16xf32>
        %add3A_734 = arith.addf %add3A_716, %add3A_733 : vector<16xf32>
        %add3A_735 = arith.addf %scan3A_594, %add3A_734 : vector<16xf32>
        %get3A_736 = arith.constant 0 : i32
        %get3A_737 = arith.index_cast %get3A_736 : i32 to index
        %get3A_738 = arith.index_cast %mul3A_600 : i32 to index
        %get3A_739 = arith.constant 64 : index
        %get3A_740 = tpu.vector_load %arg8[%get3A_737, %get3A_738, %get3A_739] {strides = array<i32>} : memref<3x200x128xf32, #tpu.memory_space<vmem>>, vector<1x1x16xf32>,
        %get3A_741 = vector.shape_cast %get3A_740 : vector<1x1x16xf32> to vector<16xf32>
        %add3A_742 = arith.constant 1 : i32
        %add3A_743 = arith.addi %mul3A_600, %add3A_742 : i32
        %get3A_744 = arith.constant 0 : i32
        %get3A_745 = arith.index_cast %get3A_744 : i32 to index
        %get3A_746 = arith.index_cast %add3A_743 : i32 to index
        %get3A_747 = arith.constant 64 : index
        %get3A_748 = tpu.vector_load %arg8[%get3A_745, %get3A_746, %get3A_747] {strides = array<i32>} : memref<3x200x128xf32, #tpu.memory_space<vmem>>, vector<1x1x16xf32>,
        %get3A_749 = vector.shape_cast %get3A_748 : vector<1x1x16xf32> to vector<16xf32>
        %add3A_750 = arith.addf %get3A_741, %get3A_749 : vector<16xf32>
        %add3A_751 = arith.constant 2 : i32
        %add3A_752 = arith.addi %mul3A_600, %add3A_751 : i32
        %get3A_753 = arith.constant 0 : i32
        %get3A_754 = arith.index_cast %get3A_753 : i32 to index
        %get3A_755 = arith.index_cast %add3A_752 : i32 to index
        %get3A_756 = arith.constant 64 : index
        %get3A_757 = tpu.vector_load %arg8[%get3A_754, %get3A_755, %get3A_756] {strides = array<i32>} : memref<3x200x128xf32, #tpu.memory_space<vmem>>, vector<1x1x16xf32>,
        %get3A_758 = vector.shape_cast %get3A_757 : vector<1x1x16xf32> to vector<16xf32>
        %add3A_759 = arith.constant 3 : i32
        %add3A_760 = arith.addi %mul3A_600, %add3A_759 : i32
        %get3A_761 = arith.constant 0 : i32
        %get3A_762 = arith.index_cast %get3A_761 : i32 to index
        %get3A_763 = arith.index_cast %add3A_760 : i32 to index
        %get3A_764 = arith.constant 64 : index
        %get3A_765 = tpu.vector_load %arg8[%get3A_762, %get3A_763, %get3A_764] {strides = array<i32>} : memref<3x200x128xf32, #tpu.memory_space<vmem>>, vector<1x1x16xf32>,
        %get3A_766 = vector.shape_cast %get3A_765 : vector<1x1x16xf32> to vector<16xf32>
        %add3A_767 = arith.addf %get3A_758, %get3A_766 : vector<16xf32>
        %add3A_768 = arith.addf %add3A_750, %add3A_767 : vector<16xf32>
        %add3A_769 = arith.addf %scan3A_595, %add3A_768 : vector<16xf32>
        %get3A_770 = arith.constant 0 : i32
        %get3A_771 = arith.index_cast %get3A_770 : i32 to index
        %get3A_772 = arith.index_cast %mul3A_600 : i32 to index
        %get3A_773 = arith.constant 80 : index
        %get3A_774 = tpu.vector_load %arg8[%get3A_771, %get3A_772, %get3A_773] {strides = array<i32>} : memref<3x200x128xf32, #tpu.memory_space<vmem>>, vector<1x1x16xf32>,
        %get3A_775 = vector.shape_cast %get3A_774 : vector<1x1x16xf32> to vector<16xf32>
        %add3A_776 = arith.constant 1 : i32
        %add3A_777 = arith.addi %mul3A_600, %add3A_776 : i32
        %get3A_778 = arith.constant 0 : i32
        %get3A_779 = arith.index_cast %get3A_778 : i32 to index
        %get3A_780 = arith.index_cast %add3A_777 : i32 to index
        %get3A_781 = arith.constant 80 : index
        %get3A_782 = tpu.vector_load %arg8[%get3A_779, %get3A_780, %get3A_781] {strides = array<i32>} : memref<3x200x128xf32, #tpu.memory_space<vmem>>, vector<1x1x16xf32>,
        %get3A_783 = vector.shape_cast %get3A_782 : vector<1x1x16xf32> to vector<16xf32>
        %add3A_784 = arith.addf %get3A_775, %get3A_783 : vector<16xf32>
        %add3A_785 = arith.constant 2 : i32
        %add3A_786 = arith.addi %mul3A_600, %add3A_785 : i32
        %get3A_787 = arith.constant 0 : i32
        %get3A_788 = arith.index_cast %get3A_787 : i32 to index
        %get3A_789 = arith.index_cast %add3A_786 : i32 to index
        %get3A_790 = arith.constant 80 : index
        %get3A_791 = tpu.vector_load %arg8[%get3A_788, %get3A_789, %get3A_790] {strides = array<i32>} : memref<3x200x128xf32, #tpu.memory_space<vmem>>, vector<1x1x16xf32>,
        %get3A_792 = vector.shape_cast %get3A_791 : vector<1x1x16xf32> to vector<16xf32>
        %add3A_793 = arith.constant 3 : i32
        %add3A_794 = arith.addi %mul3A_600, %add3A_793 : i32
        %get3A_795 = arith.constant 0 : i32
        %get3A_796 = arith.index_cast %get3A_795 : i32 to index
        %get3A_797 = arith.index_cast %add3A_794 : i32 to index
        %get3A_798 = arith.constant 80 : index
        %get3A_799 = tpu.vector_load %arg8[%get3A_796, %get3A_797, %get3A_798] {strides = array<i32>} : memref<3x200x128xf32, #tpu.memory_space<vmem>>, vector<1x1x16xf32>,
        %get3A_800 = vector.shape_cast %get3A_799 : vector<1x1x16xf32> to vector<16xf32>
        %add3A_801 = arith.addf %get3A_792, %get3A_800 : vector<16xf32>
        %add3A_802 = arith.addf %add3A_784, %add3A_801 : vector<16xf32>
        %add3A_803 = arith.addf %scan3A_596, %add3A_802 : vector<16xf32>
        %get3A_804 = arith.constant 0 : i32
        %get3A_805 = arith.index_cast %get3A_804 : i32 to index
        %get3A_806 = arith.index_cast %mul3A_600 : i32 to index
        %get3A_807 = arith.constant 96 : index
        %get3A_808 = tpu.vector_load %arg8[%get3A_805, %get3A_806, %get3A_807] {strides = array<i32>} : memref<3x200x128xf32, #tpu.memory_space<vmem>>, vector<1x1x16xf32>,
        %get3A_809 = vector.shape_cast %get3A_808 : vector<1x1x16xf32> to vector<16xf32>
        %add3A_810 = arith.constant 1 : i32
        %add3A_811 = arith.addi %mul3A_600, %add3A_810 : i32
        %get3A_812 = arith.constant 0 : i32
        %get3A_813 = arith.index_cast %get3A_812 : i32 to index
        %get3A_814 = arith.index_cast %add3A_811 : i32 to index
        %get3A_815 = arith.constant 96 : index
        %get3A_816 = tpu.vector_load %arg8[%get3A_813, %get3A_814, %get3A_815] {strides = array<i32>} : memref<3x200x128xf32, #tpu.memory_space<vmem>>, vector<1x1x16xf32>,
        %get3A_817 = vector.shape_cast %get3A_816 : vector<1x1x16xf32> to vector<16xf32>
        %add3A_818 = arith.addf %get3A_809, %get3A_817 : vector<16xf32>
        %add3A_819 = arith.constant 2 : i32
        %add3A_820 = arith.addi %mul3A_600, %add3A_819 : i32
        %get3A_821 = arith.constant 0 : i32
        %get3A_822 = arith.index_cast %get3A_821 : i32 to index
        %get3A_823 = arith.index_cast %add3A_820 : i32 to index
        %get3A_824 = arith.constant 96 : index
        %get3A_825 = tpu.vector_load %arg8[%get3A_822, %get3A_823, %get3A_824] {strides = array<i32>} : memref<3x200x128xf32, #tpu.memory_space<vmem>>, vector<1x1x16xf32>,
        %get3A_826 = vector.shape_cast %get3A_825 : vector<1x1x16xf32> to vector<16xf32>
        %add3A_827 = arith.constant 3 : i32
        %add3A_828 = arith.addi %mul3A_600, %add3A_827 : i32
        %get3A_829 = arith.constant 0 : i32
        %get3A_830 = arith.index_cast %get3A_829 : i32 to index
        %get3A_831 = arith.index_cast %add3A_828 : i32 to index
        %get3A_832 = arith.constant 96 : index
        %get3A_833 = tpu.vector_load %arg8[%get3A_830, %get3A_831, %get3A_832] {strides = array<i32>} : memref<3x200x128xf32, #tpu.memory_space<vmem>>, vector<1x1x16xf32>,
        %get3A_834 = vector.shape_cast %get3A_833 : vector<1x1x16xf32> to vector<16xf32>
        %add3A_835 = arith.addf %get3A_826, %get3A_834 : vector<16xf32>
        %add3A_836 = arith.addf %add3A_818, %add3A_835 : vector<16xf32>
        %add3A_837 = arith.addf %scan3A_597, %add3A_836 : vector<16xf32>
        %get3A_838 = arith.constant 0 : i32
        %get3A_839 = arith.index_cast %get3A_838 : i32 to index
        %get3A_840 = arith.index_cast %mul3A_600 : i32 to index
        %get3A_841 = arith.constant 112 : index
        %get3A_842 = tpu.vector_load %arg8[%get3A_839, %get3A_840, %get3A_841] {strides = array<i32>} : memref<3x200x128xf32, #tpu.memory_space<vmem>>, vector<1x1x16xf32>,
        %get3A_843 = vector.shape_cast %get3A_842 : vector<1x1x16xf32> to vector<16xf32>
        %add3A_844 = arith.constant 1 : i32
        %add3A_845 = arith.addi %mul3A_600, %add3A_844 : i32
        %get3A_846 = arith.constant 0 : i32
        %get3A_847 = arith.index_cast %get3A_846 : i32 to index
        %get3A_848 = arith.index_cast %add3A_845 : i32 to index
        %get3A_849 = arith.constant 112 : index
        %get3A_850 = tpu.vector_load %arg8[%get3A_847, %get3A_848, %get3A_849] {strides = array<i32>} : memref<3x200x128xf32, #tpu.memory_space<vmem>>, vector<1x1x16xf32>,
        %get3A_851 = vector.shape_cast %get3A_850 : vector<1x1x16xf32> to vector<16xf32>
        %add3A_852 = arith.addf %get3A_843, %get3A_851 : vector<16xf32>
        %add3A_853 = arith.constant 2 : i32
        %add3A_854 = arith.addi %mul3A_600, %add3A_853 : i32
        %get3A_855 = arith.constant 0 : i32
        %get3A_856 = arith.index_cast %get3A_855 : i32 to index
        %get3A_857 = arith.index_cast %add3A_854 : i32 to index
        %get3A_858 = arith.constant 112 : index
        %get3A_859 = tpu.vector_load %arg8[%get3A_856, %get3A_857, %get3A_858] {strides = array<i32>} : memref<3x200x128xf32, #tpu.memory_space<vmem>>, vector<1x1x16xf32>,
        %get3A_860 = vector.shape_cast %get3A_859 : vector<1x1x16xf32> to vector<16xf32>
        %add3A_861 = arith.constant 3 : i32
        %add3A_862 = arith.addi %mul3A_600, %add3A_861 : i32
        %get3A_863 = arith.constant 0 : i32
        %get3A_864 = arith.index_cast %get3A_863 : i32 to index
        %get3A_865 = arith.index_cast %add3A_862 : i32 to index
        %get3A_866 = arith.constant 112 : index
        %get3A_867 = tpu.vector_load %arg8[%get3A_864, %get3A_865, %get3A_866] {strides = array<i32>} : memref<3x200x128xf32, #tpu.memory_space<vmem>>, vector<1x1x16xf32>,
        %get3A_868 = vector.shape_cast %get3A_867 : vector<1x1x16xf32> to vector<16xf32>
        %add3A_869 = arith.addf %get3A_860, %get3A_868 : vector<16xf32>
        %add3A_870 = arith.addf %add3A_852, %add3A_869 : vector<16xf32>
        %add3A_871 = arith.addf %scan3A_598, %add3A_870 : vector<16xf32>
        scf.yield %add3A_633, %add3A_667, %add3A_701, %add3A_735, %add3A_769, %add3A_803, %add3A_837, %add3A_871 : vector<16xf32>, vector<16xf32>, vector<16xf32>, vector<16xf32>, vector<16xf32>, vector<16xf32>, vector<16xf32>, vector<16xf32>
      }
      %scan3A_342 = arith.constant 50 : i32
      %swap3A_343 = arith.index_cast %add3A_296 : i32 to index
      %swap3A_344 = arith.constant 0 : index
      %swap3A_345 = tpu.vector_load %arg9[%swap3A_343, %swap3A_344] {strides = array<i32>} : memref<128x128xf32, #tpu.memory_space<vmem>>, vector<1x16xf32>,
      %swap3A_346 = vector.shape_cast %swap3A_345 : vector<1x16xf32> to vector<16xf32>
      %swap3A_347 = vector.shape_cast %scan3A_341#0 : vector<16xf32> to vector<1x16xf32>
      tpu.vector_store %arg9[%swap3A_343, %swap3A_344], %swap3A_347 {strides = array<i32>} : memref<128x128xf32, #tpu.memory_space<vmem>>, vector<1x16xf32>,
      %swap3A_348 = arith.index_cast %add3A_296 : i32 to index
      %swap3A_349 = arith.constant 16 : index
      %swap3A_350 = tpu.vector_load %arg9[%swap3A_348, %swap3A_349] {strides = array<i32>} : memref<128x128xf32, #tpu.memory_space<vmem>>, vector<1x16xf32>,
      %swap3A_351 = vector.shape_cast %swap3A_350 : vector<1x16xf32> to vector<16xf32>
      %swap3A_352 = vector.shape_cast %scan3A_341#1 : vector<16xf32> to vector<1x16xf32>
      tpu.vector_store %arg9[%swap3A_348, %swap3A_349], %swap3A_352 {strides = array<i32>} : memref<128x128xf32, #tpu.memory_space<vmem>>, vector<1x16xf32>,
      %swap3A_353 = arith.index_cast %add3A_296 : i32 to index
      %swap3A_354 = arith.constant 32 : index
      %swap3A_355 = tpu.vector_load %arg9[%swap3A_353, %swap3A_354] {strides = array<i32>} : memref<128x128xf32, #tpu.memory_space<vmem>>, vector<1x16xf32>,
      %swap3A_356 = vector.shape_cast %swap3A_355 : vector<1x16xf32> to vector<16xf32>
      %swap3A_357 = vector.shape_cast %scan3A_341#2 : vector<16xf32> to vector<1x16xf32>
      tpu.vector_store %arg9[%swap3A_353, %swap3A_354], %swap3A_357 {strides = array<i32>} : memref<128x128xf32, #tpu.memory_space<vmem>>, vector<1x16xf32>,
      %swap3A_358 = arith.index_cast %add3A_296 : i32 to index
      %swap3A_359 = arith.constant 48 : index
      %swap3A_360 = tpu.vector_load %arg9[%swap3A_358, %swap3A_359] {strides = array<i32>} : memref<128x128xf32, #tpu.memory_space<vmem>>, vector<1x16xf32>,
      %swap3A_361 = vector.shape_cast %swap3A_360 : vector<1x16xf32> to vector<16xf32>
      %swap3A_362 = vector.shape_cast %scan3A_341#3 : vector<16xf32> to vector<1x16xf32>
      tpu.vector_store %arg9[%swap3A_358, %swap3A_359], %swap3A_362 {strides = array<i32>} : memref<128x128xf32, #tpu.memory_space<vmem>>, vector<1x16xf32>,
      %swap3A_363 = arith.index_cast %add3A_296 : i32 to index
      %swap3A_364 = arith.constant 64 : index
      %swap3A_365 = tpu.vector_load %arg9[%swap3A_363, %swap3A_364] {strides = array<i32>} : memref<128x128xf32, #tpu.memory_space<vmem>>, vector<1x16xf32>,
      %swap3A_366 = vector.shape_cast %swap3A_365 : vector<1x16xf32> to vector<16xf32>
      %swap3A_367 = vector.shape_cast %scan3A_341#4 : vector<16xf32> to vector<1x16xf32>
      tpu.vector_store %arg9[%swap3A_363, %swap3A_364], %swap3A_367 {strides = array<i32>} : memref<128x128xf32, #tpu.memory_space<vmem>>, vector<1x16xf32>,
      %swap3A_368 = arith.index_cast %add3A_296 : i32 to index
      %swap3A_369 = arith.constant 80 : index
      %swap3A_370 = tpu.vector_load %arg9[%swap3A_368, %swap3A_369] {strides = array<i32>} : memref<128x128xf32, #tpu.memory_space<vmem>>, vector<1x16xf32>,
      %swap3A_371 = vector.shape_cast %swap3A_370 : vector<1x16xf32> to vector<16xf32>
      %swap3A_372 = vector.shape_cast %scan3A_341#5 : vector<16xf32> to vector<1x16xf32>
      tpu.vector_store %arg9[%swap3A_368, %swap3A_369], %swap3A_372 {strides = array<i32>} : memref<128x128xf32, #tpu.memory_space<vmem>>, vector<1x16xf32>,
      %swap3A_373 = arith.index_cast %add3A_296 : i32 to index
      %swap3A_374 = arith.constant 96 : index
      %swap3A_375 = tpu.vector_load %arg9[%swap3A_373, %swap3A_374] {strides = array<i32>} : memref<128x128xf32, #tpu.memory_space<vmem>>, vector<1x16xf32>,
      %swap3A_376 = vector.shape_cast %swap3A_375 : vector<1x16xf32> to vector<16xf32>
      %swap3A_377 = vector.shape_cast %scan3A_341#6 : vector<16xf32> to vector<1x16xf32>
      tpu.vector_store %arg9[%swap3A_373, %swap3A_374], %swap3A_377 {strides = array<i32>} : memref<128x128xf32, #tpu.memory_space<vmem>>, vector<1x16xf32>,
      %swap3A_378 = arith.index_cast %add3A_296 : i32 to index
      %swap3A_379 = arith.constant 112 : index
      %swap3A_380 = tpu.vector_load %arg9[%swap3A_378, %swap3A_379] {strides = array<i32>} : memref<128x128xf32, #tpu.memory_space<vmem>>, vector<1x16xf32>,
      %swap3A_381 = vector.shape_cast %swap3A_380 : vector<1x16xf32> to vector<16xf32>
      %swap3A_382 = vector.shape_cast %scan3A_341#7 : vector<16xf32> to vector<1x16xf32>
      tpu.vector_store %arg9[%swap3A_378, %swap3A_379], %swap3A_382 {strides = array<i32>} : memref<128x128xf32, #tpu.memory_space<vmem>>, vector<1x16xf32>,
      %add3A_383 = arith.constant 3 : i32
      %add3A_384 = arith.addi %add3A_296, %add3A_383 : i32
      %lt3A_385 = arith.constant 128 : i32
      %lt3A_386 = arith.cmpi slt, %add3A_384, %lt3A_385 : i32
      %convert_element_type3A_387 = arith.extui %lt3A_386 : i1 to i32
      %cond3A_388 = arith.constant 0 : i32
      %cond3A_389 = arith.cmpi ne, %convert_element_type3A_387, %cond3A_388 : i32
      scf.if %cond3A_389 {
        %add3A_590 = arith.constant 3 : i32
        %add3A_591 = arith.addi %add3A_296, %add3A_590 : i32
        %add3A_592 = arith.addi %mul3A_2, %add3A_591 : i32
        %dma_wait3A_593 = arith.constant 0 : i32
        %dma_wait3A_594 = tpu.memref_slice %arg2[%add3A_592, %dma_wait3A_593] : memref<4096x200xi32, #tpu.memory_space<hbm>> -> memref<1x200xi32, #tpu.memory_space<hbm>>
        %dma_wait3A_595 = tpu.memref_squeeze %dma_wait3A_594 : memref<1x200xi32, #tpu.memory_space<hbm>> -> memref<200xi32, #tpu.memory_space<hbm>>
        %dma_wait3A_596 = arith.constant 0 : i32
        %dma_wait3A_597 = tpu.memref_slice %arg2[%add3A_592, %dma_wait3A_596] : memref<4096x200xi32, #tpu.memory_space<hbm>> -> memref<1x200xi32, #tpu.memory_space<hbm>>
        %dma_wait3A_598 = tpu.memref_squeeze %dma_wait3A_597 : memref<1x200xi32, #tpu.memory_space<hbm>> -> memref<200xi32, #tpu.memory_space<hbm>>
        tpu.wait_dma2 semaphore(%arg13 : memref<!tpu.dma_semaphore, #tpu.memory_space<semaphore_mem>>) src(%dma_wait3A_598 : memref<200xi32, #tpu.memory_space<hbm>>) dst(%arg5 : memref<200xi32, #tpu.memory_space<vmem>>)
        %dma_start3A_599 = arith.constant 0 : i32
        %dma_start3A_600 = arith.constant 0 : i32
        %dma_start3A_601 = arith.constant 0 : i32
        %dma_start3A_602 = tpu.memref_slice %arg8[%dma_start3A_599, %dma_start3A_600, %dma_start3A_601] : memref<3x200x128xf32, #tpu.memory_space<vmem>> -> memref<1x104x128xf32, #tpu.memory_space<vmem>>
        %dma_start3A_603 = tpu.memref_squeeze %dma_start3A_602 : memref<1x104x128xf32, #tpu.memory_space<vmem>> -> memref<104x128xf32, #tpu.memory_space<vmem>>
        %dma_start3A_604 = arith.constant 0 : i32
        %dma_start3A_605 = tpu.memref_slice %arg5[%dma_start3A_604] : memref<200xi32, #tpu.memory_space<vmem>> -> memref<104xi32, #tpu.memory_space<vmem>>
        %dma_start3A_606 = arith.constant 0 : i32
        %dma_start3A_607 = arith.constant 0 : i32
        %dma_start3A_608 = tpu.memref_slice %arg3[%dma_start3A_606, %dma_start3A_607] : memref<100000x128xf32, #tpu.memory_space<hbm>> -> memref<100000x128xf32, #tpu.memory_space<hbm>>
        tpu.enqueue_indirect_dma source(%dma_start3A_608 : memref<100000x128xf32, #tpu.memory_space<hbm>>) target(%dma_start3A_603 : memref<104x128xf32, #tpu.memory_space<vmem>>) offsets(%dma_start3A_605 : memref<104xi32, #tpu.memory_space<vmem>>) semaphore(%arg10 : memref<!tpu.dma_semaphore, #tpu.memory_space<semaphore_mem>>)
        %dma_start3A_609 = arith.constant 0 : i32
        %dma_start3A_610 = arith.constant 104 : i32
        %dma_start3A_611 = arith.constant 0 : i32
        %dma_start3A_612 = tpu.memref_slice %arg8[%dma_start3A_609, %dma_start3A_610, %dma_start3A_611] : memref<3x200x128xf32, #tpu.memory_space<vmem>> -> memref<1x96x128xf32, #tpu.memory_space<vmem>>
        %dma_start3A_613 = tpu.memref_squeeze %dma_start3A_612 : memref<1x96x128xf32, #tpu.memory_space<vmem>> -> memref<96x128xf32, #tpu.memory_space<vmem>>
        %dma_start3A_614 = arith.constant 104 : i32
        %dma_start3A_615 = tpu.memref_slice %arg5[%dma_start3A_614] : memref<200xi32, #tpu.memory_space<vmem>> -> memref<96xi32, #tpu.memory_space<vmem>>
        %dma_start3A_616 = arith.constant 0 : i32
        %dma_start3A_617 = arith.constant 0 : i32
        %dma_start3A_618 = tpu.memref_slice %arg3[%dma_start3A_616, %dma_start3A_617] : memref<100000x128xf32, #tpu.memory_space<hbm>> -> memref<100000x128xf32, #tpu.memory_space<hbm>>
        tpu.enqueue_indirect_dma source(%dma_start3A_618 : memref<100000x128xf32, #tpu.memory_space<hbm>>) target(%dma_start3A_613 : memref<96x128xf32, #tpu.memory_space<vmem>>) offsets(%dma_start3A_615 : memref<96xi32, #tpu.memory_space<vmem>>) semaphore(%arg10 : memref<!tpu.dma_semaphore, #tpu.memory_space<semaphore_mem>>)
      } else {
      }
      %mul3A_390 = arith.constant 3 : i32
      %mul3A_391 = arith.muli %mul3A_390, %scan3A_292 : i32
      %add3A_392 = arith.constant 1 : i32
      %add3A_393 = arith.addi %mul3A_391, %add3A_392 : i32
      %dma_wait3A_394 = arith.constant 1 : i32
      %dma_wait3A_395 = arith.constant 0 : i32
      %dma_wait3A_396 = arith.constant 0 : i32
      %dma_wait3A_397 = tpu.memref_slice %arg8[%dma_wait3A_394, %dma_wait3A_395, %dma_wait3A_396] : memref<3x200x128xf32, #tpu.memory_space<vmem>> -> memref<1x104x128xf32, #tpu.memory_space<vmem>>
      %dma_wait3A_398 = tpu.memref_squeeze %dma_wait3A_397 : memref<1x104x128xf32, #tpu.memory_space<vmem>> -> memref<104x128xf32, #tpu.memory_space<vmem>>
      %dma_wait3A_399 = arith.constant 0 : i32
      %dma_wait3A_400 = tpu.memref_slice %arg6[%dma_wait3A_399] : memref<200xi32, #tpu.memory_space<vmem>> -> memref<104xi32, #tpu.memory_space<vmem>>
      %dma_wait3A_401 = arith.constant 0 : i32
      %dma_wait3A_402 = arith.constant 0 : i32
      %dma_wait3A_403 = tpu.memref_slice %arg3[%dma_wait3A_401, %dma_wait3A_402] : memref<100000x128xf32, #tpu.memory_space<hbm>> -> memref<100000x128xf32, #tpu.memory_space<hbm>>
      tpu.wait_indirect_dma semaphore(%arg11 : memref<!tpu.dma_semaphore, #tpu.memory_space<semaphore_mem>>) src(%dma_wait3A_403 : memref<100000x128xf32, #tpu.memory_space<hbm>>) dst(%dma_wait3A_398 : memref<104x128xf32, #tpu.memory_space<vmem>>)
      %dma_wait3A_404 = arith.constant 1 : i32
      %dma_wait3A_405 = arith.constant 104 : i32
      %dma_wait3A_406 = arith.constant 0 : i32
      %dma_wait3A_407 = tpu.memref_slice %arg8[%dma_wait3A_404, %dma_wait3A_405, %dma_wait3A_406] : memref<3x200x128xf32, #tpu.memory_space<vmem>> -> memref<1x96x128xf32, #tpu.memory_space<vmem>>
      %dma_wait3A_408 = tpu.memref_squeeze %dma_wait3A_407 : memref<1x96x128xf32, #tpu.memory_space<vmem>> -> memref<96x128xf32, #tpu.memory_space<vmem>>
      %dma_wait3A_409 = arith.constant 104 : i32
      %dma_wait3A_410 = tpu.memref_slice %arg6[%dma_wait3A_409] : memref<200xi32, #tpu.memory_space<vmem>> -> memref<96xi32, #tpu.memory_space<vmem>>
      %dma_wait3A_411 = arith.constant 0 : i32
      %dma_wait3A_412 = arith.constant 0 : i32
      %dma_wait3A_413 = tpu.memref_slice %arg3[%dma_wait3A_411, %dma_wait3A_412] : memref<100000x128xf32, #tpu.memory_space<hbm>> -> memref<100000x128xf32, #tpu.memory_space<hbm>>
      tpu.wait_indirect_dma semaphore(%arg11 : memref<!tpu.dma_semaphore, #tpu.memory_space<semaphore_mem>>) src(%dma_wait3A_413 : memref<100000x128xf32, #tpu.memory_space<hbm>>) dst(%dma_wait3A_408 : memref<96x128xf32, #tpu.memory_space<vmem>>)
      %add3A_414 = arith.constant 3 : i32
      %add3A_415 = arith.addi %add3A_393, %add3A_414 : i32
      %lt3A_416 = arith.constant 128 : i32
      %lt3A_417 = arith.cmpi slt, %add3A_415, %lt3A_416 : i32
      %convert_element_type3A_418 = arith.extui %lt3A_417 : i1 to i32
      %cond3A_419 = arith.constant 0 : i32
      %cond3A_420 = arith.cmpi ne, %convert_element_type3A_418, %cond3A_419 : i32
      scf.if %cond3A_420 {
        %add3A_590 = arith.constant 3 : i32
        %add3A_591 = arith.addi %add3A_393, %add3A_590 : i32
        %add3A_592 = arith.addi %mul3A_2, %add3A_591 : i32
        %dma_start3A_593 = arith.constant 0 : i32
        %dma_start3A_594 = tpu.memref_slice %arg2[%add3A_592, %dma_start3A_593] : memref<4096x200xi32, #tpu.memory_space<hbm>> -> memref<1x200xi32, #tpu.memory_space<hbm>>
        %dma_start3A_595 = tpu.memref_squeeze %dma_start3A_594 : memref<1x200xi32, #tpu.memory_space<hbm>> -> memref<200xi32, #tpu.memory_space<hbm>>
        %dma_start3A_596 = arith.constant 0 : i32
        %dma_start3A_597 = tpu.memref_slice %arg2[%add3A_592, %dma_start3A_596] : memref<4096x200xi32, #tpu.memory_space<hbm>> -> memref<1x200xi32, #tpu.memory_space<hbm>>
        %dma_start3A_598 = tpu.memref_squeeze %dma_start3A_597 : memref<1x200xi32, #tpu.memory_space<hbm>> -> memref<200xi32, #tpu.memory_space<hbm>>
        tpu.enqueue_dma source(%dma_start3A_598 : memref<200xi32, #tpu.memory_space<hbm>>) target(%arg6 : memref<200xi32, #tpu.memory_space<vmem>>) target_semaphore(%arg14 : memref<!tpu.dma_semaphore, #tpu.memory_space<semaphore_mem>>)
      } else {
      }
      %broadcast_in_dim3A_421 = arith.constant 0.000000e+00 : f32
      %broadcast_in_dim3A_422 = vector.broadcast %broadcast_in_dim3A_421 : f32 to vector<16xf32>
      %broadcast_in_dim3A_423 = arith.constant 0.000000e+00 : f32
      %broadcast_in_dim3A_424 = vector.broadcast %broadcast_in_dim3A_423 : f32 to vector<16xf32>
      %broadcast_in_dim3A_425 = arith.constant 0.000000e+00 : f32
      %broadcast_in_dim3A_426 = vector.broadcast %broadcast_in_dim3A_425 : f32 to vector<16xf32>
      %broadcast_in_dim3A_427 = arith.constant 0.000000e+00 : f32
      %broadcast_in_dim3A_428 = vector.broadcast %broadcast_in_dim3A_427 : f32 to vector<16xf32>
      %broadcast_in_dim3A_429 = arith.constant 0.000000e+00 : f32
      %broadcast_in_dim3A_430 = vector.broadcast %broadcast_in_dim3A_429 : f32 to vector<16xf32>
      %broadcast_in_dim3A_431 = arith.constant 0.000000e+00 : f32
      %broadcast_in_dim3A_432 = vector.broadcast %broadcast_in_dim3A_431 : f32 to vector<16xf32>
      %broadcast_in_dim3A_433 = arith.constant 0.000000e+00 : f32
      %broadcast_in_dim3A_434 = vector.broadcast %broadcast_in_dim3A_433 : f32 to vector<16xf32>
      %broadcast_in_dim3A_435 = arith.constant 0.000000e+00 : f32
      %broadcast_in_dim3A_436 = vector.broadcast %broadcast_in_dim3A_435 : f32 to vector<16xf32>
      %scan3A_437 = arith.constant 0 : i32
      %scan3A_438 = arith.constant 50 : i32
      %scan3A_439 = arith.addi %scan3A_437, %scan3A_438 : i32
      %scan3A_440 = arith.constant 1 : i32
      %scan3A_441:8 = scf.for %scan3A_590 = %scan3A_437 to %scan3A_439 step %scan3A_440 iter_args(%scan3A_591 = %broadcast_in_dim3A_422, %scan3A_592 = %broadcast_in_dim3A_424, %scan3A_593 = %broadcast_in_dim3A_426, %scan3A_594 = %broadcast_in_dim3A_428, %scan3A_595 = %broadcast_in_dim3A_430, %scan3A_596 = %broadcast_in_dim3A_432, %scan3A_597 = %broadcast_in_dim3A_434, %scan3A_598 = %broadcast_in_dim3A_436) -> (vector<16xf32>, vector<16xf32>, vector<16xf32>, vector<16xf32>, vector<16xf32>, vector<16xf32>, vector<16xf32>, vector<16xf32>)  : i32 {
        %mul3A_599 = arith.constant 4 : i32
        %mul3A_600 = arith.muli %mul3A_599, %scan3A_590 : i32
        %get3A = arith.constant 1 : i32
        %get3A_601 = arith.index_cast %get3A : i32 to index
        %get3A_602 = arith.index_cast %mul3A_600 : i32 to index
        %get3A_603 = arith.constant 0 : index
        %get3A_604 = tpu.vector_load %arg8[%get3A_601, %get3A_602, %get3A_603] {strides = array<i32>} : memref<3x200x128xf32, #tpu.memory_space<vmem>>, vector<1x1x16xf32>,
        %get3A_605 = vector.shape_cast %get3A_604 : vector<1x1x16xf32> to vector<16xf32>
        %add3A_606 = arith.constant 1 : i32
        %add3A_607 = arith.addi %mul3A_600, %add3A_606 : i32
        %get3A_608 = arith.constant 1 : i32
        %get3A_609 = arith.index_cast %get3A_608 : i32 to index
        %get3A_610 = arith.index_cast %add3A_607 : i32 to index
        %get3A_611 = arith.constant 0 : index
        %get3A_612 = tpu.vector_load %arg8[%get3A_609, %get3A_610, %get3A_611] {strides = array<i32>} : memref<3x200x128xf32, #tpu.memory_space<vmem>>, vector<1x1x16xf32>,
        %get3A_613 = vector.shape_cast %get3A_612 : vector<1x1x16xf32> to vector<16xf32>
        %add3A_614 = arith.addf %get3A_605, %get3A_613 : vector<16xf32>
        %add3A_615 = arith.constant 2 : i32
        %add3A_616 = arith.addi %mul3A_600, %add3A_615 : i32
        %get3A_617 = arith.constant 1 : i32
        %get3A_618 = arith.index_cast %get3A_617 : i32 to index
        %get3A_619 = arith.index_cast %add3A_616 : i32 to index
        %get3A_620 = arith.constant 0 : index
        %get3A_621 = tpu.vector_load %arg8[%get3A_618, %get3A_619, %get3A_620] {strides = array<i32>} : memref<3x200x128xf32, #tpu.memory_space<vmem>>, vector<1x1x16xf32>,
        %get3A_622 = vector.shape_cast %get3A_621 : vector<1x1x16xf32> to vector<16xf32>
        %add3A_623 = arith.constant 3 : i32
        %add3A_624 = arith.addi %mul3A_600, %add3A_623 : i32
        %get3A_625 = arith.constant 1 : i32
        %get3A_626 = arith.index_cast %get3A_625 : i32 to index
        %get3A_627 = arith.index_cast %add3A_624 : i32 to index
        %get3A_628 = arith.constant 0 : index
        %get3A_629 = tpu.vector_load %arg8[%get3A_626, %get3A_627, %get3A_628] {strides = array<i32>} : memref<3x200x128xf32, #tpu.memory_space<vmem>>, vector<1x1x16xf32>,
        %get3A_630 = vector.shape_cast %get3A_629 : vector<1x1x16xf32> to vector<16xf32>
        %add3A_631 = arith.addf %get3A_622, %get3A_630 : vector<16xf32>
        %add3A_632 = arith.addf %add3A_614, %add3A_631 : vector<16xf32>
        %add3A_633 = arith.addf %scan3A_591, %add3A_632 : vector<16xf32>
        %get3A_634 = arith.constant 1 : i32
        %get3A_635 = arith.index_cast %get3A_634 : i32 to index
        %get3A_636 = arith.index_cast %mul3A_600 : i32 to index
        %get3A_637 = arith.constant 16 : index
        %get3A_638 = tpu.vector_load %arg8[%get3A_635, %get3A_636, %get3A_637] {strides = array<i32>} : memref<3x200x128xf32, #tpu.memory_space<vmem>>, vector<1x1x16xf32>,
        %get3A_639 = vector.shape_cast %get3A_638 : vector<1x1x16xf32> to vector<16xf32>
        %add3A_640 = arith.constant 1 : i32
        %add3A_641 = arith.addi %mul3A_600, %add3A_640 : i32
        %get3A_642 = arith.constant 1 : i32
        %get3A_643 = arith.index_cast %get3A_642 : i32 to index
        %get3A_644 = arith.index_cast %add3A_641 : i32 to index
        %get3A_645 = arith.constant 16 : index
        %get3A_646 = tpu.vector_load %arg8[%get3A_643, %get3A_644, %get3A_645] {strides = array<i32>} : memref<3x200x128xf32, #tpu.memory_space<vmem>>, vector<1x1x16xf32>,
        %get3A_647 = vector.shape_cast %get3A_646 : vector<1x1x16xf32> to vector<16xf32>
        %add3A_648 = arith.addf %get3A_639, %get3A_647 : vector<16xf32>
        %add3A_649 = arith.constant 2 : i32
        %add3A_650 = arith.addi %mul3A_600, %add3A_649 : i32
        %get3A_651 = arith.constant 1 : i32
        %get3A_652 = arith.index_cast %get3A_651 : i32 to index
        %get3A_653 = arith.index_cast %add3A_650 : i32 to index
        %get3A_654 = arith.constant 16 : index
        %get3A_655 = tpu.vector_load %arg8[%get3A_652, %get3A_653, %get3A_654] {strides = array<i32>} : memref<3x200x128xf32, #tpu.memory_space<vmem>>, vector<1x1x16xf32>,
        %get3A_656 = vector.shape_cast %get3A_655 : vector<1x1x16xf32> to vector<16xf32>
        %add3A_657 = arith.constant 3 : i32
        %add3A_658 = arith.addi %mul3A_600, %add3A_657 : i32
        %get3A_659 = arith.constant 1 : i32
        %get3A_660 = arith.index_cast %get3A_659 : i32 to index
        %get3A_661 = arith.index_cast %add3A_658 : i32 to index
        %get3A_662 = arith.constant 16 : index
        %get3A_663 = tpu.vector_load %arg8[%get3A_660, %get3A_661, %get3A_662] {strides = array<i32>} : memref<3x200x128xf32, #tpu.memory_space<vmem>>, vector<1x1x16xf32>,
        %get3A_664 = vector.shape_cast %get3A_663 : vector<1x1x16xf32> to vector<16xf32>
        %add3A_665 = arith.addf %get3A_656, %get3A_664 : vector<16xf32>
        %add3A_666 = arith.addf %add3A_648, %add3A_665 : vector<16xf32>
        %add3A_667 = arith.addf %scan3A_592, %add3A_666 : vector<16xf32>
        %get3A_668 = arith.constant 1 : i32
        %get3A_669 = arith.index_cast %get3A_668 : i32 to index
        %get3A_670 = arith.index_cast %mul3A_600 : i32 to index
        %get3A_671 = arith.constant 32 : index
        %get3A_672 = tpu.vector_load %arg8[%get3A_669, %get3A_670, %get3A_671] {strides = array<i32>} : memref<3x200x128xf32, #tpu.memory_space<vmem>>, vector<1x1x16xf32>,
        %get3A_673 = vector.shape_cast %get3A_672 : vector<1x1x16xf32> to vector<16xf32>
        %add3A_674 = arith.constant 1 : i32
        %add3A_675 = arith.addi %mul3A_600, %add3A_674 : i32
        %get3A_676 = arith.constant 1 : i32
        %get3A_677 = arith.index_cast %get3A_676 : i32 to index
        %get3A_678 = arith.index_cast %add3A_675 : i32 to index
        %get3A_679 = arith.constant 32 : index
        %get3A_680 = tpu.vector_load %arg8[%get3A_677, %get3A_678, %get3A_679] {strides = array<i32>} : memref<3x200x128xf32, #tpu.memory_space<vmem>>, vector<1x1x16xf32>,
        %get3A_681 = vector.shape_cast %get3A_680 : vector<1x1x16xf32> to vector<16xf32>
        %add3A_682 = arith.addf %get3A_673, %get3A_681 : vector<16xf32>
        %add3A_683 = arith.constant 2 : i32
        %add3A_684 = arith.addi %mul3A_600, %add3A_683 : i32
        %get3A_685 = arith.constant 1 : i32
        %get3A_686 = arith.index_cast %get3A_685 : i32 to index
        %get3A_687 = arith.index_cast %add3A_684 : i32 to index
        %get3A_688 = arith.constant 32 : index
        %get3A_689 = tpu.vector_load %arg8[%get3A_686, %get3A_687, %get3A_688] {strides = array<i32>} : memref<3x200x128xf32, #tpu.memory_space<vmem>>, vector<1x1x16xf32>,
        %get3A_690 = vector.shape_cast %get3A_689 : vector<1x1x16xf32> to vector<16xf32>
        %add3A_691 = arith.constant 3 : i32
        %add3A_692 = arith.addi %mul3A_600, %add3A_691 : i32
        %get3A_693 = arith.constant 1 : i32
        %get3A_694 = arith.index_cast %get3A_693 : i32 to index
        %get3A_695 = arith.index_cast %add3A_692 : i32 to index
        %get3A_696 = arith.constant 32 : index
        %get3A_697 = tpu.vector_load %arg8[%get3A_694, %get3A_695, %get3A_696] {strides = array<i32>} : memref<3x200x128xf32, #tpu.memory_space<vmem>>, vector<1x1x16xf32>,
        %get3A_698 = vector.shape_cast %get3A_697 : vector<1x1x16xf32> to vector<16xf32>
        %add3A_699 = arith.addf %get3A_690, %get3A_698 : vector<16xf32>
        %add3A_700 = arith.addf %add3A_682, %add3A_699 : vector<16xf32>
        %add3A_701 = arith.addf %scan3A_593, %add3A_700 : vector<16xf32>
        %get3A_702 = arith.constant 1 : i32
        %get3A_703 = arith.index_cast %get3A_702 : i32 to index
        %get3A_704 = arith.index_cast %mul3A_600 : i32 to index
        %get3A_705 = arith.constant 48 : index
        %get3A_706 = tpu.vector_load %arg8[%get3A_703, %get3A_704, %get3A_705] {strides = array<i32>} : memref<3x200x128xf32, #tpu.memory_space<vmem>>, vector<1x1x16xf32>,
        %get3A_707 = vector.shape_cast %get3A_706 : vector<1x1x16xf32> to vector<16xf32>
        %add3A_708 = arith.constant 1 : i32
        %add3A_709 = arith.addi %mul3A_600, %add3A_708 : i32
        %get3A_710 = arith.constant 1 : i32
        %get3A_711 = arith.index_cast %get3A_710 : i32 to index
        %get3A_712 = arith.index_cast %add3A_709 : i32 to index
        %get3A_713 = arith.constant 48 : index
        %get3A_714 = tpu.vector_load %arg8[%get3A_711, %get3A_712, %get3A_713] {strides = array<i32>} : memref<3x200x128xf32, #tpu.memory_space<vmem>>, vector<1x1x16xf32>,
        %get3A_715 = vector.shape_cast %get3A_714 : vector<1x1x16xf32> to vector<16xf32>
        %add3A_716 = arith.addf %get3A_707, %get3A_715 : vector<16xf32>
        %add3A_717 = arith.constant 2 : i32
        %add3A_718 = arith.addi %mul3A_600, %add3A_717 : i32
        %get3A_719 = arith.constant 1 : i32
        %get3A_720 = arith.index_cast %get3A_719 : i32 to index
        %get3A_721 = arith.index_cast %add3A_718 : i32 to index
        %get3A_722 = arith.constant 48 : index
        %get3A_723 = tpu.vector_load %arg8[%get3A_720, %get3A_721, %get3A_722] {strides = array<i32>} : memref<3x200x128xf32, #tpu.memory_space<vmem>>, vector<1x1x16xf32>,
        %get3A_724 = vector.shape_cast %get3A_723 : vector<1x1x16xf32> to vector<16xf32>
        %add3A_725 = arith.constant 3 : i32
        %add3A_726 = arith.addi %mul3A_600, %add3A_725 : i32
        %get3A_727 = arith.constant 1 : i32
        %get3A_728 = arith.index_cast %get3A_727 : i32 to index
        %get3A_729 = arith.index_cast %add3A_726 : i32 to index
        %get3A_730 = arith.constant 48 : index
        %get3A_731 = tpu.vector_load %arg8[%get3A_728, %get3A_729, %get3A_730] {strides = array<i32>} : memref<3x200x128xf32, #tpu.memory_space<vmem>>, vector<1x1x16xf32>,
        %get3A_732 = vector.shape_cast %get3A_731 : vector<1x1x16xf32> to vector<16xf32>
        %add3A_733 = arith.addf %get3A_724, %get3A_732 : vector<16xf32>
        %add3A_734 = arith.addf %add3A_716, %add3A_733 : vector<16xf32>
        %add3A_735 = arith.addf %scan3A_594, %add3A_734 : vector<16xf32>
        %get3A_736 = arith.constant 1 : i32
        %get3A_737 = arith.index_cast %get3A_736 : i32 to index
        %get3A_738 = arith.index_cast %mul3A_600 : i32 to index
        %get3A_739 = arith.constant 64 : index
        %get3A_740 = tpu.vector_load %arg8[%get3A_737, %get3A_738, %get3A_739] {strides = array<i32>} : memref<3x200x128xf32, #tpu.memory_space<vmem>>, vector<1x1x16xf32>,
        %get3A_741 = vector.shape_cast %get3A_740 : vector<1x1x16xf32> to vector<16xf32>
        %add3A_742 = arith.constant 1 : i32
        %add3A_743 = arith.addi %mul3A_600, %add3A_742 : i32
        %get3A_744 = arith.constant 1 : i32
        %get3A_745 = arith.index_cast %get3A_744 : i32 to index
        %get3A_746 = arith.index_cast %add3A_743 : i32 to index
        %get3A_747 = arith.constant 64 : index
        %get3A_748 = tpu.vector_load %arg8[%get3A_745, %get3A_746, %get3A_747] {strides = array<i32>} : memref<3x200x128xf32, #tpu.memory_space<vmem>>, vector<1x1x16xf32>,
        %get3A_749 = vector.shape_cast %get3A_748 : vector<1x1x16xf32> to vector<16xf32>
        %add3A_750 = arith.addf %get3A_741, %get3A_749 : vector<16xf32>
        %add3A_751 = arith.constant 2 : i32
        %add3A_752 = arith.addi %mul3A_600, %add3A_751 : i32
        %get3A_753 = arith.constant 1 : i32
        %get3A_754 = arith.index_cast %get3A_753 : i32 to index
        %get3A_755 = arith.index_cast %add3A_752 : i32 to index
        %get3A_756 = arith.constant 64 : index
        %get3A_757 = tpu.vector_load %arg8[%get3A_754, %get3A_755, %get3A_756] {strides = array<i32>} : memref<3x200x128xf32, #tpu.memory_space<vmem>>, vector<1x1x16xf32>,
        %get3A_758 = vector.shape_cast %get3A_757 : vector<1x1x16xf32> to vector<16xf32>
        %add3A_759 = arith.constant 3 : i32
        %add3A_760 = arith.addi %mul3A_600, %add3A_759 : i32
        %get3A_761 = arith.constant 1 : i32
        %get3A_762 = arith.index_cast %get3A_761 : i32 to index
        %get3A_763 = arith.index_cast %add3A_760 : i32 to index
        %get3A_764 = arith.constant 64 : index
        %get3A_765 = tpu.vector_load %arg8[%get3A_762, %get3A_763, %get3A_764] {strides = array<i32>} : memref<3x200x128xf32, #tpu.memory_space<vmem>>, vector<1x1x16xf32>,
        %get3A_766 = vector.shape_cast %get3A_765 : vector<1x1x16xf32> to vector<16xf32>
        %add3A_767 = arith.addf %get3A_758, %get3A_766 : vector<16xf32>
        %add3A_768 = arith.addf %add3A_750, %add3A_767 : vector<16xf32>
        %add3A_769 = arith.addf %scan3A_595, %add3A_768 : vector<16xf32>
        %get3A_770 = arith.constant 1 : i32
        %get3A_771 = arith.index_cast %get3A_770 : i32 to index
        %get3A_772 = arith.index_cast %mul3A_600 : i32 to index
        %get3A_773 = arith.constant 80 : index
        %get3A_774 = tpu.vector_load %arg8[%get3A_771, %get3A_772, %get3A_773] {strides = array<i32>} : memref<3x200x128xf32, #tpu.memory_space<vmem>>, vector<1x1x16xf32>,
        %get3A_775 = vector.shape_cast %get3A_774 : vector<1x1x16xf32> to vector<16xf32>
        %add3A_776 = arith.constant 1 : i32
        %add3A_777 = arith.addi %mul3A_600, %add3A_776 : i32
        %get3A_778 = arith.constant 1 : i32
        %get3A_779 = arith.index_cast %get3A_778 : i32 to index
        %get3A_780 = arith.index_cast %add3A_777 : i32 to index
        %get3A_781 = arith.constant 80 : index
        %get3A_782 = tpu.vector_load %arg8[%get3A_779, %get3A_780, %get3A_781] {strides = array<i32>} : memref<3x200x128xf32, #tpu.memory_space<vmem>>, vector<1x1x16xf32>,
        %get3A_783 = vector.shape_cast %get3A_782 : vector<1x1x16xf32> to vector<16xf32>
        %add3A_784 = arith.addf %get3A_775, %get3A_783 : vector<16xf32>
        %add3A_785 = arith.constant 2 : i32
        %add3A_786 = arith.addi %mul3A_600, %add3A_785 : i32
        %get3A_787 = arith.constant 1 : i32
        %get3A_788 = arith.index_cast %get3A_787 : i32 to index
        %get3A_789 = arith.index_cast %add3A_786 : i32 to index
        %get3A_790 = arith.constant 80 : index
        %get3A_791 = tpu.vector_load %arg8[%get3A_788, %get3A_789, %get3A_790] {strides = array<i32>} : memref<3x200x128xf32, #tpu.memory_space<vmem>>, vector<1x1x16xf32>,
        %get3A_792 = vector.shape_cast %get3A_791 : vector<1x1x16xf32> to vector<16xf32>
        %add3A_793 = arith.constant 3 : i32
        %add3A_794 = arith.addi %mul3A_600, %add3A_793 : i32
        %get3A_795 = arith.constant 1 : i32
        %get3A_796 = arith.index_cast %get3A_795 : i32 to index
        %get3A_797 = arith.index_cast %add3A_794 : i32 to index
        %get3A_798 = arith.constant 80 : index
        %get3A_799 = tpu.vector_load %arg8[%get3A_796, %get3A_797, %get3A_798] {strides = array<i32>} : memref<3x200x128xf32, #tpu.memory_space<vmem>>, vector<1x1x16xf32>,
        %get3A_800 = vector.shape_cast %get3A_799 : vector<1x1x16xf32> to vector<16xf32>
        %add3A_801 = arith.addf %get3A_792, %get3A_800 : vector<16xf32>
        %add3A_802 = arith.addf %add3A_784, %add3A_801 : vector<16xf32>
        %add3A_803 = arith.addf %scan3A_596, %add3A_802 : vector<16xf32>
        %get3A_804 = arith.constant 1 : i32
        %get3A_805 = arith.index_cast %get3A_804 : i32 to index
        %get3A_806 = arith.index_cast %mul3A_600 : i32 to index
        %get3A_807 = arith.constant 96 : index
        %get3A_808 = tpu.vector_load %arg8[%get3A_805, %get3A_806, %get3A_807] {strides = array<i32>} : memref<3x200x128xf32, #tpu.memory_space<vmem>>, vector<1x1x16xf32>,
        %get3A_809 = vector.shape_cast %get3A_808 : vector<1x1x16xf32> to vector<16xf32>
        %add3A_810 = arith.constant 1 : i32
        %add3A_811 = arith.addi %mul3A_600, %add3A_810 : i32
        %get3A_812 = arith.constant 1 : i32
        %get3A_813 = arith.index_cast %get3A_812 : i32 to index
        %get3A_814 = arith.index_cast %add3A_811 : i32 to index
        %get3A_815 = arith.constant 96 : index
        %get3A_816 = tpu.vector_load %arg8[%get3A_813, %get3A_814, %get3A_815] {strides = array<i32>} : memref<3x200x128xf32, #tpu.memory_space<vmem>>, vector<1x1x16xf32>,
        %get3A_817 = vector.shape_cast %get3A_816 : vector<1x1x16xf32> to vector<16xf32>
        %add3A_818 = arith.addf %get3A_809, %get3A_817 : vector<16xf32>
        %add3A_819 = arith.constant 2 : i32
        %add3A_820 = arith.addi %mul3A_600, %add3A_819 : i32
        %get3A_821 = arith.constant 1 : i32
        %get3A_822 = arith.index_cast %get3A_821 : i32 to index
        %get3A_823 = arith.index_cast %add3A_820 : i32 to index
        %get3A_824 = arith.constant 96 : index
        %get3A_825 = tpu.vector_load %arg8[%get3A_822, %get3A_823, %get3A_824] {strides = array<i32>} : memref<3x200x128xf32, #tpu.memory_space<vmem>>, vector<1x1x16xf32>,
        %get3A_826 = vector.shape_cast %get3A_825 : vector<1x1x16xf32> to vector<16xf32>
        %add3A_827 = arith.constant 3 : i32
        %add3A_828 = arith.addi %mul3A_600, %add3A_827 : i32
        %get3A_829 = arith.constant 1 : i32
        %get3A_830 = arith.index_cast %get3A_829 : i32 to index
        %get3A_831 = arith.index_cast %add3A_828 : i32 to index
        %get3A_832 = arith.constant 96 : index
        %get3A_833 = tpu.vector_load %arg8[%get3A_830, %get3A_831, %get3A_832] {strides = array<i32>} : memref<3x200x128xf32, #tpu.memory_space<vmem>>, vector<1x1x16xf32>,
        %get3A_834 = vector.shape_cast %get3A_833 : vector<1x1x16xf32> to vector<16xf32>
        %add3A_835 = arith.addf %get3A_826, %get3A_834 : vector<16xf32>
        %add3A_836 = arith.addf %add3A_818, %add3A_835 : vector<16xf32>
        %add3A_837 = arith.addf %scan3A_597, %add3A_836 : vector<16xf32>
        %get3A_838 = arith.constant 1 : i32
        %get3A_839 = arith.index_cast %get3A_838 : i32 to index
        %get3A_840 = arith.index_cast %mul3A_600 : i32 to index
        %get3A_841 = arith.constant 112 : index
        %get3A_842 = tpu.vector_load %arg8[%get3A_839, %get3A_840, %get3A_841] {strides = array<i32>} : memref<3x200x128xf32, #tpu.memory_space<vmem>>, vector<1x1x16xf32>,
        %get3A_843 = vector.shape_cast %get3A_842 : vector<1x1x16xf32> to vector<16xf32>
        %add3A_844 = arith.constant 1 : i32
        %add3A_845 = arith.addi %mul3A_600, %add3A_844 : i32
        %get3A_846 = arith.constant 1 : i32
        %get3A_847 = arith.index_cast %get3A_846 : i32 to index
        %get3A_848 = arith.index_cast %add3A_845 : i32 to index
        %get3A_849 = arith.constant 112 : index
        %get3A_850 = tpu.vector_load %arg8[%get3A_847, %get3A_848, %get3A_849] {strides = array<i32>} : memref<3x200x128xf32, #tpu.memory_space<vmem>>, vector<1x1x16xf32>,
        %get3A_851 = vector.shape_cast %get3A_850 : vector<1x1x16xf32> to vector<16xf32>
        %add3A_852 = arith.addf %get3A_843, %get3A_851 : vector<16xf32>
        %add3A_853 = arith.constant 2 : i32
        %add3A_854 = arith.addi %mul3A_600, %add3A_853 : i32
        %get3A_855 = arith.constant 1 : i32
        %get3A_856 = arith.index_cast %get3A_855 : i32 to index
        %get3A_857 = arith.index_cast %add3A_854 : i32 to index
        %get3A_858 = arith.constant 112 : index
        %get3A_859 = tpu.vector_load %arg8[%get3A_856, %get3A_857, %get3A_858] {strides = array<i32>} : memref<3x200x128xf32, #tpu.memory_space<vmem>>, vector<1x1x16xf32>,
        %get3A_860 = vector.shape_cast %get3A_859 : vector<1x1x16xf32> to vector<16xf32>
        %add3A_861 = arith.constant 3 : i32
        %add3A_862 = arith.addi %mul3A_600, %add3A_861 : i32
        %get3A_863 = arith.constant 1 : i32
        %get3A_864 = arith.index_cast %get3A_863 : i32 to index
        %get3A_865 = arith.index_cast %add3A_862 : i32 to index
        %get3A_866 = arith.constant 112 : index
        %get3A_867 = tpu.vector_load %arg8[%get3A_864, %get3A_865, %get3A_866] {strides = array<i32>} : memref<3x200x128xf32, #tpu.memory_space<vmem>>, vector<1x1x16xf32>,
        %get3A_868 = vector.shape_cast %get3A_867 : vector<1x1x16xf32> to vector<16xf32>
        %add3A_869 = arith.addf %get3A_860, %get3A_868 : vector<16xf32>
        %add3A_870 = arith.addf %add3A_852, %add3A_869 : vector<16xf32>
        %add3A_871 = arith.addf %scan3A_598, %add3A_870 : vector<16xf32>
        scf.yield %add3A_633, %add3A_667, %add3A_701, %add3A_735, %add3A_769, %add3A_803, %add3A_837, %add3A_871 : vector<16xf32>, vector<16xf32>, vector<16xf32>, vector<16xf32>, vector<16xf32>, vector<16xf32>, vector<16xf32>, vector<16xf32>
      }
      %scan3A_442 = arith.constant 50 : i32
      %swap3A_443 = arith.index_cast %add3A_393 : i32 to index
      %swap3A_444 = arith.constant 0 : index
      %swap3A_445 = tpu.vector_load %arg9[%swap3A_443, %swap3A_444] {strides = array<i32>} : memref<128x128xf32, #tpu.memory_space<vmem>>, vector<1x16xf32>,
      %swap3A_446 = vector.shape_cast %swap3A_445 : vector<1x16xf32> to vector<16xf32>
      %swap3A_447 = vector.shape_cast %scan3A_441#0 : vector<16xf32> to vector<1x16xf32>
      tpu.vector_store %arg9[%swap3A_443, %swap3A_444], %swap3A_447 {strides = array<i32>} : memref<128x128xf32, #tpu.memory_space<vmem>>, vector<1x16xf32>,
      %swap3A_448 = arith.index_cast %add3A_393 : i32 to index
      %swap3A_449 = arith.constant 16 : index
      %swap3A_450 = tpu.vector_load %arg9[%swap3A_448, %swap3A_449] {strides = array<i32>} : memref<128x128xf32, #tpu.memory_space<vmem>>, vector<1x16xf32>,
      %swap3A_451 = vector.shape_cast %swap3A_450 : vector<1x16xf32> to vector<16xf32>
      %swap3A_452 = vector.shape_cast %scan3A_441#1 : vector<16xf32> to vector<1x16xf32>
      tpu.vector_store %arg9[%swap3A_448, %swap3A_449], %swap3A_452 {strides = array<i32>} : memref<128x128xf32, #tpu.memory_space<vmem>>, vector<1x16xf32>,
      %swap3A_453 = arith.index_cast %add3A_393 : i32 to index
      %swap3A_454 = arith.constant 32 : index
      %swap3A_455 = tpu.vector_load %arg9[%swap3A_453, %swap3A_454] {strides = array<i32>} : memref<128x128xf32, #tpu.memory_space<vmem>>, vector<1x16xf32>,
      %swap3A_456 = vector.shape_cast %swap3A_455 : vector<1x16xf32> to vector<16xf32>
      %swap3A_457 = vector.shape_cast %scan3A_441#2 : vector<16xf32> to vector<1x16xf32>
      tpu.vector_store %arg9[%swap3A_453, %swap3A_454], %swap3A_457 {strides = array<i32>} : memref<128x128xf32, #tpu.memory_space<vmem>>, vector<1x16xf32>,
      %swap3A_458 = arith.index_cast %add3A_393 : i32 to index
      %swap3A_459 = arith.constant 48 : index
      %swap3A_460 = tpu.vector_load %arg9[%swap3A_458, %swap3A_459] {strides = array<i32>} : memref<128x128xf32, #tpu.memory_space<vmem>>, vector<1x16xf32>,
      %swap3A_461 = vector.shape_cast %swap3A_460 : vector<1x16xf32> to vector<16xf32>
      %swap3A_462 = vector.shape_cast %scan3A_441#3 : vector<16xf32> to vector<1x16xf32>
      tpu.vector_store %arg9[%swap3A_458, %swap3A_459], %swap3A_462 {strides = array<i32>} : memref<128x128xf32, #tpu.memory_space<vmem>>, vector<1x16xf32>,
      %swap3A_463 = arith.index_cast %add3A_393 : i32 to index
      %swap3A_464 = arith.constant 64 : index
      %swap3A_465 = tpu.vector_load %arg9[%swap3A_463, %swap3A_464] {strides = array<i32>} : memref<128x128xf32, #tpu.memory_space<vmem>>, vector<1x16xf32>,
      %swap3A_466 = vector.shape_cast %swap3A_465 : vector<1x16xf32> to vector<16xf32>
      %swap3A_467 = vector.shape_cast %scan3A_441#4 : vector<16xf32> to vector<1x16xf32>
      tpu.vector_store %arg9[%swap3A_463, %swap3A_464], %swap3A_467 {strides = array<i32>} : memref<128x128xf32, #tpu.memory_space<vmem>>, vector<1x16xf32>,
      %swap3A_468 = arith.index_cast %add3A_393 : i32 to index
      %swap3A_469 = arith.constant 80 : index
      %swap3A_470 = tpu.vector_load %arg9[%swap3A_468, %swap3A_469] {strides = array<i32>} : memref<128x128xf32, #tpu.memory_space<vmem>>, vector<1x16xf32>,
      %swap3A_471 = vector.shape_cast %swap3A_470 : vector<1x16xf32> to vector<16xf32>
      %swap3A_472 = vector.shape_cast %scan3A_441#5 : vector<16xf32> to vector<1x16xf32>
      tpu.vector_store %arg9[%swap3A_468, %swap3A_469], %swap3A_472 {strides = array<i32>} : memref<128x128xf32, #tpu.memory_space<vmem>>, vector<1x16xf32>,
      %swap3A_473 = arith.index_cast %add3A_393 : i32 to index
      %swap3A_474 = arith.constant 96 : index
      %swap3A_475 = tpu.vector_load %arg9[%swap3A_473, %swap3A_474] {strides = array<i32>} : memref<128x128xf32, #tpu.memory_space<vmem>>, vector<1x16xf32>,
      %swap3A_476 = vector.shape_cast %swap3A_475 : vector<1x16xf32> to vector<16xf32>
      %swap3A_477 = vector.shape_cast %scan3A_441#6 : vector<16xf32> to vector<1x16xf32>
      tpu.vector_store %arg9[%swap3A_473, %swap3A_474], %swap3A_477 {strides = array<i32>} : memref<128x128xf32, #tpu.memory_space<vmem>>, vector<1x16xf32>,
      %swap3A_478 = arith.index_cast %add3A_393 : i32 to index
      %swap3A_479 = arith.constant 112 : index
      %swap3A_480 = tpu.vector_load %arg9[%swap3A_478, %swap3A_479] {strides = array<i32>} : memref<128x128xf32, #tpu.memory_space<vmem>>, vector<1x16xf32>,
      %swap3A_481 = vector.shape_cast %swap3A_480 : vector<1x16xf32> to vector<16xf32>
      %swap3A_482 = vector.shape_cast %scan3A_441#7 : vector<16xf32> to vector<1x16xf32>
      tpu.vector_store %arg9[%swap3A_478, %swap3A_479], %swap3A_482 {strides = array<i32>} : memref<128x128xf32, #tpu.memory_space<vmem>>, vector<1x16xf32>,
      %add3A_483 = arith.constant 3 : i32
      %add3A_484 = arith.addi %add3A_393, %add3A_483 : i32
      %lt3A_485 = arith.constant 128 : i32
      %lt3A_486 = arith.cmpi slt, %add3A_484, %lt3A_485 : i32
      %convert_element_type3A_487 = arith.extui %lt3A_486 : i1 to i32
      %cond3A_488 = arith.constant 0 : i32
      %cond3A_489 = arith.cmpi ne, %convert_element_type3A_487, %cond3A_488 : i32
      scf.if %cond3A_489 {
        %add3A_590 = arith.constant 3 : i32
        %add3A_591 = arith.addi %add3A_393, %add3A_590 : i32
        %add3A_592 = arith.addi %mul3A_2, %add3A_591 : i32
        %dma_wait3A_593 = arith.constant 0 : i32
        %dma_wait3A_594 = tpu.memref_slice %arg2[%add3A_592, %dma_wait3A_593] : memref<4096x200xi32, #tpu.memory_space<hbm>> -> memref<1x200xi32, #tpu.memory_space<hbm>>
        %dma_wait3A_595 = tpu.memref_squeeze %dma_wait3A_594 : memref<1x200xi32, #tpu.memory_space<hbm>> -> memref<200xi32, #tpu.memory_space<hbm>>
        %dma_wait3A_596 = arith.constant 0 : i32
        %dma_wait3A_597 = tpu.memref_slice %arg2[%add3A_592, %dma_wait3A_596] : memref<4096x200xi32, #tpu.memory_space<hbm>> -> memref<1x200xi32, #tpu.memory_space<hbm>>
        %dma_wait3A_598 = tpu.memref_squeeze %dma_wait3A_597 : memref<1x200xi32, #tpu.memory_space<hbm>> -> memref<200xi32, #tpu.memory_space<hbm>>
        tpu.wait_dma2 semaphore(%arg14 : memref<!tpu.dma_semaphore, #tpu.memory_space<semaphore_mem>>) src(%dma_wait3A_598 : memref<200xi32, #tpu.memory_space<hbm>>) dst(%arg6 : memref<200xi32, #tpu.memory_space<vmem>>)
        %dma_start3A_599 = arith.constant 1 : i32
        %dma_start3A_600 = arith.constant 0 : i32
        %dma_start3A_601 = arith.constant 0 : i32
        %dma_start3A_602 = tpu.memref_slice %arg8[%dma_start3A_599, %dma_start3A_600, %dma_start3A_601] : memref<3x200x128xf32, #tpu.memory_space<vmem>> -> memref<1x104x128xf32, #tpu.memory_space<vmem>>
        %dma_start3A_603 = tpu.memref_squeeze %dma_start3A_602 : memref<1x104x128xf32, #tpu.memory_space<vmem>> -> memref<104x128xf32, #tpu.memory_space<vmem>>
        %dma_start3A_604 = arith.constant 0 : i32
        %dma_start3A_605 = tpu.memref_slice %arg6[%dma_start3A_604] : memref<200xi32, #tpu.memory_space<vmem>> -> memref<104xi32, #tpu.memory_space<vmem>>
        %dma_start3A_606 = arith.constant 0 : i32
        %dma_start3A_607 = arith.constant 0 : i32
        %dma_start3A_608 = tpu.memref_slice %arg3[%dma_start3A_606, %dma_start3A_607] : memref<100000x128xf32, #tpu.memory_space<hbm>> -> memref<100000x128xf32, #tpu.memory_space<hbm>>
        tpu.enqueue_indirect_dma source(%dma_start3A_608 : memref<100000x128xf32, #tpu.memory_space<hbm>>) target(%dma_start3A_603 : memref<104x128xf32, #tpu.memory_space<vmem>>) offsets(%dma_start3A_605 : memref<104xi32, #tpu.memory_space<vmem>>) semaphore(%arg11 : memref<!tpu.dma_semaphore, #tpu.memory_space<semaphore_mem>>)
        %dma_start3A_609 = arith.constant 1 : i32
        %dma_start3A_610 = arith.constant 104 : i32
        %dma_start3A_611 = arith.constant 0 : i32
        %dma_start3A_612 = tpu.memref_slice %arg8[%dma_start3A_609, %dma_start3A_610, %dma_start3A_611] : memref<3x200x128xf32, #tpu.memory_space<vmem>> -> memref<1x96x128xf32, #tpu.memory_space<vmem>>
        %dma_start3A_613 = tpu.memref_squeeze %dma_start3A_612 : memref<1x96x128xf32, #tpu.memory_space<vmem>> -> memref<96x128xf32, #tpu.memory_space<vmem>>
        %dma_start3A_614 = arith.constant 104 : i32
        %dma_start3A_615 = tpu.memref_slice %arg6[%dma_start3A_614] : memref<200xi32, #tpu.memory_space<vmem>> -> memref<96xi32, #tpu.memory_space<vmem>>
        %dma_start3A_616 = arith.constant 0 : i32
        %dma_start3A_617 = arith.constant 0 : i32
        %dma_start3A_618 = tpu.memref_slice %arg3[%dma_start3A_616, %dma_start3A_617] : memref<100000x128xf32, #tpu.memory_space<hbm>> -> memref<100000x128xf32, #tpu.memory_space<hbm>>
        tpu.enqueue_indirect_dma source(%dma_start3A_618 : memref<100000x128xf32, #tpu.memory_space<hbm>>) target(%dma_start3A_613 : memref<96x128xf32, #tpu.memory_space<vmem>>) offsets(%dma_start3A_615 : memref<96xi32, #tpu.memory_space<vmem>>) semaphore(%arg11 : memref<!tpu.dma_semaphore, #tpu.memory_space<semaphore_mem>>)
      } else {
      }
      %mul3A_490 = arith.constant 3 : i32
      %mul3A_491 = arith.muli %mul3A_490, %scan3A_292 : i32
      %add3A_492 = arith.constant 2 : i32
      %add3A_493 = arith.addi %mul3A_491, %add3A_492 : i32
      %dma_wait3A_494 = arith.constant 2 : i32
      %dma_wait3A_495 = arith.constant 0 : i32
      %dma_wait3A_496 = arith.constant 0 : i32
      %dma_wait3A_497 = tpu.memref_slice %arg8[%dma_wait3A_494, %dma_wait3A_495, %dma_wait3A_496] : memref<3x200x128xf32, #tpu.memory_space<vmem>> -> memref<1x104x128xf32, #tpu.memory_space<vmem>>
      %dma_wait3A_498 = tpu.memref_squeeze %dma_wait3A_497 : memref<1x104x128xf32, #tpu.memory_space<vmem>> -> memref<104x128xf32, #tpu.memory_space<vmem>>
      %dma_wait3A_499 = arith.constant 0 : i32
      %dma_wait3A_500 = tpu.memref_slice %arg7[%dma_wait3A_499] : memref<200xi32, #tpu.memory_space<vmem>> -> memref<104xi32, #tpu.memory_space<vmem>>
      %dma_wait3A_501 = arith.constant 0 : i32
      %dma_wait3A_502 = arith.constant 0 : i32
      %dma_wait3A_503 = tpu.memref_slice %arg3[%dma_wait3A_501, %dma_wait3A_502] : memref<100000x128xf32, #tpu.memory_space<hbm>> -> memref<100000x128xf32, #tpu.memory_space<hbm>>
      tpu.wait_indirect_dma semaphore(%arg12 : memref<!tpu.dma_semaphore, #tpu.memory_space<semaphore_mem>>) src(%dma_wait3A_503 : memref<100000x128xf32, #tpu.memory_space<hbm>>) dst(%dma_wait3A_498 : memref<104x128xf32, #tpu.memory_space<vmem>>)
      %dma_wait3A_504 = arith.constant 2 : i32
      %dma_wait3A_505 = arith.constant 104 : i32
      %dma_wait3A_506 = arith.constant 0 : i32
      %dma_wait3A_507 = tpu.memref_slice %arg8[%dma_wait3A_504, %dma_wait3A_505, %dma_wait3A_506] : memref<3x200x128xf32, #tpu.memory_space<vmem>> -> memref<1x96x128xf32, #tpu.memory_space<vmem>>
      %dma_wait3A_508 = tpu.memref_squeeze %dma_wait3A_507 : memref<1x96x128xf32, #tpu.memory_space<vmem>> -> memref<96x128xf32, #tpu.memory_space<vmem>>
      %dma_wait3A_509 = arith.constant 104 : i32
      %dma_wait3A_510 = tpu.memref_slice %arg7[%dma_wait3A_509] : memref<200xi32, #tpu.memory_space<vmem>> -> memref<96xi32, #tpu.memory_space<vmem>>
      %dma_wait3A_511 = arith.constant 0 : i32
      %dma_wait3A_512 = arith.constant 0 : i32
      %dma_wait3A_513 = tpu.memref_slice %arg3[%dma_wait3A_511, %dma_wait3A_512] : memref<100000x128xf32, #tpu.memory_space<hbm>> -> memref<100000x128xf32, #tpu.memory_space<hbm>>
      tpu.wait_indirect_dma semaphore(%arg12 : memref<!tpu.dma_semaphore, #tpu.memory_space<semaphore_mem>>) src(%dma_wait3A_513 : memref<100000x128xf32, #tpu.memory_space<hbm>>) dst(%dma_wait3A_508 : memref<96x128xf32, #tpu.memory_space<vmem>>)
      %add3A_514 = arith.constant 3 : i32
      %add3A_515 = arith.addi %add3A_493, %add3A_514 : i32
      %lt3A_516 = arith.constant 128 : i32
      %lt3A_517 = arith.cmpi slt, %add3A_515, %lt3A_516 : i32
      %convert_element_type3A_518 = arith.extui %lt3A_517 : i1 to i32
      %cond3A_519 = arith.constant 0 : i32
      %cond3A_520 = arith.cmpi ne, %convert_element_type3A_518, %cond3A_519 : i32
      scf.if %cond3A_520 {
        %add3A_590 = arith.constant 3 : i32
        %add3A_591 = arith.addi %add3A_493, %add3A_590 : i32
        %add3A_592 = arith.addi %mul3A_2, %add3A_591 : i32
        %dma_start3A_593 = arith.constant 0 : i32
        %dma_start3A_594 = tpu.memref_slice %arg2[%add3A_592, %dma_start3A_593] : memref<4096x200xi32, #tpu.memory_space<hbm>> -> memref<1x200xi32, #tpu.memory_space<hbm>>
        %dma_start3A_595 = tpu.memref_squeeze %dma_start3A_594 : memref<1x200xi32, #tpu.memory_space<hbm>> -> memref<200xi32, #tpu.memory_space<hbm>>
        %dma_start3A_596 = arith.constant 0 : i32
        %dma_start3A_597 = tpu.memref_slice %arg2[%add3A_592, %dma_start3A_596] : memref<4096x200xi32, #tpu.memory_space<hbm>> -> memref<1x200xi32, #tpu.memory_space<hbm>>
        %dma_start3A_598 = tpu.memref_squeeze %dma_start3A_597 : memref<1x200xi32, #tpu.memory_space<hbm>> -> memref<200xi32, #tpu.memory_space<hbm>>
        tpu.enqueue_dma source(%dma_start3A_598 : memref<200xi32, #tpu.memory_space<hbm>>) target(%arg7 : memref<200xi32, #tpu.memory_space<vmem>>) target_semaphore(%arg15 : memref<!tpu.dma_semaphore, #tpu.memory_space<semaphore_mem>>)
      } else {
      }
      %broadcast_in_dim3A_521 = arith.constant 0.000000e+00 : f32
      %broadcast_in_dim3A_522 = vector.broadcast %broadcast_in_dim3A_521 : f32 to vector<16xf32>
      %broadcast_in_dim3A_523 = arith.constant 0.000000e+00 : f32
      %broadcast_in_dim3A_524 = vector.broadcast %broadcast_in_dim3A_523 : f32 to vector<16xf32>
      %broadcast_in_dim3A_525 = arith.constant 0.000000e+00 : f32
      %broadcast_in_dim3A_526 = vector.broadcast %broadcast_in_dim3A_525 : f32 to vector<16xf32>
      %broadcast_in_dim3A_527 = arith.constant 0.000000e+00 : f32
      %broadcast_in_dim3A_528 = vector.broadcast %broadcast_in_dim3A_527 : f32 to vector<16xf32>
      %broadcast_in_dim3A_529 = arith.constant 0.000000e+00 : f32
      %broadcast_in_dim3A_530 = vector.broadcast %broadcast_in_dim3A_529 : f32 to vector<16xf32>
      %broadcast_in_dim3A_531 = arith.constant 0.000000e+00 : f32
      %broadcast_in_dim3A_532 = vector.broadcast %broadcast_in_dim3A_531 : f32 to vector<16xf32>
      %broadcast_in_dim3A_533 = arith.constant 0.000000e+00 : f32
      %broadcast_in_dim3A_534 = vector.broadcast %broadcast_in_dim3A_533 : f32 to vector<16xf32>
      %broadcast_in_dim3A_535 = arith.constant 0.000000e+00 : f32
      %broadcast_in_dim3A_536 = vector.broadcast %broadcast_in_dim3A_535 : f32 to vector<16xf32>
      %scan3A_537 = arith.constant 0 : i32
      %scan3A_538 = arith.constant 50 : i32
      %scan3A_539 = arith.addi %scan3A_537, %scan3A_538 : i32
      %scan3A_540 = arith.constant 1 : i32
      %scan3A_541:8 = scf.for %scan3A_590 = %scan3A_537 to %scan3A_539 step %scan3A_540 iter_args(%scan3A_591 = %broadcast_in_dim3A_522, %scan3A_592 = %broadcast_in_dim3A_524, %scan3A_593 = %broadcast_in_dim3A_526, %scan3A_594 = %broadcast_in_dim3A_528, %scan3A_595 = %broadcast_in_dim3A_530, %scan3A_596 = %broadcast_in_dim3A_532, %scan3A_597 = %broadcast_in_dim3A_534, %scan3A_598 = %broadcast_in_dim3A_536) -> (vector<16xf32>, vector<16xf32>, vector<16xf32>, vector<16xf32>, vector<16xf32>, vector<16xf32>, vector<16xf32>, vector<16xf32>)  : i32 {
        %mul3A_599 = arith.constant 4 : i32
        %mul3A_600 = arith.muli %mul3A_599, %scan3A_590 : i32
        %get3A = arith.constant 2 : i32
        %get3A_601 = arith.index_cast %get3A : i32 to index
        %get3A_602 = arith.index_cast %mul3A_600 : i32 to index
        %get3A_603 = arith.constant 0 : index
        %get3A_604 = tpu.vector_load %arg8[%get3A_601, %get3A_602, %get3A_603] {strides = array<i32>} : memref<3x200x128xf32, #tpu.memory_space<vmem>>, vector<1x1x16xf32>,
        %get3A_605 = vector.shape_cast %get3A_604 : vector<1x1x16xf32> to vector<16xf32>
        %add3A_606 = arith.constant 1 : i32
        %add3A_607 = arith.addi %mul3A_600, %add3A_606 : i32
        %get3A_608 = arith.constant 2 : i32
        %get3A_609 = arith.index_cast %get3A_608 : i32 to index
        %get3A_610 = arith.index_cast %add3A_607 : i32 to index
        %get3A_611 = arith.constant 0 : index
        %get3A_612 = tpu.vector_load %arg8[%get3A_609, %get3A_610, %get3A_611] {strides = array<i32>} : memref<3x200x128xf32, #tpu.memory_space<vmem>>, vector<1x1x16xf32>,
        %get3A_613 = vector.shape_cast %get3A_612 : vector<1x1x16xf32> to vector<16xf32>
        %add3A_614 = arith.addf %get3A_605, %get3A_613 : vector<16xf32>
        %add3A_615 = arith.constant 2 : i32
        %add3A_616 = arith.addi %mul3A_600, %add3A_615 : i32
        %get3A_617 = arith.constant 2 : i32
        %get3A_618 = arith.index_cast %get3A_617 : i32 to index
        %get3A_619 = arith.index_cast %add3A_616 : i32 to index
        %get3A_620 = arith.constant 0 : index
        %get3A_621 = tpu.vector_load %arg8[%get3A_618, %get3A_619, %get3A_620] {strides = array<i32>} : memref<3x200x128xf32, #tpu.memory_space<vmem>>, vector<1x1x16xf32>,
        %get3A_622 = vector.shape_cast %get3A_621 : vector<1x1x16xf32> to vector<16xf32>
        %add3A_623 = arith.constant 3 : i32
        %add3A_624 = arith.addi %mul3A_600, %add3A_623 : i32
        %get3A_625 = arith.constant 2 : i32
        %get3A_626 = arith.index_cast %get3A_625 : i32 to index
        %get3A_627 = arith.index_cast %add3A_624 : i32 to index
        %get3A_628 = arith.constant 0 : index
        %get3A_629 = tpu.vector_load %arg8[%get3A_626, %get3A_627, %get3A_628] {strides = array<i32>} : memref<3x200x128xf32, #tpu.memory_space<vmem>>, vector<1x1x16xf32>,
        %get3A_630 = vector.shape_cast %get3A_629 : vector<1x1x16xf32> to vector<16xf32>
        %add3A_631 = arith.addf %get3A_622, %get3A_630 : vector<16xf32>
        %add3A_632 = arith.addf %add3A_614, %add3A_631 : vector<16xf32>
        %add3A_633 = arith.addf %scan3A_591, %add3A_632 : vector<16xf32>
        %get3A_634 = arith.constant 2 : i32
        %get3A_635 = arith.index_cast %get3A_634 : i32 to index
        %get3A_636 = arith.index_cast %mul3A_600 : i32 to index
        %get3A_637 = arith.constant 16 : index
        %get3A_638 = tpu.vector_load %arg8[%get3A_635, %get3A_636, %get3A_637] {strides = array<i32>} : memref<3x200x128xf32, #tpu.memory_space<vmem>>, vector<1x1x16xf32>,
        %get3A_639 = vector.shape_cast %get3A_638 : vector<1x1x16xf32> to vector<16xf32>
        %add3A_640 = arith.constant 1 : i32
        %add3A_641 = arith.addi %mul3A_600, %add3A_640 : i32
        %get3A_642 = arith.constant 2 : i32
        %get3A_643 = arith.index_cast %get3A_642 : i32 to index
        %get3A_644 = arith.index_cast %add3A_641 : i32 to index
        %get3A_645 = arith.constant 16 : index
        %get3A_646 = tpu.vector_load %arg8[%get3A_643, %get3A_644, %get3A_645] {strides = array<i32>} : memref<3x200x128xf32, #tpu.memory_space<vmem>>, vector<1x1x16xf32>,
        %get3A_647 = vector.shape_cast %get3A_646 : vector<1x1x16xf32> to vector<16xf32>
        %add3A_648 = arith.addf %get3A_639, %get3A_647 : vector<16xf32>
        %add3A_649 = arith.constant 2 : i32
        %add3A_650 = arith.addi %mul3A_600, %add3A_649 : i32
        %get3A_651 = arith.constant 2 : i32
        %get3A_652 = arith.index_cast %get3A_651 : i32 to index
        %get3A_653 = arith.index_cast %add3A_650 : i32 to index
        %get3A_654 = arith.constant 16 : index
        %get3A_655 = tpu.vector_load %arg8[%get3A_652, %get3A_653, %get3A_654] {strides = array<i32>} : memref<3x200x128xf32, #tpu.memory_space<vmem>>, vector<1x1x16xf32>,
        %get3A_656 = vector.shape_cast %get3A_655 : vector<1x1x16xf32> to vector<16xf32>
        %add3A_657 = arith.constant 3 : i32
        %add3A_658 = arith.addi %mul3A_600, %add3A_657 : i32
        %get3A_659 = arith.constant 2 : i32
        %get3A_660 = arith.index_cast %get3A_659 : i32 to index
        %get3A_661 = arith.index_cast %add3A_658 : i32 to index
        %get3A_662 = arith.constant 16 : index
        %get3A_663 = tpu.vector_load %arg8[%get3A_660, %get3A_661, %get3A_662] {strides = array<i32>} : memref<3x200x128xf32, #tpu.memory_space<vmem>>, vector<1x1x16xf32>,
        %get3A_664 = vector.shape_cast %get3A_663 : vector<1x1x16xf32> to vector<16xf32>
        %add3A_665 = arith.addf %get3A_656, %get3A_664 : vector<16xf32>
        %add3A_666 = arith.addf %add3A_648, %add3A_665 : vector<16xf32>
        %add3A_667 = arith.addf %scan3A_592, %add3A_666 : vector<16xf32>
        %get3A_668 = arith.constant 2 : i32
        %get3A_669 = arith.index_cast %get3A_668 : i32 to index
        %get3A_670 = arith.index_cast %mul3A_600 : i32 to index
        %get3A_671 = arith.constant 32 : index
        %get3A_672 = tpu.vector_load %arg8[%get3A_669, %get3A_670, %get3A_671] {strides = array<i32>} : memref<3x200x128xf32, #tpu.memory_space<vmem>>, vector<1x1x16xf32>,
        %get3A_673 = vector.shape_cast %get3A_672 : vector<1x1x16xf32> to vector<16xf32>
        %add3A_674 = arith.constant 1 : i32
        %add3A_675 = arith.addi %mul3A_600, %add3A_674 : i32
        %get3A_676 = arith.constant 2 : i32
        %get3A_677 = arith.index_cast %get3A_676 : i32 to index
        %get3A_678 = arith.index_cast %add3A_675 : i32 to index
        %get3A_679 = arith.constant 32 : index
        %get3A_680 = tpu.vector_load %arg8[%get3A_677, %get3A_678, %get3A_679] {strides = array<i32>} : memref<3x200x128xf32, #tpu.memory_space<vmem>>, vector<1x1x16xf32>,
        %get3A_681 = vector.shape_cast %get3A_680 : vector<1x1x16xf32> to vector<16xf32>
        %add3A_682 = arith.addf %get3A_673, %get3A_681 : vector<16xf32>
        %add3A_683 = arith.constant 2 : i32
        %add3A_684 = arith.addi %mul3A_600, %add3A_683 : i32
        %get3A_685 = arith.constant 2 : i32
        %get3A_686 = arith.index_cast %get3A_685 : i32 to index
        %get3A_687 = arith.index_cast %add3A_684 : i32 to index
        %get3A_688 = arith.constant 32 : index
        %get3A_689 = tpu.vector_load %arg8[%get3A_686, %get3A_687, %get3A_688] {strides = array<i32>} : memref<3x200x128xf32, #tpu.memory_space<vmem>>, vector<1x1x16xf32>,
        %get3A_690 = vector.shape_cast %get3A_689 : vector<1x1x16xf32> to vector<16xf32>
        %add3A_691 = arith.constant 3 : i32
        %add3A_692 = arith.addi %mul3A_600, %add3A_691 : i32
        %get3A_693 = arith.constant 2 : i32
        %get3A_694 = arith.index_cast %get3A_693 : i32 to index
        %get3A_695 = arith.index_cast %add3A_692 : i32 to index
        %get3A_696 = arith.constant 32 : index
        %get3A_697 = tpu.vector_load %arg8[%get3A_694, %get3A_695, %get3A_696] {strides = array<i32>} : memref<3x200x128xf32, #tpu.memory_space<vmem>>, vector<1x1x16xf32>,
        %get3A_698 = vector.shape_cast %get3A_697 : vector<1x1x16xf32> to vector<16xf32>
        %add3A_699 = arith.addf %get3A_690, %get3A_698 : vector<16xf32>
        %add3A_700 = arith.addf %add3A_682, %add3A_699 : vector<16xf32>
        %add3A_701 = arith.addf %scan3A_593, %add3A_700 : vector<16xf32>
        %get3A_702 = arith.constant 2 : i32
        %get3A_703 = arith.index_cast %get3A_702 : i32 to index
        %get3A_704 = arith.index_cast %mul3A_600 : i32 to index
        %get3A_705 = arith.constant 48 : index
        %get3A_706 = tpu.vector_load %arg8[%get3A_703, %get3A_704, %get3A_705] {strides = array<i32>} : memref<3x200x128xf32, #tpu.memory_space<vmem>>, vector<1x1x16xf32>,
        %get3A_707 = vector.shape_cast %get3A_706 : vector<1x1x16xf32> to vector<16xf32>
        %add3A_708 = arith.constant 1 : i32
        %add3A_709 = arith.addi %mul3A_600, %add3A_708 : i32
        %get3A_710 = arith.constant 2 : i32
        %get3A_711 = arith.index_cast %get3A_710 : i32 to index
        %get3A_712 = arith.index_cast %add3A_709 : i32 to index
        %get3A_713 = arith.constant 48 : index
        %get3A_714 = tpu.vector_load %arg8[%get3A_711, %get3A_712, %get3A_713] {strides = array<i32>} : memref<3x200x128xf32, #tpu.memory_space<vmem>>, vector<1x1x16xf32>,
        %get3A_715 = vector.shape_cast %get3A_714 : vector<1x1x16xf32> to vector<16xf32>
        %add3A_716 = arith.addf %get3A_707, %get3A_715 : vector<16xf32>
        %add3A_717 = arith.constant 2 : i32
        %add3A_718 = arith.addi %mul3A_600, %add3A_717 : i32
        %get3A_719 = arith.constant 2 : i32
        %get3A_720 = arith.index_cast %get3A_719 : i32 to index
        %get3A_721 = arith.index_cast %add3A_718 : i32 to index
        %get3A_722 = arith.constant 48 : index
        %get3A_723 = tpu.vector_load %arg8[%get3A_720, %get3A_721, %get3A_722] {strides = array<i32>} : memref<3x200x128xf32, #tpu.memory_space<vmem>>, vector<1x1x16xf32>,
        %get3A_724 = vector.shape_cast %get3A_723 : vector<1x1x16xf32> to vector<16xf32>
        %add3A_725 = arith.constant 3 : i32
        %add3A_726 = arith.addi %mul3A_600, %add3A_725 : i32
        %get3A_727 = arith.constant 2 : i32
        %get3A_728 = arith.index_cast %get3A_727 : i32 to index
        %get3A_729 = arith.index_cast %add3A_726 : i32 to index
        %get3A_730 = arith.constant 48 : index
        %get3A_731 = tpu.vector_load %arg8[%get3A_728, %get3A_729, %get3A_730] {strides = array<i32>} : memref<3x200x128xf32, #tpu.memory_space<vmem>>, vector<1x1x16xf32>,
        %get3A_732 = vector.shape_cast %get3A_731 : vector<1x1x16xf32> to vector<16xf32>
        %add3A_733 = arith.addf %get3A_724, %get3A_732 : vector<16xf32>
        %add3A_734 = arith.addf %add3A_716, %add3A_733 : vector<16xf32>
        %add3A_735 = arith.addf %scan3A_594, %add3A_734 : vector<16xf32>
        %get3A_736 = arith.constant 2 : i32
        %get3A_737 = arith.index_cast %get3A_736 : i32 to index
        %get3A_738 = arith.index_cast %mul3A_600 : i32 to index
        %get3A_739 = arith.constant 64 : index
        %get3A_740 = tpu.vector_load %arg8[%get3A_737, %get3A_738, %get3A_739] {strides = array<i32>} : memref<3x200x128xf32, #tpu.memory_space<vmem>>, vector<1x1x16xf32>,
        %get3A_741 = vector.shape_cast %get3A_740 : vector<1x1x16xf32> to vector<16xf32>
        %add3A_742 = arith.constant 1 : i32
        %add3A_743 = arith.addi %mul3A_600, %add3A_742 : i32
        %get3A_744 = arith.constant 2 : i32
        %get3A_745 = arith.index_cast %get3A_744 : i32 to index
        %get3A_746 = arith.index_cast %add3A_743 : i32 to index
        %get3A_747 = arith.constant 64 : index
        %get3A_748 = tpu.vector_load %arg8[%get3A_745, %get3A_746, %get3A_747] {strides = array<i32>} : memref<3x200x128xf32, #tpu.memory_space<vmem>>, vector<1x1x16xf32>,
        %get3A_749 = vector.shape_cast %get3A_748 : vector<1x1x16xf32> to vector<16xf32>
        %add3A_750 = arith.addf %get3A_741, %get3A_749 : vector<16xf32>
        %add3A_751 = arith.constant 2 : i32
        %add3A_752 = arith.addi %mul3A_600, %add3A_751 : i32
        %get3A_753 = arith.constant 2 : i32
        %get3A_754 = arith.index_cast %get3A_753 : i32 to index
        %get3A_755 = arith.index_cast %add3A_752 : i32 to index
        %get3A_756 = arith.constant 64 : index
        %get3A_757 = tpu.vector_load %arg8[%get3A_754, %get3A_755, %get3A_756] {strides = array<i32>} : memref<3x200x128xf32, #tpu.memory_space<vmem>>, vector<1x1x16xf32>,
        %get3A_758 = vector.shape_cast %get3A_757 : vector<1x1x16xf32> to vector<16xf32>
        %add3A_759 = arith.constant 3 : i32
        %add3A_760 = arith.addi %mul3A_600, %add3A_759 : i32
        %get3A_761 = arith.constant 2 : i32
        %get3A_762 = arith.index_cast %get3A_761 : i32 to index
        %get3A_763 = arith.index_cast %add3A_760 : i32 to index
        %get3A_764 = arith.constant 64 : index
        %get3A_765 = tpu.vector_load %arg8[%get3A_762, %get3A_763, %get3A_764] {strides = array<i32>} : memref<3x200x128xf32, #tpu.memory_space<vmem>>, vector<1x1x16xf32>,
        %get3A_766 = vector.shape_cast %get3A_765 : vector<1x1x16xf32> to vector<16xf32>
        %add3A_767 = arith.addf %get3A_758, %get3A_766 : vector<16xf32>
        %add3A_768 = arith.addf %add3A_750, %add3A_767 : vector<16xf32>
        %add3A_769 = arith.addf %scan3A_595, %add3A_768 : vector<16xf32>
        %get3A_770 = arith.constant 2 : i32
        %get3A_771 = arith.index_cast %get3A_770 : i32 to index
        %get3A_772 = arith.index_cast %mul3A_600 : i32 to index
        %get3A_773 = arith.constant 80 : index
        %get3A_774 = tpu.vector_load %arg8[%get3A_771, %get3A_772, %get3A_773] {strides = array<i32>} : memref<3x200x128xf32, #tpu.memory_space<vmem>>, vector<1x1x16xf32>,
        %get3A_775 = vector.shape_cast %get3A_774 : vector<1x1x16xf32> to vector<16xf32>
        %add3A_776 = arith.constant 1 : i32
        %add3A_777 = arith.addi %mul3A_600, %add3A_776 : i32
        %get3A_778 = arith.constant 2 : i32
        %get3A_779 = arith.index_cast %get3A_778 : i32 to index
        %get3A_780 = arith.index_cast %add3A_777 : i32 to index
        %get3A_781 = arith.constant 80 : index
        %get3A_782 = tpu.vector_load %arg8[%get3A_779, %get3A_780, %get3A_781] {strides = array<i32>} : memref<3x200x128xf32, #tpu.memory_space<vmem>>, vector<1x1x16xf32>,
        %get3A_783 = vector.shape_cast %get3A_782 : vector<1x1x16xf32> to vector<16xf32>
        %add3A_784 = arith.addf %get3A_775, %get3A_783 : vector<16xf32>
        %add3A_785 = arith.constant 2 : i32
        %add3A_786 = arith.addi %mul3A_600, %add3A_785 : i32
        %get3A_787 = arith.constant 2 : i32
        %get3A_788 = arith.index_cast %get3A_787 : i32 to index
        %get3A_789 = arith.index_cast %add3A_786 : i32 to index
        %get3A_790 = arith.constant 80 : index
        %get3A_791 = tpu.vector_load %arg8[%get3A_788, %get3A_789, %get3A_790] {strides = array<i32>} : memref<3x200x128xf32, #tpu.memory_space<vmem>>, vector<1x1x16xf32>,
        %get3A_792 = vector.shape_cast %get3A_791 : vector<1x1x16xf32> to vector<16xf32>
        %add3A_793 = arith.constant 3 : i32
        %add3A_794 = arith.addi %mul3A_600, %add3A_793 : i32
        %get3A_795 = arith.constant 2 : i32
        %get3A_796 = arith.index_cast %get3A_795 : i32 to index
        %get3A_797 = arith.index_cast %add3A_794 : i32 to index
        %get3A_798 = arith.constant 80 : index
        %get3A_799 = tpu.vector_load %arg8[%get3A_796, %get3A_797, %get3A_798] {strides = array<i32>} : memref<3x200x128xf32, #tpu.memory_space<vmem>>, vector<1x1x16xf32>,
        %get3A_800 = vector.shape_cast %get3A_799 : vector<1x1x16xf32> to vector<16xf32>
        %add3A_801 = arith.addf %get3A_792, %get3A_800 : vector<16xf32>
        %add3A_802 = arith.addf %add3A_784, %add3A_801 : vector<16xf32>
        %add3A_803 = arith.addf %scan3A_596, %add3A_802 : vector<16xf32>
        %get3A_804 = arith.constant 2 : i32
        %get3A_805 = arith.index_cast %get3A_804 : i32 to index
        %get3A_806 = arith.index_cast %mul3A_600 : i32 to index
        %get3A_807 = arith.constant 96 : index
        %get3A_808 = tpu.vector_load %arg8[%get3A_805, %get3A_806, %get3A_807] {strides = array<i32>} : memref<3x200x128xf32, #tpu.memory_space<vmem>>, vector<1x1x16xf32>,
        %get3A_809 = vector.shape_cast %get3A_808 : vector<1x1x16xf32> to vector<16xf32>
        %add3A_810 = arith.constant 1 : i32
        %add3A_811 = arith.addi %mul3A_600, %add3A_810 : i32
        %get3A_812 = arith.constant 2 : i32
        %get3A_813 = arith.index_cast %get3A_812 : i32 to index
        %get3A_814 = arith.index_cast %add3A_811 : i32 to index
        %get3A_815 = arith.constant 96 : index
        %get3A_816 = tpu.vector_load %arg8[%get3A_813, %get3A_814, %get3A_815] {strides = array<i32>} : memref<3x200x128xf32, #tpu.memory_space<vmem>>, vector<1x1x16xf32>,
        %get3A_817 = vector.shape_cast %get3A_816 : vector<1x1x16xf32> to vector<16xf32>
        %add3A_818 = arith.addf %get3A_809, %get3A_817 : vector<16xf32>
        %add3A_819 = arith.constant 2 : i32
        %add3A_820 = arith.addi %mul3A_600, %add3A_819 : i32
        %get3A_821 = arith.constant 2 : i32
        %get3A_822 = arith.index_cast %get3A_821 : i32 to index
        %get3A_823 = arith.index_cast %add3A_820 : i32 to index
        %get3A_824 = arith.constant 96 : index
        %get3A_825 = tpu.vector_load %arg8[%get3A_822, %get3A_823, %get3A_824] {strides = array<i32>} : memref<3x200x128xf32, #tpu.memory_space<vmem>>, vector<1x1x16xf32>,
        %get3A_826 = vector.shape_cast %get3A_825 : vector<1x1x16xf32> to vector<16xf32>
        %add3A_827 = arith.constant 3 : i32
        %add3A_828 = arith.addi %mul3A_600, %add3A_827 : i32
        %get3A_829 = arith.constant 2 : i32
        %get3A_830 = arith.index_cast %get3A_829 : i32 to index
        %get3A_831 = arith.index_cast %add3A_828 : i32 to index
        %get3A_832 = arith.constant 96 : index
        %get3A_833 = tpu.vector_load %arg8[%get3A_830, %get3A_831, %get3A_832] {strides = array<i32>} : memref<3x200x128xf32, #tpu.memory_space<vmem>>, vector<1x1x16xf32>,
        %get3A_834 = vector.shape_cast %get3A_833 : vector<1x1x16xf32> to vector<16xf32>
        %add3A_835 = arith.addf %get3A_826, %get3A_834 : vector<16xf32>
        %add3A_836 = arith.addf %add3A_818, %add3A_835 : vector<16xf32>
        %add3A_837 = arith.addf %scan3A_597, %add3A_836 : vector<16xf32>
        %get3A_838 = arith.constant 2 : i32
        %get3A_839 = arith.index_cast %get3A_838 : i32 to index
        %get3A_840 = arith.index_cast %mul3A_600 : i32 to index
        %get3A_841 = arith.constant 112 : index
        %get3A_842 = tpu.vector_load %arg8[%get3A_839, %get3A_840, %get3A_841] {strides = array<i32>} : memref<3x200x128xf32, #tpu.memory_space<vmem>>, vector<1x1x16xf32>,
        %get3A_843 = vector.shape_cast %get3A_842 : vector<1x1x16xf32> to vector<16xf32>
        %add3A_844 = arith.constant 1 : i32
        %add3A_845 = arith.addi %mul3A_600, %add3A_844 : i32
        %get3A_846 = arith.constant 2 : i32
        %get3A_847 = arith.index_cast %get3A_846 : i32 to index
        %get3A_848 = arith.index_cast %add3A_845 : i32 to index
        %get3A_849 = arith.constant 112 : index
        %get3A_850 = tpu.vector_load %arg8[%get3A_847, %get3A_848, %get3A_849] {strides = array<i32>} : memref<3x200x128xf32, #tpu.memory_space<vmem>>, vector<1x1x16xf32>,
        %get3A_851 = vector.shape_cast %get3A_850 : vector<1x1x16xf32> to vector<16xf32>
        %add3A_852 = arith.addf %get3A_843, %get3A_851 : vector<16xf32>
        %add3A_853 = arith.constant 2 : i32
        %add3A_854 = arith.addi %mul3A_600, %add3A_853 : i32
        %get3A_855 = arith.constant 2 : i32
        %get3A_856 = arith.index_cast %get3A_855 : i32 to index
        %get3A_857 = arith.index_cast %add3A_854 : i32 to index
        %get3A_858 = arith.constant 112 : index
        %get3A_859 = tpu.vector_load %arg8[%get3A_856, %get3A_857, %get3A_858] {strides = array<i32>} : memref<3x200x128xf32, #tpu.memory_space<vmem>>, vector<1x1x16xf32>,
        %get3A_860 = vector.shape_cast %get3A_859 : vector<1x1x16xf32> to vector<16xf32>
        %add3A_861 = arith.constant 3 : i32
        %add3A_862 = arith.addi %mul3A_600, %add3A_861 : i32
        %get3A_863 = arith.constant 2 : i32
        %get3A_864 = arith.index_cast %get3A_863 : i32 to index
        %get3A_865 = arith.index_cast %add3A_862 : i32 to index
        %get3A_866 = arith.constant 112 : index
        %get3A_867 = tpu.vector_load %arg8[%get3A_864, %get3A_865, %get3A_866] {strides = array<i32>} : memref<3x200x128xf32, #tpu.memory_space<vmem>>, vector<1x1x16xf32>,
        %get3A_868 = vector.shape_cast %get3A_867 : vector<1x1x16xf32> to vector<16xf32>
        %add3A_869 = arith.addf %get3A_860, %get3A_868 : vector<16xf32>
        %add3A_870 = arith.addf %add3A_852, %add3A_869 : vector<16xf32>
        %add3A_871 = arith.addf %scan3A_598, %add3A_870 : vector<16xf32>
        scf.yield %add3A_633, %add3A_667, %add3A_701, %add3A_735, %add3A_769, %add3A_803, %add3A_837, %add3A_871 : vector<16xf32>, vector<16xf32>, vector<16xf32>, vector<16xf32>, vector<16xf32>, vector<16xf32>, vector<16xf32>, vector<16xf32>
      }
      %scan3A_542 = arith.constant 50 : i32
      %swap3A_543 = arith.index_cast %add3A_493 : i32 to index
      %swap3A_544 = arith.constant 0 : index
      %swap3A_545 = tpu.vector_load %arg9[%swap3A_543, %swap3A_544] {strides = array<i32>} : memref<128x128xf32, #tpu.memory_space<vmem>>, vector<1x16xf32>,
      %swap3A_546 = vector.shape_cast %swap3A_545 : vector<1x16xf32> to vector<16xf32>
      %swap3A_547 = vector.shape_cast %scan3A_541#0 : vector<16xf32> to vector<1x16xf32>
      tpu.vector_store %arg9[%swap3A_543, %swap3A_544], %swap3A_547 {strides = array<i32>} : memref<128x128xf32, #tpu.memory_space<vmem>>, vector<1x16xf32>,
      %swap3A_548 = arith.index_cast %add3A_493 : i32 to index
      %swap3A_549 = arith.constant 16 : index
      %swap3A_550 = tpu.vector_load %arg9[%swap3A_548, %swap3A_549] {strides = array<i32>} : memref<128x128xf32, #tpu.memory_space<vmem>>, vector<1x16xf32>,
      %swap3A_551 = vector.shape_cast %swap3A_550 : vector<1x16xf32> to vector<16xf32>
      %swap3A_552 = vector.shape_cast %scan3A_541#1 : vector<16xf32> to vector<1x16xf32>
      tpu.vector_store %arg9[%swap3A_548, %swap3A_549], %swap3A_552 {strides = array<i32>} : memref<128x128xf32, #tpu.memory_space<vmem>>, vector<1x16xf32>,
      %swap3A_553 = arith.index_cast %add3A_493 : i32 to index
      %swap3A_554 = arith.constant 32 : index
      %swap3A_555 = tpu.vector_load %arg9[%swap3A_553, %swap3A_554] {strides = array<i32>} : memref<128x128xf32, #tpu.memory_space<vmem>>, vector<1x16xf32>,
      %swap3A_556 = vector.shape_cast %swap3A_555 : vector<1x16xf32> to vector<16xf32>
      %swap3A_557 = vector.shape_cast %scan3A_541#2 : vector<16xf32> to vector<1x16xf32>
      tpu.vector_store %arg9[%swap3A_553, %swap3A_554], %swap3A_557 {strides = array<i32>} : memref<128x128xf32, #tpu.memory_space<vmem>>, vector<1x16xf32>,
      %swap3A_558 = arith.index_cast %add3A_493 : i32 to index
      %swap3A_559 = arith.constant 48 : index
      %swap3A_560 = tpu.vector_load %arg9[%swap3A_558, %swap3A_559] {strides = array<i32>} : memref<128x128xf32, #tpu.memory_space<vmem>>, vector<1x16xf32>,
      %swap3A_561 = vector.shape_cast %swap3A_560 : vector<1x16xf32> to vector<16xf32>
      %swap3A_562 = vector.shape_cast %scan3A_541#3 : vector<16xf32> to vector<1x16xf32>
      tpu.vector_store %arg9[%swap3A_558, %swap3A_559], %swap3A_562 {strides = array<i32>} : memref<128x128xf32, #tpu.memory_space<vmem>>, vector<1x16xf32>,
      %swap3A_563 = arith.index_cast %add3A_493 : i32 to index
      %swap3A_564 = arith.constant 64 : index
      %swap3A_565 = tpu.vector_load %arg9[%swap3A_563, %swap3A_564] {strides = array<i32>} : memref<128x128xf32, #tpu.memory_space<vmem>>, vector<1x16xf32>,
      %swap3A_566 = vector.shape_cast %swap3A_565 : vector<1x16xf32> to vector<16xf32>
      %swap3A_567 = vector.shape_cast %scan3A_541#4 : vector<16xf32> to vector<1x16xf32>
      tpu.vector_store %arg9[%swap3A_563, %swap3A_564], %swap3A_567 {strides = array<i32>} : memref<128x128xf32, #tpu.memory_space<vmem>>, vector<1x16xf32>,
      %swap3A_568 = arith.index_cast %add3A_493 : i32 to index
      %swap3A_569 = arith.constant 80 : index
      %swap3A_570 = tpu.vector_load %arg9[%swap3A_568, %swap3A_569] {strides = array<i32>} : memref<128x128xf32, #tpu.memory_space<vmem>>, vector<1x16xf32>,
      %swap3A_571 = vector.shape_cast %swap3A_570 : vector<1x16xf32> to vector<16xf32>
      %swap3A_572 = vector.shape_cast %scan3A_541#5 : vector<16xf32> to vector<1x16xf32>
      tpu.vector_store %arg9[%swap3A_568, %swap3A_569], %swap3A_572 {strides = array<i32>} : memref<128x128xf32, #tpu.memory_space<vmem>>, vector<1x16xf32>,
      %swap3A_573 = arith.index_cast %add3A_493 : i32 to index
      %swap3A_574 = arith.constant 96 : index
      %swap3A_575 = tpu.vector_load %arg9[%swap3A_573, %swap3A_574] {strides = array<i32>} : memref<128x128xf32, #tpu.memory_space<vmem>>, vector<1x16xf32>,
      %swap3A_576 = vector.shape_cast %swap3A_575 : vector<1x16xf32> to vector<16xf32>
      %swap3A_577 = vector.shape_cast %scan3A_541#6 : vector<16xf32> to vector<1x16xf32>
      tpu.vector_store %arg9[%swap3A_573, %swap3A_574], %swap3A_577 {strides = array<i32>} : memref<128x128xf32, #tpu.memory_space<vmem>>, vector<1x16xf32>,
      %swap3A_578 = arith.index_cast %add3A_493 : i32 to index
      %swap3A_579 = arith.constant 112 : index
      %swap3A_580 = tpu.vector_load %arg9[%swap3A_578, %swap3A_579] {strides = array<i32>} : memref<128x128xf32, #tpu.memory_space<vmem>>, vector<1x16xf32>,
      %swap3A_581 = vector.shape_cast %swap3A_580 : vector<1x16xf32> to vector<16xf32>
      %swap3A_582 = vector.shape_cast %scan3A_541#7 : vector<16xf32> to vector<1x16xf32>
      tpu.vector_store %arg9[%swap3A_578, %swap3A_579], %swap3A_582 {strides = array<i32>} : memref<128x128xf32, #tpu.memory_space<vmem>>, vector<1x16xf32>,
      %add3A_583 = arith.constant 3 : i32
      %add3A_584 = arith.addi %add3A_493, %add3A_583 : i32
      %lt3A_585 = arith.constant 128 : i32
      %lt3A_586 = arith.cmpi slt, %add3A_584, %lt3A_585 : i32
      %convert_element_type3A_587 = arith.extui %lt3A_586 : i1 to i32
      %cond3A_588 = arith.constant 0 : i32
      %cond3A_589 = arith.cmpi ne, %convert_element_type3A_587, %cond3A_588 : i32
      scf.if %cond3A_589 {
        %add3A_590 = arith.constant 3 : i32
        %add3A_591 = arith.addi %add3A_493, %add3A_590 : i32
        %add3A_592 = arith.addi %mul3A_2, %add3A_591 : i32
        %dma_wait3A_593 = arith.constant 0 : i32
        %dma_wait3A_594 = tpu.memref_slice %arg2[%add3A_592, %dma_wait3A_593] : memref<4096x200xi32, #tpu.memory_space<hbm>> -> memref<1x200xi32, #tpu.memory_space<hbm>>
        %dma_wait3A_595 = tpu.memref_squeeze %dma_wait3A_594 : memref<1x200xi32, #tpu.memory_space<hbm>> -> memref<200xi32, #tpu.memory_space<hbm>>
        %dma_wait3A_596 = arith.constant 0 : i32
        %dma_wait3A_597 = tpu.memref_slice %arg2[%add3A_592, %dma_wait3A_596] : memref<4096x200xi32, #tpu.memory_space<hbm>> -> memref<1x200xi32, #tpu.memory_space<hbm>>
        %dma_wait3A_598 = tpu.memref_squeeze %dma_wait3A_597 : memref<1x200xi32, #tpu.memory_space<hbm>> -> memref<200xi32, #tpu.memory_space<hbm>>
        tpu.wait_dma2 semaphore(%arg15 : memref<!tpu.dma_semaphore, #tpu.memory_space<semaphore_mem>>) src(%dma_wait3A_598 : memref<200xi32, #tpu.memory_space<hbm>>) dst(%arg7 : memref<200xi32, #tpu.memory_space<vmem>>)
        %dma_start3A_599 = arith.constant 2 : i32
        %dma_start3A_600 = arith.constant 0 : i32
        %dma_start3A_601 = arith.constant 0 : i32
        %dma_start3A_602 = tpu.memref_slice %arg8[%dma_start3A_599, %dma_start3A_600, %dma_start3A_601] : memref<3x200x128xf32, #tpu.memory_space<vmem>> -> memref<1x104x128xf32, #tpu.memory_space<vmem>>
        %dma_start3A_603 = tpu.memref_squeeze %dma_start3A_602 : memref<1x104x128xf32, #tpu.memory_space<vmem>> -> memref<104x128xf32, #tpu.memory_space<vmem>>
        %dma_start3A_604 = arith.constant 0 : i32
        %dma_start3A_605 = tpu.memref_slice %arg7[%dma_start3A_604] : memref<200xi32, #tpu.memory_space<vmem>> -> memref<104xi32, #tpu.memory_space<vmem>>
        %dma_start3A_606 = arith.constant 0 : i32
        %dma_start3A_607 = arith.constant 0 : i32
        %dma_start3A_608 = tpu.memref_slice %arg3[%dma_start3A_606, %dma_start3A_607] : memref<100000x128xf32, #tpu.memory_space<hbm>> -> memref<100000x128xf32, #tpu.memory_space<hbm>>
        tpu.enqueue_indirect_dma source(%dma_start3A_608 : memref<100000x128xf32, #tpu.memory_space<hbm>>) target(%dma_start3A_603 : memref<104x128xf32, #tpu.memory_space<vmem>>) offsets(%dma_start3A_605 : memref<104xi32, #tpu.memory_space<vmem>>) semaphore(%arg12 : memref<!tpu.dma_semaphore, #tpu.memory_space<semaphore_mem>>)
        %dma_start3A_609 = arith.constant 2 : i32
        %dma_start3A_610 = arith.constant 104 : i32
        %dma_start3A_611 = arith.constant 0 : i32
        %dma_start3A_612 = tpu.memref_slice %arg8[%dma_start3A_609, %dma_start3A_610, %dma_start3A_611] : memref<3x200x128xf32, #tpu.memory_space<vmem>> -> memref<1x96x128xf32, #tpu.memory_space<vmem>>
        %dma_start3A_613 = tpu.memref_squeeze %dma_start3A_612 : memref<1x96x128xf32, #tpu.memory_space<vmem>> -> memref<96x128xf32, #tpu.memory_space<vmem>>
        %dma_start3A_614 = arith.constant 104 : i32
        %dma_start3A_615 = tpu.memref_slice %arg7[%dma_start3A_614] : memref<200xi32, #tpu.memory_space<vmem>> -> memref<96xi32, #tpu.memory_space<vmem>>
        %dma_start3A_616 = arith.constant 0 : i32
        %dma_start3A_617 = arith.constant 0 : i32
        %dma_start3A_618 = tpu.memref_slice %arg3[%dma_start3A_616, %dma_start3A_617] : memref<100000x128xf32, #tpu.memory_space<hbm>> -> memref<100000x128xf32, #tpu.memory_space<hbm>>
        tpu.enqueue_indirect_dma source(%dma_start3A_618 : memref<100000x128xf32, #tpu.memory_space<hbm>>) target(%dma_start3A_613 : memref<96x128xf32, #tpu.memory_space<vmem>>) offsets(%dma_start3A_615 : memref<96xi32, #tpu.memory_space<vmem>>) semaphore(%arg12 : memref<!tpu.dma_semaphore, #tpu.memory_space<semaphore_mem>>)
      } else {
      }
    }
    %scan3A_113 = arith.constant 42 : i32
    %dma_wait3A_114 = arith.constant 0 : i32
    %dma_wait3A_115 = arith.constant 0 : i32
    %dma_wait3A_116 = arith.constant 0 : i32
    %dma_wait3A_117 = tpu.memref_slice %arg8[%dma_wait3A_114, %dma_wait3A_115, %dma_wait3A_116] : memref<3x200x128xf32, #tpu.memory_space<vmem>> -> memref<1x104x128xf32, #tpu.memory_space<vmem>>
    %dma_wait3A_118 = tpu.memref_squeeze %dma_wait3A_117 : memref<1x104x128xf32, #tpu.memory_space<vmem>> -> memref<104x128xf32, #tpu.memory_space<vmem>>
    %dma_wait3A_119 = arith.constant 0 : i32
    %dma_wait3A_120 = tpu.memref_slice %arg5[%dma_wait3A_119] : memref<200xi32, #tpu.memory_space<vmem>> -> memref<104xi32, #tpu.memory_space<vmem>>
    %dma_wait3A_121 = arith.constant 0 : i32
    %dma_wait3A_122 = arith.constant 0 : i32
    %dma_wait3A_123 = tpu.memref_slice %arg3[%dma_wait3A_121, %dma_wait3A_122] : memref<100000x128xf32, #tpu.memory_space<hbm>> -> memref<100000x128xf32, #tpu.memory_space<hbm>>
    tpu.wait_indirect_dma semaphore(%arg10 : memref<!tpu.dma_semaphore, #tpu.memory_space<semaphore_mem>>) src(%dma_wait3A_123 : memref<100000x128xf32, #tpu.memory_space<hbm>>) dst(%dma_wait3A_118 : memref<104x128xf32, #tpu.memory_space<vmem>>)
    %dma_wait3A_124 = arith.constant 0 : i32
    %dma_wait3A_125 = arith.constant 104 : i32
    %dma_wait3A_126 = arith.constant 0 : i32
    %dma_wait3A_127 = tpu.memref_slice %arg8[%dma_wait3A_124, %dma_wait3A_125, %dma_wait3A_126] : memref<3x200x128xf32, #tpu.memory_space<vmem>> -> memref<1x96x128xf32, #tpu.memory_space<vmem>>
    %dma_wait3A_128 = tpu.memref_squeeze %dma_wait3A_127 : memref<1x96x128xf32, #tpu.memory_space<vmem>> -> memref<96x128xf32, #tpu.memory_space<vmem>>
    %dma_wait3A_129 = arith.constant 104 : i32
    %dma_wait3A_130 = tpu.memref_slice %arg5[%dma_wait3A_129] : memref<200xi32, #tpu.memory_space<vmem>> -> memref<96xi32, #tpu.memory_space<vmem>>
    %dma_wait3A_131 = arith.constant 0 : i32
    %dma_wait3A_132 = arith.constant 0 : i32
    %dma_wait3A_133 = tpu.memref_slice %arg3[%dma_wait3A_131, %dma_wait3A_132] : memref<100000x128xf32, #tpu.memory_space<hbm>> -> memref<100000x128xf32, #tpu.memory_space<hbm>>
    tpu.wait_indirect_dma semaphore(%arg10 : memref<!tpu.dma_semaphore, #tpu.memory_space<semaphore_mem>>) src(%dma_wait3A_133 : memref<100000x128xf32, #tpu.memory_space<hbm>>) dst(%dma_wait3A_128 : memref<96x128xf32, #tpu.memory_space<vmem>>)
    %broadcast_in_dim3A = arith.constant 0.000000e+00 : f32
    %broadcast_in_dim3A_134 = vector.broadcast %broadcast_in_dim3A : f32 to vector<16xf32>
    %broadcast_in_dim3A_135 = arith.constant 0.000000e+00 : f32
    %broadcast_in_dim3A_136 = vector.broadcast %broadcast_in_dim3A_135 : f32 to vector<16xf32>
    %broadcast_in_dim3A_137 = arith.constant 0.000000e+00 : f32
    %broadcast_in_dim3A_138 = vector.broadcast %broadcast_in_dim3A_137 : f32 to vector<16xf32>
    %broadcast_in_dim3A_139 = arith.constant 0.000000e+00 : f32
    %broadcast_in_dim3A_140 = vector.broadcast %broadcast_in_dim3A_139 : f32 to vector<16xf32>
    %broadcast_in_dim3A_141 = arith.constant 0.000000e+00 : f32
    %broadcast_in_dim3A_142 = vector.broadcast %broadcast_in_dim3A_141 : f32 to vector<16xf32>
    %broadcast_in_dim3A_143 = arith.constant 0.000000e+00 : f32
    %broadcast_in_dim3A_144 = vector.broadcast %broadcast_in_dim3A_143 : f32 to vector<16xf32>
    %broadcast_in_dim3A_145 = arith.constant 0.000000e+00 : f32
    %broadcast_in_dim3A_146 = vector.broadcast %broadcast_in_dim3A_145 : f32 to vector<16xf32>
    %broadcast_in_dim3A_147 = arith.constant 0.000000e+00 : f32
    %broadcast_in_dim3A_148 = vector.broadcast %broadcast_in_dim3A_147 : f32 to vector<16xf32>
    %scan3A_149 = arith.constant 0 : i32
    %scan3A_150 = arith.constant 50 : i32
    %scan3A_151 = arith.addi %scan3A_149, %scan3A_150 : i32
    %scan3A_152 = arith.constant 1 : i32
    %scan3A_153:8 = scf.for %scan3A_292 = %scan3A_149 to %scan3A_151 step %scan3A_152 iter_args(%scan3A_293 = %broadcast_in_dim3A_134, %scan3A_294 = %broadcast_in_dim3A_136, %scan3A_295 = %broadcast_in_dim3A_138, %scan3A_296 = %broadcast_in_dim3A_140, %scan3A_297 = %broadcast_in_dim3A_142, %scan3A_298 = %broadcast_in_dim3A_144, %scan3A_299 = %broadcast_in_dim3A_146, %scan3A_300 = %broadcast_in_dim3A_148) -> (vector<16xf32>, vector<16xf32>, vector<16xf32>, vector<16xf32>, vector<16xf32>, vector<16xf32>, vector<16xf32>, vector<16xf32>)  : i32 {
      %mul3A_301 = arith.constant 4 : i32
      %mul3A_302 = arith.muli %mul3A_301, %scan3A_292 : i32
      %get3A = arith.constant 0 : i32
      %get3A_303 = arith.index_cast %get3A : i32 to index
      %get3A_304 = arith.index_cast %mul3A_302 : i32 to index
      %get3A_305 = arith.constant 0 : index
      %get3A_306 = tpu.vector_load %arg8[%get3A_303, %get3A_304, %get3A_305] {strides = array<i32>} : memref<3x200x128xf32, #tpu.memory_space<vmem>>, vector<1x1x16xf32>,
      %get3A_307 = vector.shape_cast %get3A_306 : vector<1x1x16xf32> to vector<16xf32>
      %add3A_308 = arith.constant 1 : i32
      %add3A_309 = arith.addi %mul3A_302, %add3A_308 : i32
      %get3A_310 = arith.constant 0 : i32
      %get3A_311 = arith.index_cast %get3A_310 : i32 to index
      %get3A_312 = arith.index_cast %add3A_309 : i32 to index
      %get3A_313 = arith.constant 0 : index
      %get3A_314 = tpu.vector_load %arg8[%get3A_311, %get3A_312, %get3A_313] {strides = array<i32>} : memref<3x200x128xf32, #tpu.memory_space<vmem>>, vector<1x1x16xf32>,
      %get3A_315 = vector.shape_cast %get3A_314 : vector<1x1x16xf32> to vector<16xf32>
      %add3A_316 = arith.addf %get3A_307, %get3A_315 : vector<16xf32>
      %add3A_317 = arith.constant 2 : i32
      %add3A_318 = arith.addi %mul3A_302, %add3A_317 : i32
      %get3A_319 = arith.constant 0 : i32
      %get3A_320 = arith.index_cast %get3A_319 : i32 to index
      %get3A_321 = arith.index_cast %add3A_318 : i32 to index
      %get3A_322 = arith.constant 0 : index
      %get3A_323 = tpu.vector_load %arg8[%get3A_320, %get3A_321, %get3A_322] {strides = array<i32>} : memref<3x200x128xf32, #tpu.memory_space<vmem>>, vector<1x1x16xf32>,
      %get3A_324 = vector.shape_cast %get3A_323 : vector<1x1x16xf32> to vector<16xf32>
      %add3A_325 = arith.constant 3 : i32
      %add3A_326 = arith.addi %mul3A_302, %add3A_325 : i32
      %get3A_327 = arith.constant 0 : i32
      %get3A_328 = arith.index_cast %get3A_327 : i32 to index
      %get3A_329 = arith.index_cast %add3A_326 : i32 to index
      %get3A_330 = arith.constant 0 : index
      %get3A_331 = tpu.vector_load %arg8[%get3A_328, %get3A_329, %get3A_330] {strides = array<i32>} : memref<3x200x128xf32, #tpu.memory_space<vmem>>, vector<1x1x16xf32>,
      %get3A_332 = vector.shape_cast %get3A_331 : vector<1x1x16xf32> to vector<16xf32>
      %add3A_333 = arith.addf %get3A_324, %get3A_332 : vector<16xf32>
      %add3A_334 = arith.addf %add3A_316, %add3A_333 : vector<16xf32>
      %add3A_335 = arith.addf %scan3A_293, %add3A_334 : vector<16xf32>
      %get3A_336 = arith.constant 0 : i32
      %get3A_337 = arith.index_cast %get3A_336 : i32 to index
      %get3A_338 = arith.index_cast %mul3A_302 : i32 to index
      %get3A_339 = arith.constant 16 : index
      %get3A_340 = tpu.vector_load %arg8[%get3A_337, %get3A_338, %get3A_339] {strides = array<i32>} : memref<3x200x128xf32, #tpu.memory_space<vmem>>, vector<1x1x16xf32>,
      %get3A_341 = vector.shape_cast %get3A_340 : vector<1x1x16xf32> to vector<16xf32>
      %add3A_342 = arith.constant 1 : i32
      %add3A_343 = arith.addi %mul3A_302, %add3A_342 : i32
      %get3A_344 = arith.constant 0 : i32
      %get3A_345 = arith.index_cast %get3A_344 : i32 to index
      %get3A_346 = arith.index_cast %add3A_343 : i32 to index
      %get3A_347 = arith.constant 16 : index
      %get3A_348 = tpu.vector_load %arg8[%get3A_345, %get3A_346, %get3A_347] {strides = array<i32>} : memref<3x200x128xf32, #tpu.memory_space<vmem>>, vector<1x1x16xf32>,
      %get3A_349 = vector.shape_cast %get3A_348 : vector<1x1x16xf32> to vector<16xf32>
      %add3A_350 = arith.addf %get3A_341, %get3A_349 : vector<16xf32>
      %add3A_351 = arith.constant 2 : i32
      %add3A_352 = arith.addi %mul3A_302, %add3A_351 : i32
      %get3A_353 = arith.constant 0 : i32
      %get3A_354 = arith.index_cast %get3A_353 : i32 to index
      %get3A_355 = arith.index_cast %add3A_352 : i32 to index
      %get3A_356 = arith.constant 16 : index
      %get3A_357 = tpu.vector_load %arg8[%get3A_354, %get3A_355, %get3A_356] {strides = array<i32>} : memref<3x200x128xf32, #tpu.memory_space<vmem>>, vector<1x1x16xf32>,
      %get3A_358 = vector.shape_cast %get3A_357 : vector<1x1x16xf32> to vector<16xf32>
      %add3A_359 = arith.constant 3 : i32
      %add3A_360 = arith.addi %mul3A_302, %add3A_359 : i32
      %get3A_361 = arith.constant 0 : i32
      %get3A_362 = arith.index_cast %get3A_361 : i32 to index
      %get3A_363 = arith.index_cast %add3A_360 : i32 to index
      %get3A_364 = arith.constant 16 : index
      %get3A_365 = tpu.vector_load %arg8[%get3A_362, %get3A_363, %get3A_364] {strides = array<i32>} : memref<3x200x128xf32, #tpu.memory_space<vmem>>, vector<1x1x16xf32>,
      %get3A_366 = vector.shape_cast %get3A_365 : vector<1x1x16xf32> to vector<16xf32>
      %add3A_367 = arith.addf %get3A_358, %get3A_366 : vector<16xf32>
      %add3A_368 = arith.addf %add3A_350, %add3A_367 : vector<16xf32>
      %add3A_369 = arith.addf %scan3A_294, %add3A_368 : vector<16xf32>
      %get3A_370 = arith.constant 0 : i32
      %get3A_371 = arith.index_cast %get3A_370 : i32 to index
      %get3A_372 = arith.index_cast %mul3A_302 : i32 to index
      %get3A_373 = arith.constant 32 : index
      %get3A_374 = tpu.vector_load %arg8[%get3A_371, %get3A_372, %get3A_373] {strides = array<i32>} : memref<3x200x128xf32, #tpu.memory_space<vmem>>, vector<1x1x16xf32>,
      %get3A_375 = vector.shape_cast %get3A_374 : vector<1x1x16xf32> to vector<16xf32>
      %add3A_376 = arith.constant 1 : i32
      %add3A_377 = arith.addi %mul3A_302, %add3A_376 : i32
      %get3A_378 = arith.constant 0 : i32
      %get3A_379 = arith.index_cast %get3A_378 : i32 to index
      %get3A_380 = arith.index_cast %add3A_377 : i32 to index
      %get3A_381 = arith.constant 32 : index
      %get3A_382 = tpu.vector_load %arg8[%get3A_379, %get3A_380, %get3A_381] {strides = array<i32>} : memref<3x200x128xf32, #tpu.memory_space<vmem>>, vector<1x1x16xf32>,
      %get3A_383 = vector.shape_cast %get3A_382 : vector<1x1x16xf32> to vector<16xf32>
      %add3A_384 = arith.addf %get3A_375, %get3A_383 : vector<16xf32>
      %add3A_385 = arith.constant 2 : i32
      %add3A_386 = arith.addi %mul3A_302, %add3A_385 : i32
      %get3A_387 = arith.constant 0 : i32
      %get3A_388 = arith.index_cast %get3A_387 : i32 to index
      %get3A_389 = arith.index_cast %add3A_386 : i32 to index
      %get3A_390 = arith.constant 32 : index
      %get3A_391 = tpu.vector_load %arg8[%get3A_388, %get3A_389, %get3A_390] {strides = array<i32>} : memref<3x200x128xf32, #tpu.memory_space<vmem>>, vector<1x1x16xf32>,
      %get3A_392 = vector.shape_cast %get3A_391 : vector<1x1x16xf32> to vector<16xf32>
      %add3A_393 = arith.constant 3 : i32
      %add3A_394 = arith.addi %mul3A_302, %add3A_393 : i32
      %get3A_395 = arith.constant 0 : i32
      %get3A_396 = arith.index_cast %get3A_395 : i32 to index
      %get3A_397 = arith.index_cast %add3A_394 : i32 to index
      %get3A_398 = arith.constant 32 : index
      %get3A_399 = tpu.vector_load %arg8[%get3A_396, %get3A_397, %get3A_398] {strides = array<i32>} : memref<3x200x128xf32, #tpu.memory_space<vmem>>, vector<1x1x16xf32>,
      %get3A_400 = vector.shape_cast %get3A_399 : vector<1x1x16xf32> to vector<16xf32>
      %add3A_401 = arith.addf %get3A_392, %get3A_400 : vector<16xf32>
      %add3A_402 = arith.addf %add3A_384, %add3A_401 : vector<16xf32>
      %add3A_403 = arith.addf %scan3A_295, %add3A_402 : vector<16xf32>
      %get3A_404 = arith.constant 0 : i32
      %get3A_405 = arith.index_cast %get3A_404 : i32 to index
      %get3A_406 = arith.index_cast %mul3A_302 : i32 to index
      %get3A_407 = arith.constant 48 : index
      %get3A_408 = tpu.vector_load %arg8[%get3A_405, %get3A_406, %get3A_407] {strides = array<i32>} : memref<3x200x128xf32, #tpu.memory_space<vmem>>, vector<1x1x16xf32>,
      %get3A_409 = vector.shape_cast %get3A_408 : vector<1x1x16xf32> to vector<16xf32>
      %add3A_410 = arith.constant 1 : i32
      %add3A_411 = arith.addi %mul3A_302, %add3A_410 : i32
      %get3A_412 = arith.constant 0 : i32
      %get3A_413 = arith.index_cast %get3A_412 : i32 to index
      %get3A_414 = arith.index_cast %add3A_411 : i32 to index
      %get3A_415 = arith.constant 48 : index
      %get3A_416 = tpu.vector_load %arg8[%get3A_413, %get3A_414, %get3A_415] {strides = array<i32>} : memref<3x200x128xf32, #tpu.memory_space<vmem>>, vector<1x1x16xf32>,
      %get3A_417 = vector.shape_cast %get3A_416 : vector<1x1x16xf32> to vector<16xf32>
      %add3A_418 = arith.addf %get3A_409, %get3A_417 : vector<16xf32>
      %add3A_419 = arith.constant 2 : i32
      %add3A_420 = arith.addi %mul3A_302, %add3A_419 : i32
      %get3A_421 = arith.constant 0 : i32
      %get3A_422 = arith.index_cast %get3A_421 : i32 to index
      %get3A_423 = arith.index_cast %add3A_420 : i32 to index
      %get3A_424 = arith.constant 48 : index
      %get3A_425 = tpu.vector_load %arg8[%get3A_422, %get3A_423, %get3A_424] {strides = array<i32>} : memref<3x200x128xf32, #tpu.memory_space<vmem>>, vector<1x1x16xf32>,
      %get3A_426 = vector.shape_cast %get3A_425 : vector<1x1x16xf32> to vector<16xf32>
      %add3A_427 = arith.constant 3 : i32
      %add3A_428 = arith.addi %mul3A_302, %add3A_427 : i32
      %get3A_429 = arith.constant 0 : i32
      %get3A_430 = arith.index_cast %get3A_429 : i32 to index
      %get3A_431 = arith.index_cast %add3A_428 : i32 to index
      %get3A_432 = arith.constant 48 : index
      %get3A_433 = tpu.vector_load %arg8[%get3A_430, %get3A_431, %get3A_432] {strides = array<i32>} : memref<3x200x128xf32, #tpu.memory_space<vmem>>, vector<1x1x16xf32>,
      %get3A_434 = vector.shape_cast %get3A_433 : vector<1x1x16xf32> to vector<16xf32>
      %add3A_435 = arith.addf %get3A_426, %get3A_434 : vector<16xf32>
      %add3A_436 = arith.addf %add3A_418, %add3A_435 : vector<16xf32>
      %add3A_437 = arith.addf %scan3A_296, %add3A_436 : vector<16xf32>
      %get3A_438 = arith.constant 0 : i32
      %get3A_439 = arith.index_cast %get3A_438 : i32 to index
      %get3A_440 = arith.index_cast %mul3A_302 : i32 to index
      %get3A_441 = arith.constant 64 : index
      %get3A_442 = tpu.vector_load %arg8[%get3A_439, %get3A_440, %get3A_441] {strides = array<i32>} : memref<3x200x128xf32, #tpu.memory_space<vmem>>, vector<1x1x16xf32>,
      %get3A_443 = vector.shape_cast %get3A_442 : vector<1x1x16xf32> to vector<16xf32>
      %add3A_444 = arith.constant 1 : i32
      %add3A_445 = arith.addi %mul3A_302, %add3A_444 : i32
      %get3A_446 = arith.constant 0 : i32
      %get3A_447 = arith.index_cast %get3A_446 : i32 to index
      %get3A_448 = arith.index_cast %add3A_445 : i32 to index
      %get3A_449 = arith.constant 64 : index
      %get3A_450 = tpu.vector_load %arg8[%get3A_447, %get3A_448, %get3A_449] {strides = array<i32>} : memref<3x200x128xf32, #tpu.memory_space<vmem>>, vector<1x1x16xf32>,
      %get3A_451 = vector.shape_cast %get3A_450 : vector<1x1x16xf32> to vector<16xf32>
      %add3A_452 = arith.addf %get3A_443, %get3A_451 : vector<16xf32>
      %add3A_453 = arith.constant 2 : i32
      %add3A_454 = arith.addi %mul3A_302, %add3A_453 : i32
      %get3A_455 = arith.constant 0 : i32
      %get3A_456 = arith.index_cast %get3A_455 : i32 to index
      %get3A_457 = arith.index_cast %add3A_454 : i32 to index
      %get3A_458 = arith.constant 64 : index
      %get3A_459 = tpu.vector_load %arg8[%get3A_456, %get3A_457, %get3A_458] {strides = array<i32>} : memref<3x200x128xf32, #tpu.memory_space<vmem>>, vector<1x1x16xf32>,
      %get3A_460 = vector.shape_cast %get3A_459 : vector<1x1x16xf32> to vector<16xf32>
      %add3A_461 = arith.constant 3 : i32
      %add3A_462 = arith.addi %mul3A_302, %add3A_461 : i32
      %get3A_463 = arith.constant 0 : i32
      %get3A_464 = arith.index_cast %get3A_463 : i32 to index
      %get3A_465 = arith.index_cast %add3A_462 : i32 to index
      %get3A_466 = arith.constant 64 : index
      %get3A_467 = tpu.vector_load %arg8[%get3A_464, %get3A_465, %get3A_466] {strides = array<i32>} : memref<3x200x128xf32, #tpu.memory_space<vmem>>, vector<1x1x16xf32>,
      %get3A_468 = vector.shape_cast %get3A_467 : vector<1x1x16xf32> to vector<16xf32>
      %add3A_469 = arith.addf %get3A_460, %get3A_468 : vector<16xf32>
      %add3A_470 = arith.addf %add3A_452, %add3A_469 : vector<16xf32>
      %add3A_471 = arith.addf %scan3A_297, %add3A_470 : vector<16xf32>
      %get3A_472 = arith.constant 0 : i32
      %get3A_473 = arith.index_cast %get3A_472 : i32 to index
      %get3A_474 = arith.index_cast %mul3A_302 : i32 to index
      %get3A_475 = arith.constant 80 : index
      %get3A_476 = tpu.vector_load %arg8[%get3A_473, %get3A_474, %get3A_475] {strides = array<i32>} : memref<3x200x128xf32, #tpu.memory_space<vmem>>, vector<1x1x16xf32>,
      %get3A_477 = vector.shape_cast %get3A_476 : vector<1x1x16xf32> to vector<16xf32>
      %add3A_478 = arith.constant 1 : i32
      %add3A_479 = arith.addi %mul3A_302, %add3A_478 : i32
      %get3A_480 = arith.constant 0 : i32
      %get3A_481 = arith.index_cast %get3A_480 : i32 to index
      %get3A_482 = arith.index_cast %add3A_479 : i32 to index
      %get3A_483 = arith.constant 80 : index
      %get3A_484 = tpu.vector_load %arg8[%get3A_481, %get3A_482, %get3A_483] {strides = array<i32>} : memref<3x200x128xf32, #tpu.memory_space<vmem>>, vector<1x1x16xf32>,
      %get3A_485 = vector.shape_cast %get3A_484 : vector<1x1x16xf32> to vector<16xf32>
      %add3A_486 = arith.addf %get3A_477, %get3A_485 : vector<16xf32>
      %add3A_487 = arith.constant 2 : i32
      %add3A_488 = arith.addi %mul3A_302, %add3A_487 : i32
      %get3A_489 = arith.constant 0 : i32
      %get3A_490 = arith.index_cast %get3A_489 : i32 to index
      %get3A_491 = arith.index_cast %add3A_488 : i32 to index
      %get3A_492 = arith.constant 80 : index
      %get3A_493 = tpu.vector_load %arg8[%get3A_490, %get3A_491, %get3A_492] {strides = array<i32>} : memref<3x200x128xf32, #tpu.memory_space<vmem>>, vector<1x1x16xf32>,
      %get3A_494 = vector.shape_cast %get3A_493 : vector<1x1x16xf32> to vector<16xf32>
      %add3A_495 = arith.constant 3 : i32
      %add3A_496 = arith.addi %mul3A_302, %add3A_495 : i32
      %get3A_497 = arith.constant 0 : i32
      %get3A_498 = arith.index_cast %get3A_497 : i32 to index
      %get3A_499 = arith.index_cast %add3A_496 : i32 to index
      %get3A_500 = arith.constant 80 : index
      %get3A_501 = tpu.vector_load %arg8[%get3A_498, %get3A_499, %get3A_500] {strides = array<i32>} : memref<3x200x128xf32, #tpu.memory_space<vmem>>, vector<1x1x16xf32>,
      %get3A_502 = vector.shape_cast %get3A_501 : vector<1x1x16xf32> to vector<16xf32>
      %add3A_503 = arith.addf %get3A_494, %get3A_502 : vector<16xf32>
      %add3A_504 = arith.addf %add3A_486, %add3A_503 : vector<16xf32>
      %add3A_505 = arith.addf %scan3A_298, %add3A_504 : vector<16xf32>
      %get3A_506 = arith.constant 0 : i32
      %get3A_507 = arith.index_cast %get3A_506 : i32 to index
      %get3A_508 = arith.index_cast %mul3A_302 : i32 to index
      %get3A_509 = arith.constant 96 : index
      %get3A_510 = tpu.vector_load %arg8[%get3A_507, %get3A_508, %get3A_509] {strides = array<i32>} : memref<3x200x128xf32, #tpu.memory_space<vmem>>, vector<1x1x16xf32>,
      %get3A_511 = vector.shape_cast %get3A_510 : vector<1x1x16xf32> to vector<16xf32>
      %add3A_512 = arith.constant 1 : i32
      %add3A_513 = arith.addi %mul3A_302, %add3A_512 : i32
      %get3A_514 = arith.constant 0 : i32
      %get3A_515 = arith.index_cast %get3A_514 : i32 to index
      %get3A_516 = arith.index_cast %add3A_513 : i32 to index
      %get3A_517 = arith.constant 96 : index
      %get3A_518 = tpu.vector_load %arg8[%get3A_515, %get3A_516, %get3A_517] {strides = array<i32>} : memref<3x200x128xf32, #tpu.memory_space<vmem>>, vector<1x1x16xf32>,
      %get3A_519 = vector.shape_cast %get3A_518 : vector<1x1x16xf32> to vector<16xf32>
      %add3A_520 = arith.addf %get3A_511, %get3A_519 : vector<16xf32>
      %add3A_521 = arith.constant 2 : i32
      %add3A_522 = arith.addi %mul3A_302, %add3A_521 : i32
      %get3A_523 = arith.constant 0 : i32
      %get3A_524 = arith.index_cast %get3A_523 : i32 to index
      %get3A_525 = arith.index_cast %add3A_522 : i32 to index
      %get3A_526 = arith.constant 96 : index
      %get3A_527 = tpu.vector_load %arg8[%get3A_524, %get3A_525, %get3A_526] {strides = array<i32>} : memref<3x200x128xf32, #tpu.memory_space<vmem>>, vector<1x1x16xf32>,
      %get3A_528 = vector.shape_cast %get3A_527 : vector<1x1x16xf32> to vector<16xf32>
      %add3A_529 = arith.constant 3 : i32
      %add3A_530 = arith.addi %mul3A_302, %add3A_529 : i32
      %get3A_531 = arith.constant 0 : i32
      %get3A_532 = arith.index_cast %get3A_531 : i32 to index
      %get3A_533 = arith.index_cast %add3A_530 : i32 to index
      %get3A_534 = arith.constant 96 : index
      %get3A_535 = tpu.vector_load %arg8[%get3A_532, %get3A_533, %get3A_534] {strides = array<i32>} : memref<3x200x128xf32, #tpu.memory_space<vmem>>, vector<1x1x16xf32>,
      %get3A_536 = vector.shape_cast %get3A_535 : vector<1x1x16xf32> to vector<16xf32>
      %add3A_537 = arith.addf %get3A_528, %get3A_536 : vector<16xf32>
      %add3A_538 = arith.addf %add3A_520, %add3A_537 : vector<16xf32>
      %add3A_539 = arith.addf %scan3A_299, %add3A_538 : vector<16xf32>
      %get3A_540 = arith.constant 0 : i32
      %get3A_541 = arith.index_cast %get3A_540 : i32 to index
      %get3A_542 = arith.index_cast %mul3A_302 : i32 to index
      %get3A_543 = arith.constant 112 : index
      %get3A_544 = tpu.vector_load %arg8[%get3A_541, %get3A_542, %get3A_543] {strides = array<i32>} : memref<3x200x128xf32, #tpu.memory_space<vmem>>, vector<1x1x16xf32>,
      %get3A_545 = vector.shape_cast %get3A_544 : vector<1x1x16xf32> to vector<16xf32>
      %add3A_546 = arith.constant 1 : i32
      %add3A_547 = arith.addi %mul3A_302, %add3A_546 : i32
      %get3A_548 = arith.constant 0 : i32
      %get3A_549 = arith.index_cast %get3A_548 : i32 to index
      %get3A_550 = arith.index_cast %add3A_547 : i32 to index
      %get3A_551 = arith.constant 112 : index
      %get3A_552 = tpu.vector_load %arg8[%get3A_549, %get3A_550, %get3A_551] {strides = array<i32>} : memref<3x200x128xf32, #tpu.memory_space<vmem>>, vector<1x1x16xf32>,
      %get3A_553 = vector.shape_cast %get3A_552 : vector<1x1x16xf32> to vector<16xf32>
      %add3A_554 = arith.addf %get3A_545, %get3A_553 : vector<16xf32>
      %add3A_555 = arith.constant 2 : i32
      %add3A_556 = arith.addi %mul3A_302, %add3A_555 : i32
      %get3A_557 = arith.constant 0 : i32
      %get3A_558 = arith.index_cast %get3A_557 : i32 to index
      %get3A_559 = arith.index_cast %add3A_556 : i32 to index
      %get3A_560 = arith.constant 112 : index
      %get3A_561 = tpu.vector_load %arg8[%get3A_558, %get3A_559, %get3A_560] {strides = array<i32>} : memref<3x200x128xf32, #tpu.memory_space<vmem>>, vector<1x1x16xf32>,
      %get3A_562 = vector.shape_cast %get3A_561 : vector<1x1x16xf32> to vector<16xf32>
      %add3A_563 = arith.constant 3 : i32
      %add3A_564 = arith.addi %mul3A_302, %add3A_563 : i32
      %get3A_565 = arith.constant 0 : i32
      %get3A_566 = arith.index_cast %get3A_565 : i32 to index
      %get3A_567 = arith.index_cast %add3A_564 : i32 to index
      %get3A_568 = arith.constant 112 : index
      %get3A_569 = tpu.vector_load %arg8[%get3A_566, %get3A_567, %get3A_568] {strides = array<i32>} : memref<3x200x128xf32, #tpu.memory_space<vmem>>, vector<1x1x16xf32>,
      %get3A_570 = vector.shape_cast %get3A_569 : vector<1x1x16xf32> to vector<16xf32>
      %add3A_571 = arith.addf %get3A_562, %get3A_570 : vector<16xf32>
      %add3A_572 = arith.addf %add3A_554, %add3A_571 : vector<16xf32>
      %add3A_573 = arith.addf %scan3A_300, %add3A_572 : vector<16xf32>
      scf.yield %add3A_335, %add3A_369, %add3A_403, %add3A_437, %add3A_471, %add3A_505, %add3A_539, %add3A_573 : vector<16xf32>, vector<16xf32>, vector<16xf32>, vector<16xf32>, vector<16xf32>, vector<16xf32>, vector<16xf32>, vector<16xf32>
    }
    %scan3A_154 = arith.constant 50 : i32
    %swap3A = arith.constant 126 : i32
    %swap3A_155 = arith.index_cast %swap3A : i32 to index
    %swap3A_156 = arith.constant 0 : index
    %swap3A_157 = tpu.vector_load %arg9[%swap3A_155, %swap3A_156] {strides = array<i32>} : memref<128x128xf32, #tpu.memory_space<vmem>>, vector<1x16xf32>,
    %swap3A_158 = vector.shape_cast %swap3A_157 : vector<1x16xf32> to vector<16xf32>
    %swap3A_159 = vector.shape_cast %scan3A_153#0 : vector<16xf32> to vector<1x16xf32>
    tpu.vector_store %arg9[%swap3A_155, %swap3A_156], %swap3A_159 {strides = array<i32>} : memref<128x128xf32, #tpu.memory_space<vmem>>, vector<1x16xf32>,
    %swap3A_160 = arith.constant 126 : i32
    %swap3A_161 = arith.index_cast %swap3A_160 : i32 to index
    %swap3A_162 = arith.constant 16 : index
    %swap3A_163 = tpu.vector_load %arg9[%swap3A_161, %swap3A_162] {strides = array<i32>} : memref<128x128xf32, #tpu.memory_space<vmem>>, vector<1x16xf32>,
    %swap3A_164 = vector.shape_cast %swap3A_163 : vector<1x16xf32> to vector<16xf32>
    %swap3A_165 = vector.shape_cast %scan3A_153#1 : vector<16xf32> to vector<1x16xf32>
    tpu.vector_store %arg9[%swap3A_161, %swap3A_162], %swap3A_165 {strides = array<i32>} : memref<128x128xf32, #tpu.memory_space<vmem>>, vector<1x16xf32>,
    %swap3A_166 = arith.constant 126 : i32
    %swap3A_167 = arith.index_cast %swap3A_166 : i32 to index
    %swap3A_168 = arith.constant 32 : index
    %swap3A_169 = tpu.vector_load %arg9[%swap3A_167, %swap3A_168] {strides = array<i32>} : memref<128x128xf32, #tpu.memory_space<vmem>>, vector<1x16xf32>,
    %swap3A_170 = vector.shape_cast %swap3A_169 : vector<1x16xf32> to vector<16xf32>
    %swap3A_171 = vector.shape_cast %scan3A_153#2 : vector<16xf32> to vector<1x16xf32>
    tpu.vector_store %arg9[%swap3A_167, %swap3A_168], %swap3A_171 {strides = array<i32>} : memref<128x128xf32, #tpu.memory_space<vmem>>, vector<1x16xf32>,
    %swap3A_172 = arith.constant 126 : i32
    %swap3A_173 = arith.index_cast %swap3A_172 : i32 to index
    %swap3A_174 = arith.constant 48 : index
    %swap3A_175 = tpu.vector_load %arg9[%swap3A_173, %swap3A_174] {strides = array<i32>} : memref<128x128xf32, #tpu.memory_space<vmem>>, vector<1x16xf32>,
    %swap3A_176 = vector.shape_cast %swap3A_175 : vector<1x16xf32> to vector<16xf32>
    %swap3A_177 = vector.shape_cast %scan3A_153#3 : vector<16xf32> to vector<1x16xf32>
    tpu.vector_store %arg9[%swap3A_173, %swap3A_174], %swap3A_177 {strides = array<i32>} : memref<128x128xf32, #tpu.memory_space<vmem>>, vector<1x16xf32>,
    %swap3A_178 = arith.constant 126 : i32
    %swap3A_179 = arith.index_cast %swap3A_178 : i32 to index
    %swap3A_180 = arith.constant 64 : index
    %swap3A_181 = tpu.vector_load %arg9[%swap3A_179, %swap3A_180] {strides = array<i32>} : memref<128x128xf32, #tpu.memory_space<vmem>>, vector<1x16xf32>,
    %swap3A_182 = vector.shape_cast %swap3A_181 : vector<1x16xf32> to vector<16xf32>
    %swap3A_183 = vector.shape_cast %scan3A_153#4 : vector<16xf32> to vector<1x16xf32>
    tpu.vector_store %arg9[%swap3A_179, %swap3A_180], %swap3A_183 {strides = array<i32>} : memref<128x128xf32, #tpu.memory_space<vmem>>, vector<1x16xf32>,
    %swap3A_184 = arith.constant 126 : i32
    %swap3A_185 = arith.index_cast %swap3A_184 : i32 to index
    %swap3A_186 = arith.constant 80 : index
    %swap3A_187 = tpu.vector_load %arg9[%swap3A_185, %swap3A_186] {strides = array<i32>} : memref<128x128xf32, #tpu.memory_space<vmem>>, vector<1x16xf32>,
    %swap3A_188 = vector.shape_cast %swap3A_187 : vector<1x16xf32> to vector<16xf32>
    %swap3A_189 = vector.shape_cast %scan3A_153#5 : vector<16xf32> to vector<1x16xf32>
    tpu.vector_store %arg9[%swap3A_185, %swap3A_186], %swap3A_189 {strides = array<i32>} : memref<128x128xf32, #tpu.memory_space<vmem>>, vector<1x16xf32>,
    %swap3A_190 = arith.constant 126 : i32
    %swap3A_191 = arith.index_cast %swap3A_190 : i32 to index
    %swap3A_192 = arith.constant 96 : index
    %swap3A_193 = tpu.vector_load %arg9[%swap3A_191, %swap3A_192] {strides = array<i32>} : memref<128x128xf32, #tpu.memory_space<vmem>>, vector<1x16xf32>,
    %swap3A_194 = vector.shape_cast %swap3A_193 : vector<1x16xf32> to vector<16xf32>
    %swap3A_195 = vector.shape_cast %scan3A_153#6 : vector<16xf32> to vector<1x16xf32>
    tpu.vector_store %arg9[%swap3A_191, %swap3A_192], %swap3A_195 {strides = array<i32>} : memref<128x128xf32, #tpu.memory_space<vmem>>, vector<1x16xf32>,
    %swap3A_196 = arith.constant 126 : i32
    %swap3A_197 = arith.index_cast %swap3A_196 : i32 to index
    %swap3A_198 = arith.constant 112 : index
    %swap3A_199 = tpu.vector_load %arg9[%swap3A_197, %swap3A_198] {strides = array<i32>} : memref<128x128xf32, #tpu.memory_space<vmem>>, vector<1x16xf32>,
    %swap3A_200 = vector.shape_cast %swap3A_199 : vector<1x16xf32> to vector<16xf32>
    %swap3A_201 = vector.shape_cast %scan3A_153#7 : vector<16xf32> to vector<1x16xf32>
    tpu.vector_store %arg9[%swap3A_197, %swap3A_198], %swap3A_201 {strides = array<i32>} : memref<128x128xf32, #tpu.memory_space<vmem>>, vector<1x16xf32>,
    %dma_wait3A_202 = arith.constant 1 : i32
    %dma_wait3A_203 = arith.constant 0 : i32
    %dma_wait3A_204 = arith.constant 0 : i32
    %dma_wait3A_205 = tpu.memref_slice %arg8[%dma_wait3A_202, %dma_wait3A_203, %dma_wait3A_204] : memref<3x200x128xf32, #tpu.memory_space<vmem>> -> memref<1x104x128xf32, #tpu.memory_space<vmem>>
    %dma_wait3A_206 = tpu.memref_squeeze %dma_wait3A_205 : memref<1x104x128xf32, #tpu.memory_space<vmem>> -> memref<104x128xf32, #tpu.memory_space<vmem>>
    %dma_wait3A_207 = arith.constant 0 : i32
    %dma_wait3A_208 = tpu.memref_slice %arg6[%dma_wait3A_207] : memref<200xi32, #tpu.memory_space<vmem>> -> memref<104xi32, #tpu.memory_space<vmem>>
    %dma_wait3A_209 = arith.constant 0 : i32
    %dma_wait3A_210 = arith.constant 0 : i32
    %dma_wait3A_211 = tpu.memref_slice %arg3[%dma_wait3A_209, %dma_wait3A_210] : memref<100000x128xf32, #tpu.memory_space<hbm>> -> memref<100000x128xf32, #tpu.memory_space<hbm>>
    tpu.wait_indirect_dma semaphore(%arg11 : memref<!tpu.dma_semaphore, #tpu.memory_space<semaphore_mem>>) src(%dma_wait3A_211 : memref<100000x128xf32, #tpu.memory_space<hbm>>) dst(%dma_wait3A_206 : memref<104x128xf32, #tpu.memory_space<vmem>>)
    %dma_wait3A_212 = arith.constant 1 : i32
    %dma_wait3A_213 = arith.constant 104 : i32
    %dma_wait3A_214 = arith.constant 0 : i32
    %dma_wait3A_215 = tpu.memref_slice %arg8[%dma_wait3A_212, %dma_wait3A_213, %dma_wait3A_214] : memref<3x200x128xf32, #tpu.memory_space<vmem>> -> memref<1x96x128xf32, #tpu.memory_space<vmem>>
    %dma_wait3A_216 = tpu.memref_squeeze %dma_wait3A_215 : memref<1x96x128xf32, #tpu.memory_space<vmem>> -> memref<96x128xf32, #tpu.memory_space<vmem>>
    %dma_wait3A_217 = arith.constant 104 : i32
    %dma_wait3A_218 = tpu.memref_slice %arg6[%dma_wait3A_217] : memref<200xi32, #tpu.memory_space<vmem>> -> memref<96xi32, #tpu.memory_space<vmem>>
    %dma_wait3A_219 = arith.constant 0 : i32
    %dma_wait3A_220 = arith.constant 0 : i32
    %dma_wait3A_221 = tpu.memref_slice %arg3[%dma_wait3A_219, %dma_wait3A_220] : memref<100000x128xf32, #tpu.memory_space<hbm>> -> memref<100000x128xf32, #tpu.memory_space<hbm>>
    tpu.wait_indirect_dma semaphore(%arg11 : memref<!tpu.dma_semaphore, #tpu.memory_space<semaphore_mem>>) src(%dma_wait3A_221 : memref<100000x128xf32, #tpu.memory_space<hbm>>) dst(%dma_wait3A_216 : memref<96x128xf32, #tpu.memory_space<vmem>>)
    %broadcast_in_dim3A_222 = arith.constant 0.000000e+00 : f32
    %broadcast_in_dim3A_223 = vector.broadcast %broadcast_in_dim3A_222 : f32 to vector<16xf32>
    %broadcast_in_dim3A_224 = arith.constant 0.000000e+00 : f32
    %broadcast_in_dim3A_225 = vector.broadcast %broadcast_in_dim3A_224 : f32 to vector<16xf32>
    %broadcast_in_dim3A_226 = arith.constant 0.000000e+00 : f32
    %broadcast_in_dim3A_227 = vector.broadcast %broadcast_in_dim3A_226 : f32 to vector<16xf32>
    %broadcast_in_dim3A_228 = arith.constant 0.000000e+00 : f32
    %broadcast_in_dim3A_229 = vector.broadcast %broadcast_in_dim3A_228 : f32 to vector<16xf32>
    %broadcast_in_dim3A_230 = arith.constant 0.000000e+00 : f32
    %broadcast_in_dim3A_231 = vector.broadcast %broadcast_in_dim3A_230 : f32 to vector<16xf32>
    %broadcast_in_dim3A_232 = arith.constant 0.000000e+00 : f32
    %broadcast_in_dim3A_233 = vector.broadcast %broadcast_in_dim3A_232 : f32 to vector<16xf32>
    %broadcast_in_dim3A_234 = arith.constant 0.000000e+00 : f32
    %broadcast_in_dim3A_235 = vector.broadcast %broadcast_in_dim3A_234 : f32 to vector<16xf32>
    %broadcast_in_dim3A_236 = arith.constant 0.000000e+00 : f32
    %broadcast_in_dim3A_237 = vector.broadcast %broadcast_in_dim3A_236 : f32 to vector<16xf32>
    %scan3A_238 = arith.constant 0 : i32
    %scan3A_239 = arith.constant 50 : i32
    %scan3A_240 = arith.addi %scan3A_238, %scan3A_239 : i32
    %scan3A_241 = arith.constant 1 : i32
    %scan3A_242:8 = scf.for %scan3A_292 = %scan3A_238 to %scan3A_240 step %scan3A_241 iter_args(%scan3A_293 = %broadcast_in_dim3A_223, %scan3A_294 = %broadcast_in_dim3A_225, %scan3A_295 = %broadcast_in_dim3A_227, %scan3A_296 = %broadcast_in_dim3A_229, %scan3A_297 = %broadcast_in_dim3A_231, %scan3A_298 = %broadcast_in_dim3A_233, %scan3A_299 = %broadcast_in_dim3A_235, %scan3A_300 = %broadcast_in_dim3A_237) -> (vector<16xf32>, vector<16xf32>, vector<16xf32>, vector<16xf32>, vector<16xf32>, vector<16xf32>, vector<16xf32>, vector<16xf32>)  : i32 {
      %mul3A_301 = arith.constant 4 : i32
      %mul3A_302 = arith.muli %mul3A_301, %scan3A_292 : i32
      %get3A = arith.constant 1 : i32
      %get3A_303 = arith.index_cast %get3A : i32 to index
      %get3A_304 = arith.index_cast %mul3A_302 : i32 to index
      %get3A_305 = arith.constant 0 : index
      %get3A_306 = tpu.vector_load %arg8[%get3A_303, %get3A_304, %get3A_305] {strides = array<i32>} : memref<3x200x128xf32, #tpu.memory_space<vmem>>, vector<1x1x16xf32>,
      %get3A_307 = vector.shape_cast %get3A_306 : vector<1x1x16xf32> to vector<16xf32>
      %add3A_308 = arith.constant 1 : i32
      %add3A_309 = arith.addi %mul3A_302, %add3A_308 : i32
      %get3A_310 = arith.constant 1 : i32
      %get3A_311 = arith.index_cast %get3A_310 : i32 to index
      %get3A_312 = arith.index_cast %add3A_309 : i32 to index
      %get3A_313 = arith.constant 0 : index
      %get3A_314 = tpu.vector_load %arg8[%get3A_311, %get3A_312, %get3A_313] {strides = array<i32>} : memref<3x200x128xf32, #tpu.memory_space<vmem>>, vector<1x1x16xf32>,
      %get3A_315 = vector.shape_cast %get3A_314 : vector<1x1x16xf32> to vector<16xf32>
      %add3A_316 = arith.addf %get3A_307, %get3A_315 : vector<16xf32>
      %add3A_317 = arith.constant 2 : i32
      %add3A_318 = arith.addi %mul3A_302, %add3A_317 : i32
      %get3A_319 = arith.constant 1 : i32
      %get3A_320 = arith.index_cast %get3A_319 : i32 to index
      %get3A_321 = arith.index_cast %add3A_318 : i32 to index
      %get3A_322 = arith.constant 0 : index
      %get3A_323 = tpu.vector_load %arg8[%get3A_320, %get3A_321, %get3A_322] {strides = array<i32>} : memref<3x200x128xf32, #tpu.memory_space<vmem>>, vector<1x1x16xf32>,
      %get3A_324 = vector.shape_cast %get3A_323 : vector<1x1x16xf32> to vector<16xf32>
      %add3A_325 = arith.constant 3 : i32
      %add3A_326 = arith.addi %mul3A_302, %add3A_325 : i32
      %get3A_327 = arith.constant 1 : i32
      %get3A_328 = arith.index_cast %get3A_327 : i32 to index
      %get3A_329 = arith.index_cast %add3A_326 : i32 to index
      %get3A_330 = arith.constant 0 : index
      %get3A_331 = tpu.vector_load %arg8[%get3A_328, %get3A_329, %get3A_330] {strides = array<i32>} : memref<3x200x128xf32, #tpu.memory_space<vmem>>, vector<1x1x16xf32>,
      %get3A_332 = vector.shape_cast %get3A_331 : vector<1x1x16xf32> to vector<16xf32>
      %add3A_333 = arith.addf %get3A_324, %get3A_332 : vector<16xf32>
      %add3A_334 = arith.addf %add3A_316, %add3A_333 : vector<16xf32>
      %add3A_335 = arith.addf %scan3A_293, %add3A_334 : vector<16xf32>
      %get3A_336 = arith.constant 1 : i32
      %get3A_337 = arith.index_cast %get3A_336 : i32 to index
      %get3A_338 = arith.index_cast %mul3A_302 : i32 to index
      %get3A_339 = arith.constant 16 : index
      %get3A_340 = tpu.vector_load %arg8[%get3A_337, %get3A_338, %get3A_339] {strides = array<i32>} : memref<3x200x128xf32, #tpu.memory_space<vmem>>, vector<1x1x16xf32>,
      %get3A_341 = vector.shape_cast %get3A_340 : vector<1x1x16xf32> to vector<16xf32>
      %add3A_342 = arith.constant 1 : i32
      %add3A_343 = arith.addi %mul3A_302, %add3A_342 : i32
      %get3A_344 = arith.constant 1 : i32
      %get3A_345 = arith.index_cast %get3A_344 : i32 to index
      %get3A_346 = arith.index_cast %add3A_343 : i32 to index
      %get3A_347 = arith.constant 16 : index
      %get3A_348 = tpu.vector_load %arg8[%get3A_345, %get3A_346, %get3A_347] {strides = array<i32>} : memref<3x200x128xf32, #tpu.memory_space<vmem>>, vector<1x1x16xf32>,
      %get3A_349 = vector.shape_cast %get3A_348 : vector<1x1x16xf32> to vector<16xf32>
      %add3A_350 = arith.addf %get3A_341, %get3A_349 : vector<16xf32>
      %add3A_351 = arith.constant 2 : i32
      %add3A_352 = arith.addi %mul3A_302, %add3A_351 : i32
      %get3A_353 = arith.constant 1 : i32
      %get3A_354 = arith.index_cast %get3A_353 : i32 to index
      %get3A_355 = arith.index_cast %add3A_352 : i32 to index
      %get3A_356 = arith.constant 16 : index
      %get3A_357 = tpu.vector_load %arg8[%get3A_354, %get3A_355, %get3A_356] {strides = array<i32>} : memref<3x200x128xf32, #tpu.memory_space<vmem>>, vector<1x1x16xf32>,
      %get3A_358 = vector.shape_cast %get3A_357 : vector<1x1x16xf32> to vector<16xf32>
      %add3A_359 = arith.constant 3 : i32
      %add3A_360 = arith.addi %mul3A_302, %add3A_359 : i32
      %get3A_361 = arith.constant 1 : i32
      %get3A_362 = arith.index_cast %get3A_361 : i32 to index
      %get3A_363 = arith.index_cast %add3A_360 : i32 to index
      %get3A_364 = arith.constant 16 : index
      %get3A_365 = tpu.vector_load %arg8[%get3A_362, %get3A_363, %get3A_364] {strides = array<i32>} : memref<3x200x128xf32, #tpu.memory_space<vmem>>, vector<1x1x16xf32>,
      %get3A_366 = vector.shape_cast %get3A_365 : vector<1x1x16xf32> to vector<16xf32>
      %add3A_367 = arith.addf %get3A_358, %get3A_366 : vector<16xf32>
      %add3A_368 = arith.addf %add3A_350, %add3A_367 : vector<16xf32>
      %add3A_369 = arith.addf %scan3A_294, %add3A_368 : vector<16xf32>
      %get3A_370 = arith.constant 1 : i32
      %get3A_371 = arith.index_cast %get3A_370 : i32 to index
      %get3A_372 = arith.index_cast %mul3A_302 : i32 to index
      %get3A_373 = arith.constant 32 : index
      %get3A_374 = tpu.vector_load %arg8[%get3A_371, %get3A_372, %get3A_373] {strides = array<i32>} : memref<3x200x128xf32, #tpu.memory_space<vmem>>, vector<1x1x16xf32>,
      %get3A_375 = vector.shape_cast %get3A_374 : vector<1x1x16xf32> to vector<16xf32>
      %add3A_376 = arith.constant 1 : i32
      %add3A_377 = arith.addi %mul3A_302, %add3A_376 : i32
      %get3A_378 = arith.constant 1 : i32
      %get3A_379 = arith.index_cast %get3A_378 : i32 to index
      %get3A_380 = arith.index_cast %add3A_377 : i32 to index
      %get3A_381 = arith.constant 32 : index
      %get3A_382 = tpu.vector_load %arg8[%get3A_379, %get3A_380, %get3A_381] {strides = array<i32>} : memref<3x200x128xf32, #tpu.memory_space<vmem>>, vector<1x1x16xf32>,
      %get3A_383 = vector.shape_cast %get3A_382 : vector<1x1x16xf32> to vector<16xf32>
      %add3A_384 = arith.addf %get3A_375, %get3A_383 : vector<16xf32>
      %add3A_385 = arith.constant 2 : i32
      %add3A_386 = arith.addi %mul3A_302, %add3A_385 : i32
      %get3A_387 = arith.constant 1 : i32
      %get3A_388 = arith.index_cast %get3A_387 : i32 to index
      %get3A_389 = arith.index_cast %add3A_386 : i32 to index
      %get3A_390 = arith.constant 32 : index
      %get3A_391 = tpu.vector_load %arg8[%get3A_388, %get3A_389, %get3A_390] {strides = array<i32>} : memref<3x200x128xf32, #tpu.memory_space<vmem>>, vector<1x1x16xf32>,
      %get3A_392 = vector.shape_cast %get3A_391 : vector<1x1x16xf32> to vector<16xf32>
      %add3A_393 = arith.constant 3 : i32
      %add3A_394 = arith.addi %mul3A_302, %add3A_393 : i32
      %get3A_395 = arith.constant 1 : i32
      %get3A_396 = arith.index_cast %get3A_395 : i32 to index
      %get3A_397 = arith.index_cast %add3A_394 : i32 to index
      %get3A_398 = arith.constant 32 : index
      %get3A_399 = tpu.vector_load %arg8[%get3A_396, %get3A_397, %get3A_398] {strides = array<i32>} : memref<3x200x128xf32, #tpu.memory_space<vmem>>, vector<1x1x16xf32>,
      %get3A_400 = vector.shape_cast %get3A_399 : vector<1x1x16xf32> to vector<16xf32>
      %add3A_401 = arith.addf %get3A_392, %get3A_400 : vector<16xf32>
      %add3A_402 = arith.addf %add3A_384, %add3A_401 : vector<16xf32>
      %add3A_403 = arith.addf %scan3A_295, %add3A_402 : vector<16xf32>
      %get3A_404 = arith.constant 1 : i32
      %get3A_405 = arith.index_cast %get3A_404 : i32 to index
      %get3A_406 = arith.index_cast %mul3A_302 : i32 to index
      %get3A_407 = arith.constant 48 : index
      %get3A_408 = tpu.vector_load %arg8[%get3A_405, %get3A_406, %get3A_407] {strides = array<i32>} : memref<3x200x128xf32, #tpu.memory_space<vmem>>, vector<1x1x16xf32>,
      %get3A_409 = vector.shape_cast %get3A_408 : vector<1x1x16xf32> to vector<16xf32>
      %add3A_410 = arith.constant 1 : i32
      %add3A_411 = arith.addi %mul3A_302, %add3A_410 : i32
      %get3A_412 = arith.constant 1 : i32
      %get3A_413 = arith.index_cast %get3A_412 : i32 to index
      %get3A_414 = arith.index_cast %add3A_411 : i32 to index
      %get3A_415 = arith.constant 48 : index
      %get3A_416 = tpu.vector_load %arg8[%get3A_413, %get3A_414, %get3A_415] {strides = array<i32>} : memref<3x200x128xf32, #tpu.memory_space<vmem>>, vector<1x1x16xf32>,
      %get3A_417 = vector.shape_cast %get3A_416 : vector<1x1x16xf32> to vector<16xf32>
      %add3A_418 = arith.addf %get3A_409, %get3A_417 : vector<16xf32>
      %add3A_419 = arith.constant 2 : i32
      %add3A_420 = arith.addi %mul3A_302, %add3A_419 : i32
      %get3A_421 = arith.constant 1 : i32
      %get3A_422 = arith.index_cast %get3A_421 : i32 to index
      %get3A_423 = arith.index_cast %add3A_420 : i32 to index
      %get3A_424 = arith.constant 48 : index
      %get3A_425 = tpu.vector_load %arg8[%get3A_422, %get3A_423, %get3A_424] {strides = array<i32>} : memref<3x200x128xf32, #tpu.memory_space<vmem>>, vector<1x1x16xf32>,
      %get3A_426 = vector.shape_cast %get3A_425 : vector<1x1x16xf32> to vector<16xf32>
      %add3A_427 = arith.constant 3 : i32
      %add3A_428 = arith.addi %mul3A_302, %add3A_427 : i32
      %get3A_429 = arith.constant 1 : i32
      %get3A_430 = arith.index_cast %get3A_429 : i32 to index
      %get3A_431 = arith.index_cast %add3A_428 : i32 to index
      %get3A_432 = arith.constant 48 : index
      %get3A_433 = tpu.vector_load %arg8[%get3A_430, %get3A_431, %get3A_432] {strides = array<i32>} : memref<3x200x128xf32, #tpu.memory_space<vmem>>, vector<1x1x16xf32>,
      %get3A_434 = vector.shape_cast %get3A_433 : vector<1x1x16xf32> to vector<16xf32>
      %add3A_435 = arith.addf %get3A_426, %get3A_434 : vector<16xf32>
      %add3A_436 = arith.addf %add3A_418, %add3A_435 : vector<16xf32>
      %add3A_437 = arith.addf %scan3A_296, %add3A_436 : vector<16xf32>
      %get3A_438 = arith.constant 1 : i32
      %get3A_439 = arith.index_cast %get3A_438 : i32 to index
      %get3A_440 = arith.index_cast %mul3A_302 : i32 to index
      %get3A_441 = arith.constant 64 : index
      %get3A_442 = tpu.vector_load %arg8[%get3A_439, %get3A_440, %get3A_441] {strides = array<i32>} : memref<3x200x128xf32, #tpu.memory_space<vmem>>, vector<1x1x16xf32>,
      %get3A_443 = vector.shape_cast %get3A_442 : vector<1x1x16xf32> to vector<16xf32>
      %add3A_444 = arith.constant 1 : i32
      %add3A_445 = arith.addi %mul3A_302, %add3A_444 : i32
      %get3A_446 = arith.constant 1 : i32
      %get3A_447 = arith.index_cast %get3A_446 : i32 to index
      %get3A_448 = arith.index_cast %add3A_445 : i32 to index
      %get3A_449 = arith.constant 64 : index
      %get3A_450 = tpu.vector_load %arg8[%get3A_447, %get3A_448, %get3A_449] {strides = array<i32>} : memref<3x200x128xf32, #tpu.memory_space<vmem>>, vector<1x1x16xf32>,
      %get3A_451 = vector.shape_cast %get3A_450 : vector<1x1x16xf32> to vector<16xf32>
      %add3A_452 = arith.addf %get3A_443, %get3A_451 : vector<16xf32>
      %add3A_453 = arith.constant 2 : i32
      %add3A_454 = arith.addi %mul3A_302, %add3A_453 : i32
      %get3A_455 = arith.constant 1 : i32
      %get3A_456 = arith.index_cast %get3A_455 : i32 to index
      %get3A_457 = arith.index_cast %add3A_454 : i32 to index
      %get3A_458 = arith.constant 64 : index
      %get3A_459 = tpu.vector_load %arg8[%get3A_456, %get3A_457, %get3A_458] {strides = array<i32>} : memref<3x200x128xf32, #tpu.memory_space<vmem>>, vector<1x1x16xf32>,
      %get3A_460 = vector.shape_cast %get3A_459 : vector<1x1x16xf32> to vector<16xf32>
      %add3A_461 = arith.constant 3 : i32
      %add3A_462 = arith.addi %mul3A_302, %add3A_461 : i32
      %get3A_463 = arith.constant 1 : i32
      %get3A_464 = arith.index_cast %get3A_463 : i32 to index
      %get3A_465 = arith.index_cast %add3A_462 : i32 to index
      %get3A_466 = arith.constant 64 : index
      %get3A_467 = tpu.vector_load %arg8[%get3A_464, %get3A_465, %get3A_466] {strides = array<i32>} : memref<3x200x128xf32, #tpu.memory_space<vmem>>, vector<1x1x16xf32>,
      %get3A_468 = vector.shape_cast %get3A_467 : vector<1x1x16xf32> to vector<16xf32>
      %add3A_469 = arith.addf %get3A_460, %get3A_468 : vector<16xf32>
      %add3A_470 = arith.addf %add3A_452, %add3A_469 : vector<16xf32>
      %add3A_471 = arith.addf %scan3A_297, %add3A_470 : vector<16xf32>
      %get3A_472 = arith.constant 1 : i32
      %get3A_473 = arith.index_cast %get3A_472 : i32 to index
      %get3A_474 = arith.index_cast %mul3A_302 : i32 to index
      %get3A_475 = arith.constant 80 : index
      %get3A_476 = tpu.vector_load %arg8[%get3A_473, %get3A_474, %get3A_475] {strides = array<i32>} : memref<3x200x128xf32, #tpu.memory_space<vmem>>, vector<1x1x16xf32>,
      %get3A_477 = vector.shape_cast %get3A_476 : vector<1x1x16xf32> to vector<16xf32>
      %add3A_478 = arith.constant 1 : i32
      %add3A_479 = arith.addi %mul3A_302, %add3A_478 : i32
      %get3A_480 = arith.constant 1 : i32
      %get3A_481 = arith.index_cast %get3A_480 : i32 to index
      %get3A_482 = arith.index_cast %add3A_479 : i32 to index
      %get3A_483 = arith.constant 80 : index
      %get3A_484 = tpu.vector_load %arg8[%get3A_481, %get3A_482, %get3A_483] {strides = array<i32>} : memref<3x200x128xf32, #tpu.memory_space<vmem>>, vector<1x1x16xf32>,
      %get3A_485 = vector.shape_cast %get3A_484 : vector<1x1x16xf32> to vector<16xf32>
      %add3A_486 = arith.addf %get3A_477, %get3A_485 : vector<16xf32>
      %add3A_487 = arith.constant 2 : i32
      %add3A_488 = arith.addi %mul3A_302, %add3A_487 : i32
      %get3A_489 = arith.constant 1 : i32
      %get3A_490 = arith.index_cast %get3A_489 : i32 to index
      %get3A_491 = arith.index_cast %add3A_488 : i32 to index
      %get3A_492 = arith.constant 80 : index
      %get3A_493 = tpu.vector_load %arg8[%get3A_490, %get3A_491, %get3A_492] {strides = array<i32>} : memref<3x200x128xf32, #tpu.memory_space<vmem>>, vector<1x1x16xf32>,
      %get3A_494 = vector.shape_cast %get3A_493 : vector<1x1x16xf32> to vector<16xf32>
      %add3A_495 = arith.constant 3 : i32
      %add3A_496 = arith.addi %mul3A_302, %add3A_495 : i32
      %get3A_497 = arith.constant 1 : i32
      %get3A_498 = arith.index_cast %get3A_497 : i32 to index
      %get3A_499 = arith.index_cast %add3A_496 : i32 to index
      %get3A_500 = arith.constant 80 : index
      %get3A_501 = tpu.vector_load %arg8[%get3A_498, %get3A_499, %get3A_500] {strides = array<i32>} : memref<3x200x128xf32, #tpu.memory_space<vmem>>, vector<1x1x16xf32>,
      %get3A_502 = vector.shape_cast %get3A_501 : vector<1x1x16xf32> to vector<16xf32>
      %add3A_503 = arith.addf %get3A_494, %get3A_502 : vector<16xf32>
      %add3A_504 = arith.addf %add3A_486, %add3A_503 : vector<16xf32>
      %add3A_505 = arith.addf %scan3A_298, %add3A_504 : vector<16xf32>
      %get3A_506 = arith.constant 1 : i32
      %get3A_507 = arith.index_cast %get3A_506 : i32 to index
      %get3A_508 = arith.index_cast %mul3A_302 : i32 to index
      %get3A_509 = arith.constant 96 : index
      %get3A_510 = tpu.vector_load %arg8[%get3A_507, %get3A_508, %get3A_509] {strides = array<i32>} : memref<3x200x128xf32, #tpu.memory_space<vmem>>, vector<1x1x16xf32>,
      %get3A_511 = vector.shape_cast %get3A_510 : vector<1x1x16xf32> to vector<16xf32>
      %add3A_512 = arith.constant 1 : i32
      %add3A_513 = arith.addi %mul3A_302, %add3A_512 : i32
      %get3A_514 = arith.constant 1 : i32
      %get3A_515 = arith.index_cast %get3A_514 : i32 to index
      %get3A_516 = arith.index_cast %add3A_513 : i32 to index
      %get3A_517 = arith.constant 96 : index
      %get3A_518 = tpu.vector_load %arg8[%get3A_515, %get3A_516, %get3A_517] {strides = array<i32>} : memref<3x200x128xf32, #tpu.memory_space<vmem>>, vector<1x1x16xf32>,
      %get3A_519 = vector.shape_cast %get3A_518 : vector<1x1x16xf32> to vector<16xf32>
      %add3A_520 = arith.addf %get3A_511, %get3A_519 : vector<16xf32>
      %add3A_521 = arith.constant 2 : i32
      %add3A_522 = arith.addi %mul3A_302, %add3A_521 : i32
      %get3A_523 = arith.constant 1 : i32
      %get3A_524 = arith.index_cast %get3A_523 : i32 to index
      %get3A_525 = arith.index_cast %add3A_522 : i32 to index
      %get3A_526 = arith.constant 96 : index
      %get3A_527 = tpu.vector_load %arg8[%get3A_524, %get3A_525, %get3A_526] {strides = array<i32>} : memref<3x200x128xf32, #tpu.memory_space<vmem>>, vector<1x1x16xf32>,
      %get3A_528 = vector.shape_cast %get3A_527 : vector<1x1x16xf32> to vector<16xf32>
      %add3A_529 = arith.constant 3 : i32
      %add3A_530 = arith.addi %mul3A_302, %add3A_529 : i32
      %get3A_531 = arith.constant 1 : i32
      %get3A_532 = arith.index_cast %get3A_531 : i32 to index
      %get3A_533 = arith.index_cast %add3A_530 : i32 to index
      %get3A_534 = arith.constant 96 : index
      %get3A_535 = tpu.vector_load %arg8[%get3A_532, %get3A_533, %get3A_534] {strides = array<i32>} : memref<3x200x128xf32, #tpu.memory_space<vmem>>, vector<1x1x16xf32>,
      %get3A_536 = vector.shape_cast %get3A_535 : vector<1x1x16xf32> to vector<16xf32>
      %add3A_537 = arith.addf %get3A_528, %get3A_536 : vector<16xf32>
      %add3A_538 = arith.addf %add3A_520, %add3A_537 : vector<16xf32>
      %add3A_539 = arith.addf %scan3A_299, %add3A_538 : vector<16xf32>
      %get3A_540 = arith.constant 1 : i32
      %get3A_541 = arith.index_cast %get3A_540 : i32 to index
      %get3A_542 = arith.index_cast %mul3A_302 : i32 to index
      %get3A_543 = arith.constant 112 : index
      %get3A_544 = tpu.vector_load %arg8[%get3A_541, %get3A_542, %get3A_543] {strides = array<i32>} : memref<3x200x128xf32, #tpu.memory_space<vmem>>, vector<1x1x16xf32>,
      %get3A_545 = vector.shape_cast %get3A_544 : vector<1x1x16xf32> to vector<16xf32>
      %add3A_546 = arith.constant 1 : i32
      %add3A_547 = arith.addi %mul3A_302, %add3A_546 : i32
      %get3A_548 = arith.constant 1 : i32
      %get3A_549 = arith.index_cast %get3A_548 : i32 to index
      %get3A_550 = arith.index_cast %add3A_547 : i32 to index
      %get3A_551 = arith.constant 112 : index
      %get3A_552 = tpu.vector_load %arg8[%get3A_549, %get3A_550, %get3A_551] {strides = array<i32>} : memref<3x200x128xf32, #tpu.memory_space<vmem>>, vector<1x1x16xf32>,
      %get3A_553 = vector.shape_cast %get3A_552 : vector<1x1x16xf32> to vector<16xf32>
      %add3A_554 = arith.addf %get3A_545, %get3A_553 : vector<16xf32>
      %add3A_555 = arith.constant 2 : i32
      %add3A_556 = arith.addi %mul3A_302, %add3A_555 : i32
      %get3A_557 = arith.constant 1 : i32
      %get3A_558 = arith.index_cast %get3A_557 : i32 to index
      %get3A_559 = arith.index_cast %add3A_556 : i32 to index
      %get3A_560 = arith.constant 112 : index
      %get3A_561 = tpu.vector_load %arg8[%get3A_558, %get3A_559, %get3A_560] {strides = array<i32>} : memref<3x200x128xf32, #tpu.memory_space<vmem>>, vector<1x1x16xf32>,
      %get3A_562 = vector.shape_cast %get3A_561 : vector<1x1x16xf32> to vector<16xf32>
      %add3A_563 = arith.constant 3 : i32
      %add3A_564 = arith.addi %mul3A_302, %add3A_563 : i32
      %get3A_565 = arith.constant 1 : i32
      %get3A_566 = arith.index_cast %get3A_565 : i32 to index
      %get3A_567 = arith.index_cast %add3A_564 : i32 to index
      %get3A_568 = arith.constant 112 : index
      %get3A_569 = tpu.vector_load %arg8[%get3A_566, %get3A_567, %get3A_568] {strides = array<i32>} : memref<3x200x128xf32, #tpu.memory_space<vmem>>, vector<1x1x16xf32>,
      %get3A_570 = vector.shape_cast %get3A_569 : vector<1x1x16xf32> to vector<16xf32>
      %add3A_571 = arith.addf %get3A_562, %get3A_570 : vector<16xf32>
      %add3A_572 = arith.addf %add3A_554, %add3A_571 : vector<16xf32>
      %add3A_573 = arith.addf %scan3A_300, %add3A_572 : vector<16xf32>
      scf.yield %add3A_335, %add3A_369, %add3A_403, %add3A_437, %add3A_471, %add3A_505, %add3A_539, %add3A_573 : vector<16xf32>, vector<16xf32>, vector<16xf32>, vector<16xf32>, vector<16xf32>, vector<16xf32>, vector<16xf32>, vector<16xf32>
    }
    %scan3A_243 = arith.constant 50 : i32
    %swap3A_244 = arith.constant 127 : i32
    %swap3A_245 = arith.index_cast %swap3A_244 : i32 to index
    %swap3A_246 = arith.constant 0 : index
    %swap3A_247 = tpu.vector_load %arg9[%swap3A_245, %swap3A_246] {strides = array<i32>} : memref<128x128xf32, #tpu.memory_space<vmem>>, vector<1x16xf32>,
    %swap3A_248 = vector.shape_cast %swap3A_247 : vector<1x16xf32> to vector<16xf32>
    %swap3A_249 = vector.shape_cast %scan3A_242#0 : vector<16xf32> to vector<1x16xf32>
    tpu.vector_store %arg9[%swap3A_245, %swap3A_246], %swap3A_249 {strides = array<i32>} : memref<128x128xf32, #tpu.memory_space<vmem>>, vector<1x16xf32>,
    %swap3A_250 = arith.constant 127 : i32
    %swap3A_251 = arith.index_cast %swap3A_250 : i32 to index
    %swap3A_252 = arith.constant 16 : index
    %swap3A_253 = tpu.vector_load %arg9[%swap3A_251, %swap3A_252] {strides = array<i32>} : memref<128x128xf32, #tpu.memory_space<vmem>>, vector<1x16xf32>,
    %swap3A_254 = vector.shape_cast %swap3A_253 : vector<1x16xf32> to vector<16xf32>
    %swap3A_255 = vector.shape_cast %scan3A_242#1 : vector<16xf32> to vector<1x16xf32>
    tpu.vector_store %arg9[%swap3A_251, %swap3A_252], %swap3A_255 {strides = array<i32>} : memref<128x128xf32, #tpu.memory_space<vmem>>, vector<1x16xf32>,
    %swap3A_256 = arith.constant 127 : i32
    %swap3A_257 = arith.index_cast %swap3A_256 : i32 to index
    %swap3A_258 = arith.constant 32 : index
    %swap3A_259 = tpu.vector_load %arg9[%swap3A_257, %swap3A_258] {strides = array<i32>} : memref<128x128xf32, #tpu.memory_space<vmem>>, vector<1x16xf32>,
    %swap3A_260 = vector.shape_cast %swap3A_259 : vector<1x16xf32> to vector<16xf32>
    %swap3A_261 = vector.shape_cast %scan3A_242#2 : vector<16xf32> to vector<1x16xf32>
    tpu.vector_store %arg9[%swap3A_257, %swap3A_258], %swap3A_261 {strides = array<i32>} : memref<128x128xf32, #tpu.memory_space<vmem>>, vector<1x16xf32>,
    %swap3A_262 = arith.constant 127 : i32
    %swap3A_263 = arith.index_cast %swap3A_262 : i32 to index
    %swap3A_264 = arith.constant 48 : index
    %swap3A_265 = tpu.vector_load %arg9[%swap3A_263, %swap3A_264] {strides = array<i32>} : memref<128x128xf32, #tpu.memory_space<vmem>>, vector<1x16xf32>,
    %swap3A_266 = vector.shape_cast %swap3A_265 : vector<1x16xf32> to vector<16xf32>
    %swap3A_267 = vector.shape_cast %scan3A_242#3 : vector<16xf32> to vector<1x16xf32>
    tpu.vector_store %arg9[%swap3A_263, %swap3A_264], %swap3A_267 {strides = array<i32>} : memref<128x128xf32, #tpu.memory_space<vmem>>, vector<1x16xf32>,
    %swap3A_268 = arith.constant 127 : i32
    %swap3A_269 = arith.index_cast %swap3A_268 : i32 to index
    %swap3A_270 = arith.constant 64 : index
    %swap3A_271 = tpu.vector_load %arg9[%swap3A_269, %swap3A_270] {strides = array<i32>} : memref<128x128xf32, #tpu.memory_space<vmem>>, vector<1x16xf32>,
    %swap3A_272 = vector.shape_cast %swap3A_271 : vector<1x16xf32> to vector<16xf32>
    %swap3A_273 = vector.shape_cast %scan3A_242#4 : vector<16xf32> to vector<1x16xf32>
    tpu.vector_store %arg9[%swap3A_269, %swap3A_270], %swap3A_273 {strides = array<i32>} : memref<128x128xf32, #tpu.memory_space<vmem>>, vector<1x16xf32>,
    %swap3A_274 = arith.constant 127 : i32
    %swap3A_275 = arith.index_cast %swap3A_274 : i32 to index
    %swap3A_276 = arith.constant 80 : index
    %swap3A_277 = tpu.vector_load %arg9[%swap3A_275, %swap3A_276] {strides = array<i32>} : memref<128x128xf32, #tpu.memory_space<vmem>>, vector<1x16xf32>,
    %swap3A_278 = vector.shape_cast %swap3A_277 : vector<1x16xf32> to vector<16xf32>
    %swap3A_279 = vector.shape_cast %scan3A_242#5 : vector<16xf32> to vector<1x16xf32>
    tpu.vector_store %arg9[%swap3A_275, %swap3A_276], %swap3A_279 {strides = array<i32>} : memref<128x128xf32, #tpu.memory_space<vmem>>, vector<1x16xf32>,
    %swap3A_280 = arith.constant 127 : i32
    %swap3A_281 = arith.index_cast %swap3A_280 : i32 to index
    %swap3A_282 = arith.constant 96 : index
    %swap3A_283 = tpu.vector_load %arg9[%swap3A_281, %swap3A_282] {strides = array<i32>} : memref<128x128xf32, #tpu.memory_space<vmem>>, vector<1x16xf32>,
    %swap3A_284 = vector.shape_cast %swap3A_283 : vector<1x16xf32> to vector<16xf32>
    %swap3A_285 = vector.shape_cast %scan3A_242#6 : vector<16xf32> to vector<1x16xf32>
    tpu.vector_store %arg9[%swap3A_281, %swap3A_282], %swap3A_285 {strides = array<i32>} : memref<128x128xf32, #tpu.memory_space<vmem>>, vector<1x16xf32>,
    %swap3A_286 = arith.constant 127 : i32
    %swap3A_287 = arith.index_cast %swap3A_286 : i32 to index
    %swap3A_288 = arith.constant 112 : index
    %swap3A_289 = tpu.vector_load %arg9[%swap3A_287, %swap3A_288] {strides = array<i32>} : memref<128x128xf32, #tpu.memory_space<vmem>>, vector<1x16xf32>,
    %swap3A_290 = vector.shape_cast %swap3A_289 : vector<1x16xf32> to vector<16xf32>
    %swap3A_291 = vector.shape_cast %scan3A_242#7 : vector<16xf32> to vector<1x16xf32>
    tpu.vector_store %arg9[%swap3A_287, %swap3A_288], %swap3A_291 {strides = array<i32>} : memref<128x128xf32, #tpu.memory_space<vmem>>, vector<1x16xf32>,
    "tpu.region"() ({
      %run_scoped3A = tpu.sem_alloc : memref<!tpu.dma_semaphore, #tpu.memory_space<semaphore_mem>>
      %dma_start3A_292 = arith.constant 0 : i32
      %dma_start3A_293 = tpu.memref_slice %arg4[%mul3A_2, %dma_start3A_292] : memref<4096x128xf32, #tpu.memory_space<hbm>> -> memref<128x128xf32, #tpu.memory_space<hbm>>
      %dma_start3A_294 = arith.constant 0 : i32
      %dma_start3A_295 = tpu.memref_slice %arg4[%mul3A_2, %dma_start3A_294] : memref<4096x128xf32, #tpu.memory_space<hbm>> -> memref<128x128xf32, #tpu.memory_space<hbm>>
      tpu.enqueue_dma source(%arg9 : memref<128x128xf32, #tpu.memory_space<vmem>>) target(%dma_start3A_295 : memref<128x128xf32, #tpu.memory_space<hbm>>) target_semaphore(%run_scoped3A : memref<!tpu.dma_semaphore, #tpu.memory_space<semaphore_mem>>)
      %dma_wait3A_296 = arith.constant 0 : i32
      %dma_wait3A_297 = tpu.memref_slice %arg4[%mul3A_2, %dma_wait3A_296] : memref<4096x128xf32, #tpu.memory_space<hbm>> -> memref<128x128xf32, #tpu.memory_space<hbm>>
      %dma_wait3A_298 = arith.constant 0 : i32
      %dma_wait3A_299 = tpu.memref_slice %arg4[%mul3A_2, %dma_wait3A_298] : memref<4096x128xf32, #tpu.memory_space<hbm>> -> memref<128x128xf32, #tpu.memory_space<hbm>>
      tpu.wait_dma2 semaphore(%run_scoped3A : memref<!tpu.dma_semaphore, #tpu.memory_space<semaphore_mem>>) src(%arg9 : memref<128x128xf32, #tpu.memory_space<vmem>>) dst(%dma_wait3A_299 : memref<128x128xf32, #tpu.memory_space<hbm>>)
      tpu.yield
    }) : () -> ()
    return
  }
}

module attributes {stable_mosaic.version = 14 : i64} {
  func.func @_mm_body(%arg0: i32, %arg1: memref<512x128xf32, #tpu.memory_space<vmem>>, %arg2: memref<1000x128xf32, #tpu.memory_space<vmem>>, %arg3: memref<1000x1xf32, #tpu.memory_space<vmem>>, %arg4: memref<1000x512xf32, #tpu.memory_space<vmem>>) attributes {dimension_semantics = [#tpu.dimension_semantics<arbitrary>], iteration_bounds = array<i64: 8>, scalar_prefetch = 0 : i64, scratch_operands = 0 : i64, tpu.core_type = #tpu.core_type<tc>, window_params = [{transform_indices = @transform_0, window_bounds = array<i64: 512, 128>}, {pipeline_mode = #tpu.pipeline_mode<synchronous>, transform_indices = @transform_1, window_bounds = array<i64: 1000, 128>}, {pipeline_mode = #tpu.pipeline_mode<synchronous>, transform_indices = @transform_2, window_bounds = array<i64: 1000, 1>}, {transform_indices = @transform_3, window_bounds = array<i64: 1000, 512>}]} {
    %get3A = arith.constant 0 : index
    %get3A_0 = arith.constant 0 : index
    %get3A_1 = vector.load %arg2[%get3A, %get3A_0] : memref<1000x128xf32, #tpu.memory_space<vmem>>, vector<1000x128xf32>
    %get3A_2 = arith.constant 0 : index
    %get3A_3 = arith.constant 0 : index
    %get3A_4 = vector.load %arg1[%get3A_2, %get3A_3] : memref<512x128xf32, #tpu.memory_space<vmem>>, vector<512x128xf32>
    %mul3A = arith.constant 5.000000e-03 : f32
    %mul3A_5 = vector.broadcast %mul3A : f32 to vector<512x128xf32>
    %mul3A_6 = arith.mulf %get3A_4, %mul3A_5 : vector<512x128xf32>
    %dot_general3A = arith.constant dense<0.000000e+00> : vector<1000x512xf32>
    %dot_general3A_7 = tpu.matmul %get3A_1, %mul3A_6, %dot_general3A {dimension_numbers = #tpu.dot_dimension_numbers<[1], [1], [0], [0], [0, 0, 1, 0], [], []>, transpose_lhs_hint = false} : vector<1000x128xf32>, vector<512x128xf32>, vector<1000x512xf32> -> vector<1000x512xf32>
    %get3A_8 = arith.constant 0 : index
    %get3A_9 = arith.constant 0 : index
    %get3A_10 = vector.load %arg3[%get3A_8, %get3A_9] : memref<1000x1xf32, #tpu.memory_space<vmem>>, vector<1000x1xf32>
    %add3A = vector.broadcast %get3A_10 : vector<1000x1xf32> to vector<1000x512xf32>
    %add3A_11 = arith.addf %dot_general3A_7, %add3A : vector<1000x512xf32>
    %swap3A = arith.constant 0 : index
    %swap3A_12 = arith.constant 0 : index
    %swap3A_13 = vector.load %arg4[%swap3A, %swap3A_12] : memref<1000x512xf32, #tpu.memory_space<vmem>>, vector<1000x512xf32>
    tpu.vector_store %arg4[%swap3A, %swap3A_12], %add3A_11 {strides = array<i32>} : memref<1000x512xf32, #tpu.memory_space<vmem>>, vector<1000x512xf32>,
    return
  }
  func.func @transform_0(%arg0: i32) -> (i32, i32) {
    %c0_i32 = arith.constant 0 : i32
    %c0_i32_0 = arith.constant 0 : i32
    return %arg0, %c0_i32 : i32, i32
  }
  func.func @transform_1(%arg0: i32) -> (i32, i32) {
    %c0_i32 = arith.constant 0 : i32
    %c0_i32_0 = arith.constant 0 : i32
    %c0_i32_1 = arith.constant 0 : i32
    return %c0_i32, %c0_i32_0 : i32, i32
  }
  func.func @transform_2(%arg0: i32) -> (i32, i32) {
    %c0_i32 = arith.constant 0 : i32
    %c0_i32_0 = arith.constant 0 : i32
    %c0_i32_1 = arith.constant 0 : i32
    return %c0_i32, %c0_i32_0 : i32, i32
  }
  func.func @transform_3(%arg0: i32) -> (i32, i32) {
    %c0_i32 = arith.constant 0 : i32
    %c0_i32_0 = arith.constant 0 : i32
    return %c0_i32, %arg0 : i32, i32
  }
}

</mosaic_0001>

<sc_bundles>
// kernel: kernel.4.cloned.1.call-start
scs
__scs_entry_jumppad:
0x0: {  	(pc) =	sbr.rel $0x88, $3  }
0x1: {  	(tag) =	ssettag $0x0;
	lr =	simm.s32 $0x1  }
0x2: {  	[smem:$0x3F9D] =	sst lr;
	_ =	strace $0xD0000000  }
0x3: {  	_ = 	snop  }
0x4: {  	_ = 	snop  }
0x5: {  	_ = 	snop  }
0x6: {  	_ = 	snop  }
0x7: {  	_ = 	snop  }
__scs_overlays_trampoline_lowered:
0x8: {  	[smem:$0x3FAC] =	sst s0  }
0x9: {  	[smem:$0x3FAD] =	sst s1  }
0xa: {  	[smem:$0x3FAE] =	sst s2  }
0xb: {  	[smem:$0x3FAF] =	sst s3  }
0xc: {  	[smem:$0x3FB0] =	sst s4  }
0xd: {  	[smem:$0x3FB1] =	sst s5  }
0xe: {  	[smem:$0x3FB2] =	sst s6  }
0xf: {  	[smem:$0x3FB3] =	sst s7  }
0x10: {  	[smem:$0x3FB4] =	sst s8  }
0x11: {  	[smem:$0x3FB5] =	sst s9;
	s0 =	simm.s32 @!p0 $0x0  }
0x12: {  	s1 =	sld [smem:$0x3F9B];
	s0 =	simm.s32 @p0 $0x1  }
0x13: {  	[smem:$0x3FB6] =	sst s0;
	s0 =	simm.s32 @!p1 $0x0  }
0x14: {  	s2 =	sld [smem:$0x3F9A];
	s0 =	simm.s32 @p1 $0x1  }
0x15: {  	[smem:$0x3FB7] =	sst s0;
	s0 =	simm.s32 @!p2 $0x0  }
0x16: {  	s3 =	sld [smem:$0x3FDB];
	s0 =	simm.s32 @p2 $0x1  }
0x17: {  	s4 =	simm.s32 $0x1BF5;
	[smem:$0x3FB9] =	sst s0  }
0x18: {  	s0 =	sld [smem:$0x3F9C];
	_ =	swait.ge [sflag:s4], $0x0  }
0x19: {  	s7 =	sld [smem:$0x3F9D]  }
0x1a: {  	s8 =	sadd.s32 $0xFFFFE003, lr  }
0x1b: {  	s9 =	sadd.s32 $0xFFFFFEF7, lr;
	s5 =	simm.s32 $0xFFFFFFFF;
	p2 =	slt.u32 s8, $0xFFFFF086  }
0x1c: {  	p1 =	slt.u32 s9, $0xF7A;
	s5 =	simm.s32 @!p2 $0x0  }
0x1d: {  	s5 =	simm.s32 @p1 $0x1;
	p0 =	seq.s32 s7, s2  }
0x1e: {  	s7 =	smul.u32 @!p0 $0xF7A, s2;
	p2 =	seq.s32 @!p0 s5, $0x0  }
0x1f: {  	s9 =	smul.u32 $0xF7A, s1;
	s8 =	simm.s32 @!p0 $0x1BF5;
	p2 =	por !p2, p0  }
0x20: {  	[sflag:s8] =	ssyncset.s32 @!p0 $0xFFFFF086;
	s6 =	sadd.s32 @!p0 s3, s7;
	s7 =	simm.s32 @!p0 $0x108  }
0x21: {  	s3 =	sadd.s32 s3, s9;
	s6 =	sadd.s32 @!p0 $0x88, s6;
	s7 =	simm.s32 @p2 $0x1082  }
0x22: {  	[simem:s7], [sflag:s8] =	dma.local @!p0 [hbm:s6], $0xF7A  }
0x23: {  	s9 =	sor.u32 $0xD0000000, s2;
	s6 =	simm.s32 $0x108;
	_ =	swait.ge @!p0 [sflag:s8], $0x0  }
0x24: {  	s3 =	sadd.s32 $0x88, s3;
	s6 =	simm.s32 @!p1 $0x1082;
	[sflag:s4] =	ssyncset.s32 $0xFFFFF086  }
0x25: {  	[simem:s6], [sflag:s4] =	dma.local [hbm:s3], $0xF7A  }
0x26: {  	[smem:$0x3F9D] =	sst s1;
	(tag) =	ssettag s2;
	_ =	strace s9  }
0x27: {  	s1 =	sld [smem:$0x3FAD]  }
0x28: {  	s2 =	sld [smem:$0x3FAE]  }
0x29: {  	s4 =	sld [smem:$0x3FB0]  }
0x2a: {  	p0 =	seq.s32 s5, $0x0;
	s5 =	sld [smem:$0x3FB1]  }
0x2b: {  	s6 =	sld [smem:$0x3FB2]  }
0x2c: {  	s7 =	sld [smem:$0x3FB3]  }
0x2d: {  	s3 =	simm.s32 $0x108;
	s8 =	sld [smem:$0x3FB4]  }
0x2e: {  	s3 =	simm.s32 @!p0 $0x1082;
	s9 =	sld [smem:$0x3FB5]  }
0x2f: {  	lr =	sadd.s32 s0, s3;
	s0 =	sld [smem:$0x3FAC]  }
0x30: {  	s3 =	sld [smem:$0x3FAF]  }
0x31: {  	[smem:$0x3FB8] =	sst s10  }
0x32: {  	s10 =	sld [smem:$0x3FB6];
	_ =	sdelay $0x3  }
0x33: {  	p0 =	seq.s32 s10, $0x1;
	s10 =	sld [smem:$0x3FB8];
	_ =	sdelay $0x3  }
0x34: {  	[smem:$0x3FB8] =	sst s10  }
0x35: {  	s10 =	sld [smem:$0x3FB7];
	_ =	sdelay $0x3  }
0x36: {  	p1 =	seq.s32 s10, $0x1;
	s10 =	sld [smem:$0x3FB8];
	_ =	sdelay $0x3  }
0x37: {  	[smem:$0x3FB8] =	sst s10  }
0x38: {  	s10 =	sld [smem:$0x3FB9]  }
0x39: {  	_ = 	snop;
	(pc) =	sbr.ind lr, $3  }
0x3a: {  	_ = 	snop  }
0x3b: {  	_ = 	snop  }
0x3c: {  	p2 =	seq.s32 s10, $0x1;
	s10 =	sld [smem:$0x3FB8]  }
0x3d: {  	_ =	shalt  }
0x3e: {  	_ =	shalt  }
0x3f: {  	_ =	shalt  }
0x40: {  	_ =	shalt  }
0x41: {  	_ =	shalt  }
0x42: {  	_ =	shalt  }
0x43: {  	_ =	shalt  }
0x44: {  	_ =	shalt  }
0x45: {  	_ =	shalt  }
0x46: {  	_ =	shalt  }
0x47: {  	_ =	shalt  }
0x48: {  	_ =	shalt  }
0x49: {  	_ =	shalt  }
0x4a: {  	_ =	shalt  }
0x4b: {  	_ =	shalt  }
0x4c: {  	_ =	shalt  }
0x4d: {  	_ =	shalt  }
0x4e: {  	_ =	shalt  }
0x4f: {  	_ =	shalt  }
0x50: {  	_ =	shalt  }
0x51: {  	_ =	shalt  }
0x52: {  	_ =	shalt  }
0x53: {  	_ =	shalt  }
0x54: {  	_ =	shalt  }
0x55: {  	_ =	shalt  }
0x56: {  	_ =	shalt  }
0x57: {  	_ =	shalt  }
0x58: {  	_ =	shalt  }
0x59: {  	_ =	shalt  }
0x5a: {  	_ =	shalt  }
0x5b: {  	_ =	shalt  }
0x5c: {  	_ =	shalt  }
0x5d: {  	_ =	shalt  }
0x5e: {  	_ =	shalt  }
0x5f: {  	_ =	shalt  }
0x60: {  	_ =	shalt  }
0x61: {  	_ =	shalt  }
0x62: {  	_ =	shalt  }
0x63: {  	_ =	shalt  }
0x64: {  	_ =	shalt  }
0x65: {  	_ =	shalt  }
0x66: {  	_ =	shalt  }
0x67: {  	_ =	shalt  }
0x68: {  	_ =	shalt  }
0x69: {  	_ =	shalt  }
0x6a: {  	_ =	shalt  }
0x6b: {  	_ =	shalt  }
0x6c: {  	_ =	shalt  }
0x6d: {  	_ =	shalt  }
0x6e: {  	_ =	shalt  }
0x6f: {  	_ =	shalt  }
0x70: {  	_ =	shalt  }
0x71: {  	_ =	shalt  }
0x72: {  	_ =	shalt  }
0x73: {  	_ =	shalt  }
0x74: {  	_ =	shalt  }
0x75: {  	_ =	shalt  }
0x76: {  	_ =	shalt  }
0x77: {  	_ =	shalt  }
0x78: {  	_ =	shalt  }
0x79: {  	_ =	shalt  }
0x7a: {  	_ =	shalt  }
0x7b: {  	_ =	shalt  }
0x7c: {  	_ =	shalt  }
0x7d: {  	_ =	shalt  }
0x7e: {  	_ =	shalt  }
0x7f: {  	_ =	shalt  }
0x80: {  	_ =	shalt  }
0x81: {  	_ =	shalt  }
0x82: {  	_ =	shalt  }
0x83: {  	_ =	shalt  }
0x84: {  	_ =	shalt  }
0x85: {  	_ =	shalt  }
0x86: {  	_ =	shalt  }
0x87: {  	_ =	shalt  }
.Lfunc_end0:
.L_simem_size_0:
called_computation_lowered:
.L_overlay_start_0:
0x88: {  	s2 =	sld [smem:$0x3FD9]  }
0x89: {  	s3 =	sld [smem:$0x3FFE];
	_ =	sdelay $0x1  }
0x8a: {  	s1 =	srdreg.scid  }
0x8b: {  	s0 =	sand.u32 $0x1, s1  }
0x8c: {  	s17 =	sshll.u32 s0, $0xA;
	s2 =	sadd.s32 s3, s2  }
0x8d: {  	s2 =	sadd.s32 s2, s17  }
0x8e: {  	[smem:$0x3FC4] =	sst s2  }
0x8f: {  	_ = 	snop  }
0x90: {  	s2 =	sld [smem:$0x3FC8]  }
0x91: {  	s18 =	sld [smem:$0x3FD0];
	(tm) =	ssettm $0x1  }
0x92: {  	s4 =	sld [smem:$0x3FFB];
	_ =	sdelay $0x3  }
0x93: {  	_ =	strace s4  }
0x94: {  	s4 =	sld [smem:$0x3FFC];
	_ =	sdelay $0x3  }
0x95: {  	_ =	strace s4  }
0x96: {  	s4 =	sld [smem:$0x3FFD];
	_ =	sdelay $0x3  }
0x97: {  	_ =	strace s4  }
0x98: {  	_ =	strace $0x8FFFFFFF  }
0x99: {  	s19 =	sld [smem:$0x3FDB];
	_ =	sdelay $0x1  }
0x9a: {  	s5 =	simm.s32 $_scs_section_size  }
0x9b: {  	s6 =	simm.s32 $_size__tile_overlayer_lowered;
	s7 =	simm.s32 $_tile_overlayer_lowered  }
0x9c: {  	s22 =	simm.s32 $0x1BFF;
	s21 =	sshll.u32 s7, $0x1;
	s4 =	sadd.s32 s5, s19  }
0x9d: {  	s8 =	simm.s32 $0x0;
	s20 =	sshll.u32 s6, $0x1;
	s6 =	sadd.s32 s21, s4  }
0x9e: {  	[timem:s8], [sflag:s22] =	dma.local [hbm:s6], s20  }
0x9f: {  	_ =	swait.ge [sflag:s22], s20  }
0xa0: {  	s5 =	ssub.s32 $0x0, s20;
	[sflag:s22] =	ssyncset.done $0x0  }
0xa1: {  	[sflag:s22] =	ssyncadd.s32 s5;
	_ =	sdelay $0x1  }
0xa2: {  	s23 =	simm.s32 $0x1B8B  }
0xa3: {  	_ =	swait.ge [sflag:s23], $0x1  }
0xa4: {  	[sflag:s23] =	ssyncset.done $0x0  }
0xa5: {  	s25 =	simm.s32 $0x1B8E;
	s24 =	sld [smem:$0x3FFE];
	[sflag:s23] =	ssyncadd.s32 $0xFFFFFFFF  }
0xa6: {  	s26 =	simm.s32 $execute0_lowered;
	[smem:$0x3FD2] =	sst s25  }
0xa7: {  	s6 =	sshll.u32 s26, $0x1;
	_ =	strace $0x80000046;
	[dreg:$0x1] =	wrdreg $0xFFFFFFFF  }
0xa8: {  	s28 =	simm.s32 $_size_execute0_lowered;
	s4 =	sadd.s32 s4, s6;
	[dreg:$0x0] =	wrdreg $0x0  }
0xa9: {  	s6 =	sshll.u32 s28, $0x1;
	[dreg:$0x2] =	wrdreg s4  }
0xaa: {  	[dreg:$0x3] =	wrdreg s6  }
0xab: {  	[dreg:$0x4] =	wrdreg $0xC0  }
0xac: {  	_ =	task [dreg:s8], $0x5FFFF  }
0xad: {  	[dreg:$0x1] =	wrdreg $0xFFFFFFFF  }
0xae: {  	[dreg:$0x0] =	wrdreg $0x60  }
0xaf: {  	[dreg:$0x2] =	wrdreg s18  }
0xb0: {  	[dreg:$0x3] =	wrdreg s2  }
0xb1: {  	[dreg:$0x4] =	wrdreg s24  }
0xb2: {  	[dreg:$0x5] =	wrdreg $0x9  }
0xb3: {  	_ =	task.clear_ibuf [dreg:s8], $0x6FFFF;
	_ =	strace $0x90000046  }
0xb4: {  	s29 =	simm.s32 $0x9;
	_ =	strace $0x80000048  }
0xb5: {  	_ =	swait.ge [sflag:s29], $0x1  }
0xb6: {  	[sflag:s29] =	ssyncadd.s32 $0xFFFFFFFF  }
0xb7: {  	_ =	strace $0x90000048  }
0xb8: {  	_ =	sfence  }
0xb9: {  	s30 =	sld [smem:$0x0];
	_ =	sdelay $0x2  }
0xba: {  	s31 =	sshll.u32 s1, $0xD;
	s1 =	sshrl.u32 s1, $0x2  }
0xbb: {  	s3 =	sand.u32 $0x4000, s31;
	s1 =	sadd.s32 s1, s30  }
0xbc: {  	s0 =	sor.u32 s3, s0;
	s1 =	sshll.u32 s1, $0x11  }
0xbd: {  	s0 =	sor.u32 s1, s0  }
0xbe: {  	s0 =	sadd.s32 $0x8F2B, s0  }
0xbf: {  	[sflag:s0] =	ssyncadd.remote.s32 $0x1  }
0xc0: {  	_ =	sfence.sel $0xFFFF  }
0xc1: {  	[dreg:$0x0] =	wrdreg $0xFFFFFFFF;
	(pc) =	sbr.abs _section_cstart, $3  }
0xc2: {  	[dreg:$0x1] =	wrdreg $0xFFFFFFFF  }
0xc3: {  	_ =	task.clear_ibuf [dreg:s8], $0x2FFFF;
	_ =	strace $0x9FFFFFFF  }
0xc4: {  	(tm) =	ssettm $0x7FFFFFFF  }
0xc5: {  	_ =	shalt  }
tec
execute0_lowered:
.L_overlay_start_1:
0x0: {  	(tag) =	ssettag $0x1  }
0x1: {  	s1 =	rddreg [dreg:$0x0]  }
0x2: {  	s2 =	rddreg [dreg:$0x1]  }
0x3: {  	s0 =	rddreg [dreg:$0x2];
	s3 =	srdreg.scid;
	s9 =	simm.s32 $0x0  }
0x4: {  	s4 =	stileid.u32;
	s11 =	simm.s32 $0x80;
	s12 =	simm.s32 $0x400  }
0x5: {  	s13 =	simm.s32 $0x100;
	s14 =	simm.s32 $0x200;
	s15 =	simm.s32 $0x4  }
0x6: {  	s16 =	simm.s32 $0x68;
	s17 =	simm.s32 $0x300;
	s18 =	simm.s32 $0x60  }
0x7: {  	s19 =	simm.s32 $0x3700;
	s20 =	simm.s32 $0x5;
	s21 =	simm.s32 $0x6700  }
0x8: {  	s22 =	simm.s32 $0x168;
	s23 =	simm.s32 $0x9B00;
	s28 =	simm.s32 $0xFF00  }
0x9: {  	s29 =	simm.s32 $0x1;
	s30 =	simm.s32 $0x2;
	s3 =	sand.u32 $0x1, s3  }
0xa: {  	s31 =	simm.s32 $0x3;
	s5 =	sshll.u32 s4, $0x8;
	s6 =	sshll.u32 s3, $0x7  }
0xb: {  	[smem:$0x7FF] =	sst s9;
	s3 =	ssub.s32 $0x2, s3;
	s5 =	sor.u32 s6, s5  }
0xc: {  	_ =	strace $0x80000047;
	s7 =	sshrl.u32 s3, $0x1;
	s8 =	sshll.u32 s5, $0x5  }
0xd: {  	s6 =	sshll.u32 s5, $0x4;
	s3 =	ssub.s32 s3, s7;
	s24 =	sadd.s32 s1, s8  }
0xe: {  	s0 =	sadd.s32 s6, s0;
	s26 =	smax.u32 s3, $0x1;
	[dreg:$0x4] =	wrdreg s24  }
0xf: {  	s3 =	simm.s32 $0x7;
	s25 =	sadd.s32 $0x10, s24;
	[dreg:$0x8] =	wrdreg s26  }
0x10: {  	s4 =	sadd.s32 $0x20, s24;
	s0 =	sadd.s32 $0xA00, s0;
	[dreg:$0x5] =	wrdreg s25  }
0x11: {  	s24 =	simm.s32 $0x6;
	s26 =	simm.s32 $0x268;
	[dreg:$0x6] =	wrdreg s4  }
0x12: {  	[dreg:$0x7] =	wrdreg s0;
	s25 =	simm.s32 $0xCB00;
	s0 =	simm.s32 $0x0  }
.LBB2_1:
0x13: {  	s4 =	rddreg [dreg:$0x4]  }
0x14: {  	[tilespmem:s9], [sflag:$0x4] =	stream.strided.gather [hbm4b:s4+s11], $0x100, s12, s11, $0x38;
	[tilespmem:$0x16F00] =	vst v63  }
0x15: {  	s8 =	rddreg [dreg:$0x5]  }
0x16: {  	[tilespmem:s13], [sflag:$0x5] =	stream.strided.gather [hbm4b:s8+s11], $0x100, s12, s11, $0x38;
	[tilespmem:$0x16F00] =	vst v63  }
0x17: {  	s10 =	rddreg [dreg:$0x6]  }
0x18: {  	[tilespmem:s14], [sflag:$0x6] =	stream.strided.gather [hbm4b:s10+s11], $0x100, s12, s11, $0x38;
	[tilespmem:$0x16F00] =	vst v63  }
0x19: {  	_ =	swait.ge [sflag:s15], $0x100  }
0x1a: {  	[sflag:s15] =	ssyncset.done $0x0  }
0x1b: {  	[sflag:s15] =	ssyncadd.s32 $0xFFFFFF00  }
0x1c: {  	[tilespmem:s17], [sflag:$0x1] =	stream.indirect.gather [hbm4b:s2+s16], $0x80, s9, s16, $0xb8;
	[tilespmem:$0x16F00] =	vst v63  }
0x1d: {  	_ = 	snop  }
0x1e: {  	[tilespmem:s19], [sflag:$0x1] =	stream.indirect.gather [hbm4b:s2+s18], $0x80, s16, s18, $0xb8;
	[tilespmem:$0x16F00] =	vst v63  }
0x1f: {  	_ =	swait.ge [sflag:s20], $0x100  }
0x20: {  	[sflag:s20] =	ssyncset.done $0x0  }
0x21: {  	[sflag:s20] =	ssyncadd.s32 $0xFFFFFF00  }
0x22: {  	[tilespmem:s21], [sflag:$0x2] =	stream.indirect.gather [hbm4b:s2+s16], $0x80, s13, s16, $0xb8;
	[tilespmem:$0x16F00] =	vst v63  }
0x23: {  	_ = 	snop  }
0x24: {  	[tilespmem:s23], [sflag:$0x2] =	stream.indirect.gather [hbm4b:s2+s18], $0x80, s22, s18, $0xb8;
	[tilespmem:$0x16F00] =	vst v63  }
0x25: {  	_ =	swait.ge [sflag:s24], $0x100  }
0x26: {  	[sflag:s24] =	ssyncset.done $0x0  }
0x27: {  	[sflag:s24] =	ssyncadd.s32 $0xFFFFFF00  }
0x28: {  	[tilespmem:s25], [sflag:$0x3] =	stream.indirect.gather [hbm4b:s2+s16], $0x80, s14, s16, $0xb8;
	[tilespmem:$0x16F00] =	vst v63  }
0x29: {  	s7 =	simm.s32 $0x0  }
0x2a: {  	[tilespmem:s28], [sflag:$0x3] =	stream.indirect.gather [hbm4b:s2+s18], $0x80, s26, s18, $0xb8;
	[tilespmem:$0x16F00] =	vst v63  }
.LBB2_2:
0x2b: {  	s9 =	smul.u32 $0x3, s7  }
0x2c: {  	_ =	swait.ge [sflag:s29], $0x3400  }
0x2d: {  	s4 =	simm.s32 $0x0;
	[sflag:s29] =	ssyncset.done $0x0;
	s6 =	sadd.s32 $0x3, s9  }
0x2e: {  	[sflag:s29] =	ssyncadd.s32 $0xFFFFCC00;
	s8 =	sadd.s32 s5, s6;
	s6 =	sshll.u32 s6, $0x4  }
0x2f: {  	_ =	swait.ge [sflag:s29], $0x3000;
	s8 =	sshll.u32 s8, $0x5;
	s6 =	sand.u32 $0x70, s6  }
0x30: {  	[sflag:s29] =	ssyncset.done $0x0;
	s8 =	sand.u32 $0x3FF00, s8;
	s6 =	sadd.s32 s1, s6  }
0x31: {  	s10 =	simm.s32 $0x0;
	[sflag:s29] =	ssyncadd.s32 $0xFFFFD000;
	s6 =	sadd.s32 s8, s6  }
0x32: {  	[tilespmem:s4], [sflag:$0x4] =	stream.strided.gather [hbm4b:s6+s11], $0x100, s12, s11, $0x38;
	[tilespmem:$0x16F00] =	vst v63  }
0x33: {  	v0 =	vld [tilespmem:s10+$0x370]  }
0x34: {  	v1 =	vld [tilespmem:s10+$0x3F0]  }
0x35: {  	v2 =	vld [tilespmem:s10+$0x470]  }
0x36: {  	v3 =	vld [tilespmem:s10+$0x4F0]  }
0x37: {  	v4 =	vld [tilespmem:s10+$0x300]  }
0x38: {  	v5 =	vld [tilespmem:s10+$0x380]  }
0x39: {  	v6 =	vld [tilespmem:s10+$0x400]  }
0x3a: {  	v7 =	vld [tilespmem:s10+$0x480]  }
0x3b: {  	v8 =	vld [tilespmem:s10+$0x310]  }
0x3c: {  	v9 =	vld [tilespmem:s10+$0x390]  }
0x3d: {  	v10 =	vld [tilespmem:s10+$0x410]  }
0x3e: {  	v11 =	vld [tilespmem:s10+$0x490]  }
0x3f: {  	v12 =	vld [tilespmem:s10+$0x320]  }
0x40: {  	v13 =	vld [tilespmem:s10+$0x3A0]  }
0x41: {  	v14 =	vld [tilespmem:s10+$0x420]  }
0x42: {  	v15 =	vld [tilespmem:s10+$0x4A0]  }
0x43: {  	v16 =	vld [tilespmem:s10+$0x330]  }
0x44: {  	v17 =	vld [tilespmem:s10+$0x3B0]  }
0x45: {  	v18 =	vld [tilespmem:s10+$0x430]  }
0x46: {  	v19 =	vld [tilespmem:s10+$0x4B0]  }
0x47: {  	v20 =	vld [tilespmem:s10+$0x340]  }
0x48: {  	v0 =	vadd.f32 v1, v0;
	v1 =	vadd.f32 v3, v2;
	v2 =	vld [tilespmem:s10+$0x3C0]  }
0x49: {  	v3 =	vadd.f32 v5, v4;
	v4 =	vadd.f32 v7, v6;
	v7 =	vld [tilespmem:s10+$0x440]  }
0x4a: {  	v5 =	vadd.f32 v9, v8;
	v6 =	vadd.f32 v11, v10;
	v8 =	vld [tilespmem:s10+$0x4C0]  }
0x4b: {  	v9 =	vadd.f32 v13, v12;
	v10 =	vadd.f32 v15, v14;
	v11 =	vld [tilespmem:s10+$0x350]  }
0x4c: {  	v13 =	vld [tilespmem:s10+$0x3D0];
	v12 =	vadd.f32 v17, v16;
	v0 =	vadd.f32 v1, v0  }
0x4d: {  	v14 =	vld [tilespmem:s10+$0x4D0];
	v1 =	vadd.f32 v4, v3;
	v3 =	vadd.f32 v6, v5;
	v6 =	vimm.f32 $0.0e+00  }
0x4e: {  	v4 =	vadd.f32 v10, v9;
	v10 =	vld [tilespmem:s10+$0x450];
	v0 =	vadd.f32 v0, v6  }
0x4f: {  	v63 =	vld [tilespmem:s10+$0x3E0];
	v5 =	vadd.f32 v1, v6;
	v1 =	vadd.f32 v19, v18  }
0x50: {  	v15 =	vld [tilespmem:s10+$0x360];
	v2 =	vadd.f32 v2, v20;
	v7 =	vadd.f32 v8, v7  }
0x51: {  	v9 =	vld [tilespmem:s10+$0x460];
	v3 =	vadd.f32 v3, v6;
	v4 =	vadd.f32 v4, v6  }
0x52: {  	s8 =	simm.s32 $0x200;
	v1 =	vadd.f32 v1, v12;
	v12 =	vld [tilespmem:s10+$0x4E0];
	v7 =	vadd.f32 v7, v2  }
0x53: {  	v13 =	vadd.f32 v13, v11;
	v8 =	vld [tilespmem:s8+$0x370];
	v14 =	vadd.f32 v14, v10  }
0x54: {  	v11 =	vld [tilespmem:s8+$0x470];
	v2 =	vadd.f32 v1, v6;
	v1 =	vadd.f32 v7, v6  }
0x55: {  	s10 =	simm.s32 $0x1000;
	v10 =	vld [tilespmem:s8+$0x3F0];
	v14 =	vadd.f32 v14, v13;
	v13 =	vadd.f32 v63, v15;
	v7 =	vimm.f32 $0.0e+00  }
.LBB2_3:
0x56: {  	p0 =	sne.s32 s10, $0x18800;
	v15 =	vld [tilespmem:s8+$0x4F0]  }
0x57: {  	v16 =	vld [tilespmem:s8+$0x300];
	v6 =	vadd.f32 v14, v6;
	v9 =	vadd.f32 v12, v9  }
0x58: {  	v12 =	vld [tilespmem:s8+$0x380]  }
0x59: {  	v14 =	vld [tilespmem:s8+$0x400];
	v9 =	vadd.f32 v9, v13  }
0x5a: {  	v13 =	vld [tilespmem:s8+$0x480]  }
0x5b: {  	v8 =	vadd.f32 v10, v8;
	v17 =	vld [tilespmem:s8+$0x310];
	v10 =	vadd.f32 v15, v11  }
0x5c: {  	v7 =	vadd.f32 v9, v7;
	v11 =	vld [tilespmem:s8+$0x390]  }
0x5d: {  	v9 =	vadd.f32 v12, v16;
	v12 =	vld [tilespmem:s8+$0x410];
	v8 =	vadd.f32 v10, v8  }
0x5e: {  	v10 =	vld [tilespmem:s8+$0x490]  }
0x5f: {  	v13 =	vadd.f32 v13, v14;
	v14 =	vld [tilespmem:s8+$0x320];
	v0 =	vadd.f32 v8, v0  }
0x60: {  	v8 =	vld [tilespmem:s8+$0x3A0]  }
0x61: {  	v9 =	vadd.f32 v13, v9;
	v11 =	vadd.f32 v11, v17;
	v13 =	vld [tilespmem:s8+$0x420]  }
0x62: {  	v15 =	vld [tilespmem:s8+$0x4A0]  }
0x63: {  	v5 =	vadd.f32 v9, v5;
	v9 =	vadd.f32 v10, v12;
	v10 =	vld [tilespmem:s8+$0x330]  }
0x64: {  	v12 =	vld [tilespmem:s8+$0x3B0]  }
0x65: {  	v9 =	vadd.f32 v9, v11;
	v8 =	vadd.f32 v8, v14;
	v11 =	vld [tilespmem:s8+$0x430]  }
0x66: {  	v14 =	vld [tilespmem:s8+$0x4B0]  }
0x67: {  	v3 =	vadd.f32 v9, v3;
	v9 =	vadd.f32 v15, v13;
	v13 =	vld [tilespmem:s8+$0x340]  }
0x68: {  	v15 =	vld [tilespmem:s8+$0x3C0]  }
0x69: {  	v8 =	vadd.f32 v9, v8;
	v9 =	vadd.f32 v12, v10;
	v10 =	vld [tilespmem:s8+$0x440]  }
0x6a: {  	v12 =	vld [tilespmem:s8+$0x4C0]  }
0x6b: {  	v4 =	vadd.f32 v8, v4;
	v8 =	vadd.f32 v14, v11;
	v11 =	vld [tilespmem:s8+$0x350]  }
0x6c: {  	v14 =	vld [tilespmem:s8+$0x3D0]  }
0x6d: {  	v8 =	vadd.f32 v8, v9;
	v9 =	vadd.f32 v15, v13;
	v13 =	vld [tilespmem:s8+$0x450]  }
0x6e: {  	v15 =	vld [tilespmem:s8+$0x4D0]  }
0x6f: {  	v2 =	vadd.f32 v8, v2;
	v8 =	vadd.f32 v12, v10;
	v16 =	vld [tilespmem:s8+$0x360]  }
0x70: {  	v17 =	vld [tilespmem:s8+$0x3E0]  }
.Ltmp0:
0x71: {  	v10 =	vadd.f32 v8, v9;
	v14 =	vadd.f32 v14, v11;
	v9 =	vld [tilespmem:s8+$0x460];
	(pc) =	sbr.rel @p0 .LBB2_3-.Ltmp0, $4  }
0x72: {  	v12 =	vld [tilespmem:s8+$0x4E0];
	s8 =	sshra.s32 s10, $0x2  }
0x73: {  	v8 =	vld [tilespmem:s8+$0x370];
	v1 =	vadd.f32 v10, v1;
	v13 =	vadd.f32 v15, v13  }
0x74: {  	v10 =	vld [tilespmem:s8+$0x3F0]  }
0x75: {  	s10 =	sadd.s32 $0x800, s10;
	v11 =	vld [tilespmem:s8+$0x470];
	v14 =	vadd.f32 v13, v14;
	v13 =	vadd.f32 v17, v16  }
0x76: {  	v15 =	vld [tilespmem:s8+$0x4F0]  }
0x77: {  	v16 =	vld [tilespmem:s8+$0x300]  }
0x78: {  	v17 =	vld [tilespmem:s8+$0x380]  }
0x79: {  	v18 =	vld [tilespmem:s8+$0x400]  }
0x7a: {  	v19 =	vld [tilespmem:s8+$0x480]  }
0x7b: {  	v20 =	vld [tilespmem:s8+$0x310]  }
0x7c: {  	v21 =	vld [tilespmem:s8+$0x390]  }
0x7d: {  	v22 =	vld [tilespmem:s8+$0x410]  }
0x7e: {  	v23 =	vld [tilespmem:s8+$0x490]  }
0x7f: {  	v24 =	vld [tilespmem:s8+$0x320]  }
0x80: {  	v25 =	vld [tilespmem:s8+$0x3A0]  }
0x81: {  	v26 =	vld [tilespmem:s8+$0x420]  }
0x82: {  	v27 =	vld [tilespmem:s8+$0x4A0]  }
0x83: {  	v28 =	vld [tilespmem:s8+$0x330]  }
0x84: {  	v29 =	vld [tilespmem:s8+$0x3B0]  }
0x85: {  	v30 =	vld [tilespmem:s8+$0x430]  }
0x86: {  	v31 =	vld [tilespmem:s8+$0x4B0]  }
0x87: {  	v32 =	vld [tilespmem:s8+$0x340]  }
0x88: {  	v33 =	vld [tilespmem:s8+$0x3C0]  }
0x89: {  	v34 =	vld [tilespmem:s8+$0x440];
	v9 =	vadd.f32 v12, v9  }
0x8a: {  	v48 =	vld [tilespmem:s8+$0x350];
	v6 =	vadd.f32 v14, v6  }
0x8b: {  	v50 =	vld [tilespmem:s8+$0x4D0];
	v9 =	vadd.f32 v9, v13;
	v8 =	vadd.f32 v10, v8  }
0x8c: {  	v53 =	vld [tilespmem:s8+$0x360];
	v14 =	vadd.f32 v17, v16;
	v47 =	vadd.f32 v19, v18  }
0x8d: {  	v12 =	vld [tilespmem:s8+$0x4C0];
	v11 =	vadd.f32 v15, v11;
	v15 =	vadd.f32 v21, v20  }
0x8e: {  	v54 =	vld [tilespmem:s8+$0x460];
	v49 =	vadd.f32 v23, v22;
	v51 =	vadd.f32 v25, v24  }
0x8f: {  	v52 =	vadd.f32 v27, v26;
	v7 =	vadd.f32 v9, v7;
	v9 =	vld [tilespmem:s8+$0x3E0]  }
0x90: {  	v57 =	vld [tilespmem:s8+$0x4E0];
	v55 =	vadd.f32 v29, v28;
	v13 =	vadd.f32 v47, v14  }
0x91: {  	v10 =	vld [tilespmem:s8+$0x3D0];
	v56 =	vadd.f32 v31, v30;
	v58 =	vadd.f32 v33, v32  }
0x92: {  	v12 =	vadd.f32 v12, v34;
	v14 =	vld [tilespmem:s8+$0x450];
	v5 =	vadd.f32 v13, v5  }
0x93: {  	v13 =	vadd.f32 v49, v15;
	v15 =	vadd.f32 v52, v51  }
0x94: {  	s6 =	smul.u32 $0x600, s7;
	v12 =	vadd.f32 v12, v58;
	v9 =	vadd.f32 v9, v53  }
0x95: {  	v3 =	vadd.f32 v13, v3;
	v4 =	vadd.f32 v15, v4  }
0x96: {  	s8 =	sshra.s32 s6, $0x2;
	v13 =	vadd.f32 v56, v55;
	v15 =	vadd.f32 v57, v54  }
0x97: {  	v10 =	vadd.f32 v10, v48;
	[tilespmem:s8+$0x12F00] =	vst v5;
	v14 =	vadd.f32 v50, v14  }
0x98: {  	v2 =	vadd.f32 v13, v2;
	[tilespmem:s8+$0x12F10] =	vst v3;
	v3 =	vadd.f32 v15, v9  }
0x99: {  	v1 =	vadd.f32 v12, v1;
	[tilespmem:s8+$0x12F20] =	vst v4;
	v4 =	vadd.f32 v11, v8  }
0x9a: {  	v5 =	vadd.f32 v14, v10;
	[tilespmem:s8+$0x12F30] =	vst v2;
	v2 =	vadd.f32 v3, v7  }
0x9b: {  	[tilespmem:s8+$0x12F40] =	vst v1;
	v0 =	vadd.f32 v4, v0  }
0x9c: {  	v5 =	vadd.f32 v5, v6;
	[tilespmem:s8+$0x12F60] =	vst v2  }
0x9d: {  	[tilespmem:s8+$0x12F70] =	vst v0  }
0x9e: {  	[tilespmem:s8+$0x12F50] =	vst v5  }
0x9f: {  	_ =	swait.ge [sflag:s15], $0x100  }
0xa0: {  	[sflag:s15] =	ssyncset.done $0x0  }
0xa1: {  	s10 =	simm.s32 $0x0;
	[sflag:s15] =	ssyncadd.s32 $0xFFFFFF00  }
0xa2: {  	[tilespmem:s17], [sflag:$0x1] =	stream.indirect.gather [hbm4b:s2+s16], $0x80, s10, s16, $0xb8;
	[tilespmem:$0x16F00] =	vst v63  }
0xa3: {  	_ = 	snop  }
0xa4: {  	[tilespmem:s19], [sflag:$0x1] =	stream.indirect.gather [hbm4b:s2+s18], $0x80, s16, s18, $0xb8;
	[tilespmem:$0x16F00] =	vst v63  }
0xa5: {  	_ =	swait.ge [sflag:s30], $0x3400  }
0xa6: {  	s4 =	sadd.s32 $0x4, s9;
	[sflag:s30] =	ssyncset.done $0x0  }
0xa7: {  	s6 =	sshll.u32 s4, $0x4;
	s10 =	sadd.s32 s5, s4;
	[sflag:s30] =	ssyncadd.s32 $0xFFFFCC00  }
0xa8: {  	s6 =	sand.u32 $0x70, s6;
	s10 =	sshll.u32 s10, $0x5;
	_ =	swait.ge [sflag:s30], $0x3000  }
0xa9: {  	s6 =	sadd.s32 s1, s6;
	s10 =	sand.u32 $0x3FF00, s10;
	[sflag:s30] =	ssyncset.done $0x0  }
0xaa: {  	s4 =	simm.s32 $0x0;
	s6 =	sadd.s32 s10, s6;
	[sflag:s30] =	ssyncadd.s32 $0xFFFFD000  }
0xab: {  	[tilespmem:s13], [sflag:$0x5] =	stream.strided.gather [hbm4b:s6+s11], $0x100, s12, s11, $0x38;
	[tilespmem:$0x16F00] =	vst v63  }
0xac: {  	v0 =	vld [tilespmem:s4+$0x6770]  }
0xad: {  	v1 =	vld [tilespmem:s4+$0x67F0]  }
0xae: {  	v2 =	vld [tilespmem:s4+$0x6870]  }
0xaf: {  	v3 =	vld [tilespmem:s4+$0x68F0]  }
0xb0: {  	v4 =	vld [tilespmem:s4+$0x6700]  }
0xb1: {  	v5 =	vld [tilespmem:s4+$0x6780]  }
0xb2: {  	v6 =	vld [tilespmem:s4+$0x6800]  }
0xb3: {  	v7 =	vld [tilespmem:s4+$0x6880]  }
0xb4: {  	v8 =	vld [tilespmem:s4+$0x6710]  }
0xb5: {  	v9 =	vld [tilespmem:s4+$0x6790]  }
0xb6: {  	v10 =	vld [tilespmem:s4+$0x6810]  }
0xb7: {  	v11 =	vld [tilespmem:s4+$0x6890]  }
0xb8: {  	v12 =	vld [tilespmem:s4+$0x6720]  }
0xb9: {  	v13 =	vld [tilespmem:s4+$0x67A0]  }
0xba: {  	v14 =	vld [tilespmem:s4+$0x6820]  }
0xbb: {  	v15 =	vld [tilespmem:s4+$0x68A0]  }
0xbc: {  	v59 =	vld [tilespmem:s4+$0x6730]  }
0xbd: {  	v60 =	vld [tilespmem:s4+$0x67B0]  }
0xbe: {  	v61 =	vld [tilespmem:s4+$0x6830]  }
0xbf: {  	v62 =	vld [tilespmem:s4+$0x68B0]  }
0xc0: {  	v0 =	vadd.f32 v1, v0;
	v1 =	vadd.f32 v3, v2;
	v2 =	vld [tilespmem:s4+$0x6740]  }
0xc1: {  	v3 =	vadd.f32 v5, v4;
	v4 =	vadd.f32 v7, v6;
	v5 =	vld [tilespmem:s4+$0x67C0]  }
0xc2: {  	v7 =	vld [tilespmem:s4+$0x6840]  }
0xc3: {  	v0 =	vadd.f32 v1, v0;
	v1 =	vadd.f32 v4, v3;
	v3 =	vld [tilespmem:s4+$0x68C0]  }
0xc4: {  	v4 =	vadd.f32 v9, v8;
	v8 =	vadd.f32 v11, v10;
	v10 =	vld [tilespmem:s4+$0x6750]  }
0xc5: {  	v9 =	vadd.f32 v13, v12;
	v11 =	vadd.f32 v15, v14;
	v13 =	vld [tilespmem:s4+$0x67D0]  }
0xc6: {  	v14 =	vld [tilespmem:s4+$0x6850];
	v12 =	vadd.f32 v60, v59;
	v15 =	vadd.f32 v62, v61  }
0xc7: {  	v6 =	vimm.f32 $0.0e+00;
	v4 =	vadd.f32 v8, v4;
	v8 =	vadd.f32 v11, v9;
	v11 =	vld [tilespmem:s4+$0x68D0]  }
0xc8: {  	v63 =	vld [tilespmem:s4+$0x6760];
	v0 =	vadd.f32 v0, v6;
	v1 =	vadd.f32 v1, v6  }
0xc9: {  	v2 =	vadd.f32 v5, v2;
	v5 =	vadd.f32 v3, v7;
	v7 =	vld [tilespmem:s4+$0x67E0]  }
0xca: {  	v9 =	vld [tilespmem:s4+$0x6860];
	v15 =	vadd.f32 v15, v12;
	v3 =	vadd.f32 v4, v6  }
0xcb: {  	s10 =	simm.s32 $0x200;
	v12 =	vld [tilespmem:s4+$0x68E0];
	v4 =	vadd.f32 v8, v6;
	v2 =	vadd.f32 v5, v2  }
0xcc: {  	v13 =	vadd.f32 v13, v10;
	v8 =	vld [tilespmem:s10+$0x6770];
	v14 =	vadd.f32 v11, v14  }
0xcd: {  	v10 =	vld [tilespmem:s10+$0x67F0];
	v5 =	vadd.f32 v15, v6;
	v2 =	vadd.f32 v2, v6  }
0xce: {  	s6 =	simm.s32 $0x1000;
	v11 =	vld [tilespmem:s10+$0x6870];
	v14 =	vadd.f32 v14, v13;
	v13 =	vadd.f32 v7, v63;
	v7 =	vimm.f32 $0.0e+00  }
.LBB2_5:
0xcf: {  	p0 =	sne.s32 s6, $0x18800;
	v15 =	vld [tilespmem:s10+$0x68F0]  }
0xd0: {  	v16 =	vld [tilespmem:s10+$0x6700];
	v6 =	vadd.f32 v14, v6;
	v9 =	vadd.f32 v12, v9  }
0xd1: {  	v12 =	vld [tilespmem:s10+$0x6780]  }
0xd2: {  	v14 =	vld [tilespmem:s10+$0x6800];
	v9 =	vadd.f32 v9, v13  }
0xd3: {  	v13 =	vld [tilespmem:s10+$0x6880]  }
0xd4: {  	v8 =	vadd.f32 v10, v8;
	v17 =	vld [tilespmem:s10+$0x6710];
	v10 =	vadd.f32 v15, v11  }
0xd5: {  	v7 =	vadd.f32 v9, v7;
	v11 =	vld [tilespmem:s10+$0x6790]  }
0xd6: {  	v9 =	vadd.f32 v12, v16;
	v12 =	vld [tilespmem:s10+$0x6810];
	v8 =	vadd.f32 v10, v8  }
0xd7: {  	v10 =	vld [tilespmem:s10+$0x6890]  }
0xd8: {  	v13 =	vadd.f32 v13, v14;
	v14 =	vld [tilespmem:s10+$0x6720];
	v0 =	vadd.f32 v8, v0  }
0xd9: {  	v8 =	vld [tilespmem:s10+$0x67A0]  }
0xda: {  	v9 =	vadd.f32 v13, v9;
	v11 =	vadd.f32 v11, v17;
	v13 =	vld [tilespmem:s10+$0x6820]  }
0xdb: {  	v15 =	vld [tilespmem:s10+$0x68A0]  }
0xdc: {  	v1 =	vadd.f32 v9, v1;
	v9 =	vadd.f32 v10, v12;
	v10 =	vld [tilespmem:s10+$0x6730]  }
0xdd: {  	v12 =	vld [tilespmem:s10+$0x67B0]  }
0xde: {  	v9 =	vadd.f32 v9, v11;
	v8 =	vadd.f32 v8, v14;
	v11 =	vld [tilespmem:s10+$0x6830]  }
0xdf: {  	v14 =	vld [tilespmem:s10+$0x68B0]  }
0xe0: {  	v3 =	vadd.f32 v9, v3;
	v9 =	vadd.f32 v15, v13;
	v13 =	vld [tilespmem:s10+$0x6740]  }
0xe1: {  	v15 =	vld [tilespmem:s10+$0x67C0]  }
0xe2: {  	v8 =	vadd.f32 v9, v8;
	v9 =	vadd.f32 v12, v10;
	v10 =	vld [tilespmem:s10+$0x6840]  }
0xe3: {  	v12 =	vld [tilespmem:s10+$0x68C0]  }
0xe4: {  	v4 =	vadd.f32 v8, v4;
	v8 =	vadd.f32 v14, v11;
	v11 =	vld [tilespmem:s10+$0x6750]  }
0xe5: {  	v14 =	vld [tilespmem:s10+$0x67D0]  }
0xe6: {  	v8 =	vadd.f32 v8, v9;
	v9 =	vadd.f32 v15, v13;
	v13 =	vld [tilespmem:s10+$0x6850]  }
0xe7: {  	v15 =	vld [tilespmem:s10+$0x68D0]  }
0xe8: {  	v5 =	vadd.f32 v8, v5;
	v8 =	vadd.f32 v12, v10;
	v16 =	vld [tilespmem:s10+$0x6760]  }
0xe9: {  	v17 =	vld [tilespmem:s10+$0x67E0]  }
.Ltmp1:
0xea: {  	v10 =	vadd.f32 v8, v9;
	v14 =	vadd.f32 v14, v11;
	v9 =	vld [tilespmem:s10+$0x6860];
	(pc) =	sbr.rel @p0 .LBB2_5-.Ltmp1, $4  }
0xeb: {  	v12 =	vld [tilespmem:s10+$0x68E0];
	s10 =	sshra.s32 s6, $0x2  }
0xec: {  	v8 =	vld [tilespmem:s10+$0x6770];
	v2 =	vadd.f32 v10, v2;
	v13 =	vadd.f32 v15, v13  }
0xed: {  	v10 =	vld [tilespmem:s10+$0x67F0]  }
0xee: {  	s6 =	sadd.s32 $0x800, s6;
	v11 =	vld [tilespmem:s10+$0x6870];
	v14 =	vadd.f32 v13, v14;
	v13 =	vadd.f32 v17, v16  }
0xef: {  	v15 =	vld [tilespmem:s10+$0x68F0]  }
0xf0: {  	v16 =	vld [tilespmem:s10+$0x6700]  }
0xf1: {  	v17 =	vld [tilespmem:s10+$0x6780]  }
0xf2: {  	v18 =	vld [tilespmem:s10+$0x6800]  }
0xf3: {  	v19 =	vld [tilespmem:s10+$0x6880]  }
0xf4: {  	v20 =	vld [tilespmem:s10+$0x6710]  }
0xf5: {  	v21 =	vld [tilespmem:s10+$0x6790]  }
0xf6: {  	v22 =	vld [tilespmem:s10+$0x6810]  }
0xf7: {  	v23 =	vld [tilespmem:s10+$0x6890]  }
0xf8: {  	v24 =	vld [tilespmem:s10+$0x6720]  }
0xf9: {  	v25 =	vld [tilespmem:s10+$0x67A0]  }
0xfa: {  	v26 =	vld [tilespmem:s10+$0x6820]  }
0xfb: {  	v27 =	vld [tilespmem:s10+$0x68A0]  }
0xfc: {  	v28 =	vld [tilespmem:s10+$0x6730]  }
0xfd: {  	v29 =	vld [tilespmem:s10+$0x67B0]  }
0xfe: {  	v30 =	vld [tilespmem:s10+$0x6830]  }
0xff: {  	v31 =	vld [tilespmem:s10+$0x68B0]  }
0x100: {  	v32 =	vld [tilespmem:s10+$0x6740]  }
0x101: {  	v33 =	vld [tilespmem:s10+$0x67C0]  }
0x102: {  	v34 =	vld [tilespmem:s10+$0x6840];
	v9 =	vadd.f32 v12, v9  }
0x103: {  	v48 =	vld [tilespmem:s10+$0x6750];
	v6 =	vadd.f32 v14, v6  }
0x104: {  	v50 =	vld [tilespmem:s10+$0x68D0];
	v9 =	vadd.f32 v9, v13;
	v8 =	vadd.f32 v10, v8  }
0x105: {  	v53 =	vld [tilespmem:s10+$0x6760];
	v14 =	vadd.f32 v17, v16;
	v47 =	vadd.f32 v19, v18  }
0x106: {  	v12 =	vld [tilespmem:s10+$0x68C0];
	v11 =	vadd.f32 v15, v11;
	v15 =	vadd.f32 v21, v20  }
0x107: {  	v54 =	vld [tilespmem:s10+$0x6860];
	v49 =	vadd.f32 v23, v22;
	v51 =	vadd.f32 v25, v24  }
0x108: {  	v52 =	vadd.f32 v27, v26;
	v7 =	vadd.f32 v9, v7;
	v9 =	vld [tilespmem:s10+$0x67E0]  }
0x109: {  	v57 =	vld [tilespmem:s10+$0x68E0];
	v55 =	vadd.f32 v29, v28;
	v13 =	vadd.f32 v47, v14  }
0x10a: {  	v10 =	vld [tilespmem:s10+$0x67D0];
	v56 =	vadd.f32 v31, v30;
	v58 =	vadd.f32 v33, v32  }
0x10b: {  	v12 =	vadd.f32 v12, v34;
	v14 =	vld [tilespmem:s10+$0x6850];
	v1 =	vadd.f32 v13, v1  }
0x10c: {  	v13 =	vadd.f32 v49, v15;
	v15 =	vadd.f32 v52, v51  }
0x10d: {  	v12 =	vadd.f32 v12, v58;
	v9 =	vadd.f32 v9, v53  }
0x10e: {  	v3 =	vadd.f32 v13, v3;
	v4 =	vadd.f32 v15, v4  }
0x10f: {  	v13 =	vadd.f32 v56, v55;
	v15 =	vadd.f32 v57, v54  }
0x110: {  	v10 =	vadd.f32 v10, v48;
	[tilespmem:s8+$0x12F80] =	vst v1;
	v14 =	vadd.f32 v50, v14  }
0x111: {  	v1 =	vadd.f32 v13, v5;
	[tilespmem:s8+$0x12F90] =	vst v3;
	v3 =	vadd.f32 v15, v9  }
0x112: {  	v2 =	vadd.f32 v12, v2;
	[tilespmem:s8+$0x12FA0] =	vst v4;
	v4 =	vadd.f32 v11, v8  }
0x113: {  	v5 =	vadd.f32 v14, v10;
	[tilespmem:s8+$0x12FB0] =	vst v1;
	v1 =	vadd.f32 v3, v7  }
0x114: {  	[tilespmem:s8+$0x12FC0] =	vst v2;
	v0 =	vadd.f32 v4, v0  }
0x115: {  	v5 =	vadd.f32 v5, v6;
	[tilespmem:s8+$0x12FE0] =	vst v1  }
0x116: {  	[tilespmem:s8+$0x12FF0] =	vst v0  }
0x117: {  	[tilespmem:s8+$0x12FD0] =	vst v5  }
0x118: {  	_ =	swait.ge [sflag:s20], $0x100  }
0x119: {  	[sflag:s20] =	ssyncset.done $0x0  }
0x11a: {  	[sflag:s20] =	ssyncadd.s32 $0xFFFFFF00  }
0x11b: {  	[tilespmem:s21], [sflag:$0x2] =	stream.indirect.gather [hbm4b:s2+s16], $0x80, s13, s16, $0xb8;
	[tilespmem:$0x16F00] =	vst v63  }
0x11c: {  	p0 =	seq.s32 s7, $0x29  }
0x11d: {  	[tilespmem:s23], [sflag:$0x2] =	stream.indirect.gather [hbm4b:s2+s18], $0x80, s22, s18, $0xb8;
	[tilespmem:$0x16F00] =	vst v63  }
0x11e: {  	s6 =	sadd.s32 @!p0 $0x5, s9;
	_ =	swait.ge [sflag:s31], $0x3400  }
0x11f: {  	s9 =	sadd.s32 @!p0 s5, s6;
	s6 =	sshll.u32 @!p0 s6, $0x4;
	[sflag:s31] =	ssyncset.done $0x0  }
0x120: {  	s9 =	sshll.u32 @!p0 s9, $0x5;
	s6 =	sand.u32 @!p0 $0x70, s6;
	[sflag:s31] =	ssyncadd.s32 $0xFFFFCC00  }
0x121: {  	s9 =	sand.u32 @!p0 $0x3FF00, s9;
	s6 =	sadd.s32 @!p0 s1, s6;
	_ =	swait.ge [sflag:s31], $0x3000  }
0x122: {  	s4 =	simm.s32 @!p0 $0x200;
	s6 =	sadd.s32 @!p0 s9, s6;
	[sflag:s31] =	ssyncset.done $0x0  }
0x123: {  	s9 =	simm.s32 @!p0 $0x80;
	s10 =	simm.s32 @!p0 $0x400;
	[sflag:s31] =	ssyncadd.s32 $0xFFFFD000  }
0x124: {  	[tilespmem:s4], [sflag:$0x6] =	stream.strided.gather @!p0 [hbm4b:s6+s9], $0x100, s10, s9, $0x38;
	[tilespmem:$0x16F00] =	vst v63  }
0x125: {  	s10 =	simm.s32 $0x0  }
0x126: {  	v0 =	vld [tilespmem:s10+$0xCB70]  }
0x127: {  	v1 =	vld [tilespmem:s10+$0xCBF0]  }
0x128: {  	v2 =	vld [tilespmem:s10+$0xCC70]  }
0x129: {  	v3 =	vld [tilespmem:s10+$0xCCF0]  }
0x12a: {  	v4 =	vld [tilespmem:s10+$0xCB00]  }
0x12b: {  	v5 =	vld [tilespmem:s10+$0xCB80]  }
0x12c: {  	v6 =	vld [tilespmem:s10+$0xCC00]  }
0x12d: {  	v7 =	vld [tilespmem:s10+$0xCC80]  }
0x12e: {  	v8 =	vld [tilespmem:s10+$0xCB10]  }
0x12f: {  	v9 =	vld [tilespmem:s10+$0xCB90]  }
0x130: {  	v10 =	vld [tilespmem:s10+$0xCC10]  }
0x131: {  	v11 =	vld [tilespmem:s10+$0xCC90]  }
0x132: {  	v12 =	vld [tilespmem:s10+$0xCB20]  }
0x133: {  	v13 =	vld [tilespmem:s10+$0xCBA0]  }
0x134: {  	v14 =	vld [tilespmem:s10+$0xCC20]  }
0x135: {  	v15 =	vld [tilespmem:s10+$0xCCA0]  }
0x136: {  	v59 =	vld [tilespmem:s10+$0xCB30]  }
0x137: {  	v60 =	vld [tilespmem:s10+$0xCBB0]  }
0x138: {  	v61 =	vld [tilespmem:s10+$0xCC30]  }
0x139: {  	v62 =	vld [tilespmem:s10+$0xCCB0]  }
0x13a: {  	v0 =	vadd.f32 v1, v0;
	v1 =	vadd.f32 v3, v2;
	v2 =	vld [tilespmem:s10+$0xCB40]  }
0x13b: {  	v3 =	vadd.f32 v5, v4;
	v4 =	vadd.f32 v7, v6;
	v5 =	vld [tilespmem:s10+$0xCBC0]  }
0x13c: {  	v7 =	vld [tilespmem:s10+$0xCC40]  }
0x13d: {  	v0 =	vadd.f32 v1, v0;
	v1 =	vadd.f32 v4, v3;
	v3 =	vld [tilespmem:s10+$0xCCC0]  }
0x13e: {  	v4 =	vadd.f32 v9, v8;
	v8 =	vadd.f32 v11, v10;
	v10 =	vld [tilespmem:s10+$0xCB50]  }
0x13f: {  	v9 =	vadd.f32 v13, v12;
	v11 =	vadd.f32 v15, v14;
	v13 =	vld [tilespmem:s10+$0xCBD0]  }
0x140: {  	v14 =	vld [tilespmem:s10+$0xCC50];
	v12 =	vadd.f32 v60, v59;
	v15 =	vadd.f32 v62, v61  }
0x141: {  	v6 =	vimm.f32 $0.0e+00;
	v4 =	vadd.f32 v8, v4;
	v8 =	vadd.f32 v11, v9;
	v11 =	vld [tilespmem:s10+$0xCCD0]  }
0x142: {  	v63 =	vld [tilespmem:s10+$0xCB60];
	v0 =	vadd.f32 v0, v6;
	v1 =	vadd.f32 v1, v6  }
0x143: {  	v2 =	vadd.f32 v5, v2;
	v5 =	vadd.f32 v3, v7;
	v7 =	vld [tilespmem:s10+$0xCBE0]  }
0x144: {  	v9 =	vld [tilespmem:s10+$0xCC60];
	v15 =	vadd.f32 v15, v12;
	v3 =	vadd.f32 v4, v6  }
0x145: {  	s9 =	simm.s32 $0x200;
	v12 =	vld [tilespmem:s10+$0xCCE0];
	v4 =	vadd.f32 v8, v6;
	v2 =	vadd.f32 v5, v2  }
0x146: {  	v13 =	vadd.f32 v13, v10;
	v8 =	vld [tilespmem:s9+$0xCB70];
	v14 =	vadd.f32 v11, v14  }
0x147: {  	v10 =	vld [tilespmem:s9+$0xCBF0];
	v5 =	vadd.f32 v15, v6;
	v2 =	vadd.f32 v2, v6  }
0x148: {  	s6 =	simm.s32 $0x1000;
	v11 =	vld [tilespmem:s9+$0xCC70];
	v14 =	vadd.f32 v14, v13;
	v13 =	vadd.f32 v7, v63;
	v7 =	vimm.f32 $0.0e+00  }
.LBB2_7:
0x149: {  	p1 =	sne.s32 s6, $0x18800;
	v15 =	vld [tilespmem:s9+$0xCCF0]  }
0x14a: {  	v16 =	vld [tilespmem:s9+$0xCB00];
	v6 =	vadd.f32 v14, v6;
	v9 =	vadd.f32 v12, v9  }
0x14b: {  	v12 =	vld [tilespmem:s9+$0xCB80]  }
0x14c: {  	v14 =	vld [tilespmem:s9+$0xCC00];
	v9 =	vadd.f32 v9, v13  }
0x14d: {  	v13 =	vld [tilespmem:s9+$0xCC80]  }
0x14e: {  	v8 =	vadd.f32 v10, v8;
	v17 =	vld [tilespmem:s9+$0xCB10];
	v10 =	vadd.f32 v15, v11  }
0x14f: {  	v7 =	vadd.f32 v9, v7;
	v11 =	vld [tilespmem:s9+$0xCB90]  }
0x150: {  	v9 =	vadd.f32 v12, v16;
	v12 =	vld [tilespmem:s9+$0xCC10];
	v8 =	vadd.f32 v10, v8  }
0x151: {  	v10 =	vld [tilespmem:s9+$0xCC90]  }
0x152: {  	v13 =	vadd.f32 v13, v14;
	v14 =	vld [tilespmem:s9+$0xCB20];
	v0 =	vadd.f32 v8, v0  }
0x153: {  	v8 =	vld [tilespmem:s9+$0xCBA0]  }
0x154: {  	v9 =	vadd.f32 v13, v9;
	v11 =	vadd.f32 v11, v17;
	v13 =	vld [tilespmem:s9+$0xCC20]  }
0x155: {  	v15 =	vld [tilespmem:s9+$0xCCA0]  }
0x156: {  	v1 =	vadd.f32 v9, v1;
	v9 =	vadd.f32 v10, v12;
	v10 =	vld [tilespmem:s9+$0xCB30]  }
0x157: {  	v12 =	vld [tilespmem:s9+$0xCBB0]  }
0x158: {  	v9 =	vadd.f32 v9, v11;
	v8 =	vadd.f32 v8, v14;
	v11 =	vld [tilespmem:s9+$0xCC30]  }
0x159: {  	v14 =	vld [tilespmem:s9+$0xCCB0]  }
0x15a: {  	v3 =	vadd.f32 v9, v3;
	v9 =	vadd.f32 v15, v13;
	v13 =	vld [tilespmem:s9+$0xCB40]  }
0x15b: {  	v15 =	vld [tilespmem:s9+$0xCBC0]  }
0x15c: {  	v8 =	vadd.f32 v9, v8;
	v9 =	vadd.f32 v12, v10;
	v10 =	vld [tilespmem:s9+$0xCC40]  }
0x15d: {  	v12 =	vld [tilespmem:s9+$0xCCC0]  }
0x15e: {  	v4 =	vadd.f32 v8, v4;
	v8 =	vadd.f32 v14, v11;
	v11 =	vld [tilespmem:s9+$0xCB50]  }
0x15f: {  	v14 =	vld [tilespmem:s9+$0xCBD0]  }
0x160: {  	v8 =	vadd.f32 v8, v9;
	v9 =	vadd.f32 v15, v13;
	v13 =	vld [tilespmem:s9+$0xCC50]  }
0x161: {  	v15 =	vld [tilespmem:s9+$0xCCD0]  }
0x162: {  	v5 =	vadd.f32 v8, v5;
	v8 =	vadd.f32 v12, v10;
	v16 =	vld [tilespmem:s9+$0xCB60]  }
0x163: {  	v17 =	vld [tilespmem:s9+$0xCBE0]  }
.Ltmp2:
0x164: {  	v10 =	vadd.f32 v8, v9;
	v14 =	vadd.f32 v14, v11;
	v9 =	vld [tilespmem:s9+$0xCC60];
	(pc) =	sbr.rel @p1 .LBB2_7-.Ltmp2, $4  }
0x165: {  	v12 =	vld [tilespmem:s9+$0xCCE0];
	s9 =	sshra.s32 s6, $0x2  }
0x166: {  	v8 =	vld [tilespmem:s9+$0xCB70];
	v2 =	vadd.f32 v10, v2;
	v13 =	vadd.f32 v15, v13  }
0x167: {  	v10 =	vld [tilespmem:s9+$0xCBF0]  }
0x168: {  	s6 =	sadd.s32 $0x800, s6;
	v11 =	vld [tilespmem:s9+$0xCC70];
	v14 =	vadd.f32 v13, v14;
	v13 =	vadd.f32 v17, v16  }
0x169: {  	v15 =	vld [tilespmem:s9+$0xCCF0]  }
0x16a: {  	v16 =	vld [tilespmem:s9+$0xCB00]  }
0x16b: {  	v17 =	vld [tilespmem:s9+$0xCB80]  }
0x16c: {  	v18 =	vld [tilespmem:s9+$0xCC00]  }
0x16d: {  	v19 =	vld [tilespmem:s9+$0xCC80]  }
0x16e: {  	v20 =	vld [tilespmem:s9+$0xCB10]  }
0x16f: {  	v21 =	vld [tilespmem:s9+$0xCB90]  }
0x170: {  	v22 =	vld [tilespmem:s9+$0xCC10]  }
0x171: {  	v23 =	vld [tilespmem:s9+$0xCC90]  }
0x172: {  	v24 =	vld [tilespmem:s9+$0xCB20]  }
0x173: {  	v25 =	vld [tilespmem:s9+$0xCBA0]  }
0x174: {  	v26 =	vld [tilespmem:s9+$0xCC20]  }
0x175: {  	v27 =	vld [tilespmem:s9+$0xCCA0]  }
0x176: {  	v28 =	vld [tilespmem:s9+$0xCB30]  }
0x177: {  	v29 =	vld [tilespmem:s9+$0xCBB0]  }
0x178: {  	v30 =	vld [tilespmem:s9+$0xCC30]  }
0x179: {  	v31 =	vld [tilespmem:s9+$0xCCB0]  }
0x17a: {  	v32 =	vld [tilespmem:s9+$0xCB40]  }
0x17b: {  	v33 =	vld [tilespmem:s9+$0xCBC0]  }
0x17c: {  	v34 =	vld [tilespmem:s9+$0xCC40]  }
0x17d: {  	v36 =	vld [tilespmem:s9+$0xCCC0]  }
0x17e: {  	v39 =	vld [tilespmem:s9+$0xCB50]  }
0x17f: {  	v40 =	vld [tilespmem:s9+$0xCBD0];
	v9 =	vadd.f32 v12, v9  }
0x180: {  	v42 =	vld [tilespmem:s9+$0xCC50];
	v6 =	vadd.f32 v14, v6  }
0x181: {  	v45 =	vld [tilespmem:s9+$0xCCD0];
	v9 =	vadd.f32 v9, v13;
	v8 =	vadd.f32 v10, v8  }
0x182: {  	v48 =	vld [tilespmem:s9+$0xCB60];
	v37 =	vadd.f32 v17, v16;
	v38 =	vadd.f32 v19, v18  }
0x183: {  	v49 =	vld [tilespmem:s9+$0xCBE0];
	v11 =	vadd.f32 v15, v11;
	v43 =	vadd.f32 v21, v20  }
0x184: {  	v52 =	vld [tilespmem:s9+$0xCC60];
	v44 =	vadd.f32 v23, v22;
	v46 =	vadd.f32 v25, v24  }
0x185: {  	v55 =	vld [tilespmem:s9+$0xCCE0];
	v47 =	vadd.f32 v27, v26;
	v7 =	vadd.f32 v9, v7  }
0x186: {  	v53 =	vadd.f32 v29, v28;
	v54 =	vadd.f32 v31, v30  }
0x187: {  	v56 =	vadd.f32 v33, v32;
	v12 =	vadd.f32 v36, v34  }
0x188: {  	v10 =	vadd.f32 v40, v39;
	v14 =	vadd.f32 v45, v42  }
0x189: {  	v9 =	vadd.f32 v49, v48;
	v41 =	vadd.f32 v38, v37  }
0x18a: {  	v58 =	vadd.f32 v55, v52;
	v50 =	vadd.f32 v44, v43  }
0x18b: {  	v51 =	vadd.f32 v47, v46;
	v1 =	vadd.f32 v41, v1  }
0x18c: {  	v57 =	vadd.f32 v54, v53;
	v3 =	vadd.f32 v50, v3  }
0x18d: {  	v12 =	vadd.f32 v12, v56;
	v4 =	vadd.f32 v51, v4;
	[tilespmem:s8+$0x13000] =	vst v1  }
0x18e: {  	v60 =	vadd.f32 v14, v10;
	v59 =	vadd.f32 v57, v5;
	[tilespmem:s8+$0x13010] =	vst v3  }
0x18f: {  	v61 =	vadd.f32 v58, v9;
	v2 =	vadd.f32 v12, v2;
	[tilespmem:s8+$0x13020] =	vst v4  }
.Ltmp3:
0x190: {  	v62 =	vadd.f32 v11, v8;
	v5 =	vadd.f32 v60, v6;
	[tilespmem:s8+$0x13030] =	vst v59;
	(pc) =	sbr.rel @p0 .LBB2_10-.Ltmp3, $4  }
0x191: {  	v63 =	vadd.f32 v61, v7;
	[tilespmem:s8+$0x13040] =	vst v2  }
0x192: {  	v0 =	vadd.f32 v62, v0;
	[tilespmem:s8+$0x13050] =	vst v5  }
0x193: {  	[tilespmem:s8+$0x13060] =	vst v63  }
0x194: {  	[tilespmem:s8+$0x13070] =	vst v0  }
0x195: {  	_ =	swait.ge [sflag:s24], $0x100  }
.Ltmp4:
0x196: {  	[sflag:s24] =	ssyncset.done $0x0;
	(pc) =	sbr.rel .LBB2_2-.Ltmp4, $4  }
0x197: {  	[sflag:s24] =	ssyncadd.s32 $0xFFFFFF00  }
0x198: {  	[tilespmem:s25], [sflag:$0x3] =	stream.indirect.gather [hbm4b:s2+s16], $0x80, s14, s16, $0xb8;
	[tilespmem:$0x16F00] =	vst v63  }
0x199: {  	s7 =	sadd.s32 $0x1, s7  }
0x19a: {  	[tilespmem:s28], [sflag:$0x3] =	stream.indirect.gather [hbm4b:s2+s18], $0x80, s26, s18, $0xb8;
	[tilespmem:$0x16F00] =	vst v63  }
.LBB2_10:
0x19b: {  	_ =	swait.ge [sflag:s29], $0x3400  }
0x19c: {  	[sflag:s29] =	ssyncset.done $0x0  }
0x19d: {  	[sflag:s29] =	ssyncadd.s32 $0xFFFFCC00  }
0x19e: {  	_ =	swait.ge [sflag:s29], $0x3000  }
0x19f: {  	[sflag:s29] =	ssyncset.done $0x0  }
0x1a0: {  	s4 =	simm.s32 $0x0;
	[sflag:s29] =	ssyncadd.s32 $0xFFFFD000  }
0x1a1: {  	v0 =	vld [tilespmem:s4+$0x370]  }
0x1a2: {  	v1 =	vld [tilespmem:s4+$0x3F0]  }
0x1a3: {  	v2 =	vld [tilespmem:s4+$0x470]  }
0x1a4: {  	v3 =	vld [tilespmem:s4+$0x4F0]  }
0x1a5: {  	v4 =	vld [tilespmem:s4+$0x300]  }
0x1a6: {  	v5 =	vld [tilespmem:s4+$0x380]  }
0x1a7: {  	v6 =	vld [tilespmem:s4+$0x400]  }
0x1a8: {  	v7 =	vld [tilespmem:s4+$0x480]  }
0x1a9: {  	v8 =	vld [tilespmem:s4+$0x310]  }
0x1aa: {  	v9 =	vld [tilespmem:s4+$0x390]  }
0x1ab: {  	v10 =	vld [tilespmem:s4+$0x410]  }
0x1ac: {  	v11 =	vld [tilespmem:s4+$0x490]  }
0x1ad: {  	v12 =	vld [tilespmem:s4+$0x320]  }
0x1ae: {  	v13 =	vld [tilespmem:s4+$0x3A0]  }
0x1af: {  	v14 =	vld [tilespmem:s4+$0x420]  }
0x1b0: {  	v15 =	vld [tilespmem:s4+$0x4A0]  }
0x1b1: {  	v16 =	vld [tilespmem:s4+$0x330]  }
0x1b2: {  	v17 =	vld [tilespmem:s4+$0x3B0]  }
0x1b3: {  	v18 =	vld [tilespmem:s4+$0x430]  }
0x1b4: {  	v19 =	vld [tilespmem:s4+$0x4B0]  }
0x1b5: {  	v20 =	vld [tilespmem:s4+$0x340]  }
0x1b6: {  	v0 =	vadd.f32 v1, v0;
	v1 =	vadd.f32 v3, v2;
	v2 =	vld [tilespmem:s4+$0x3C0]  }
0x1b7: {  	v3 =	vadd.f32 v5, v4;
	v4 =	vadd.f32 v7, v6;
	v7 =	vld [tilespmem:s4+$0x440]  }
0x1b8: {  	v5 =	vadd.f32 v9, v8;
	v6 =	vadd.f32 v11, v10;
	v8 =	vld [tilespmem:s4+$0x4C0]  }
0x1b9: {  	v9 =	vadd.f32 v13, v12;
	v10 =	vadd.f32 v15, v14;
	v11 =	vld [tilespmem:s4+$0x350]  }
0x1ba: {  	v12 =	vadd.f32 v17, v16;
	v13 =	vld [tilespmem:s4+$0x4D0];
	v0 =	vadd.f32 v1, v0  }
0x1bb: {  	v1 =	vadd.f32 v4, v3;
	v4 =	vld [tilespmem:s4+$0x3D0];
	v3 =	vadd.f32 v6, v5;
	v6 =	vimm.f32 $0.0e+00  }
0x1bc: {  	v9 =	vadd.f32 v10, v9;
	v10 =	vld [tilespmem:s4+$0x450];
	v0 =	vadd.f32 v0, v6  }
0x1bd: {  	v63 =	vld [tilespmem:s4+$0x3E0];
	v5 =	vadd.f32 v1, v6;
	v1 =	vadd.f32 v19, v18  }
0x1be: {  	v15 =	vld [tilespmem:s4+$0x360];
	v14 =	vadd.f32 v2, v20;
	v7 =	vadd.f32 v8, v7  }
0x1bf: {  	v2 =	vadd.f32 v3, v6;
	v3 =	vadd.f32 v9, v6;
	v9 =	vld [tilespmem:s4+$0x460]  }
0x1c0: {  	s7 =	simm.s32 $0x200;
	v1 =	vadd.f32 v1, v12;
	v12 =	vld [tilespmem:s4+$0x4E0];
	v7 =	vadd.f32 v7, v14  }
0x1c1: {  	v8 =	vld [tilespmem:s7+$0x370];
	v14 =	vadd.f32 v4, v11;
	v13 =	vadd.f32 v13, v10  }
0x1c2: {  	v10 =	vld [tilespmem:s7+$0x3F0];
	v4 =	vadd.f32 v1, v6;
	v1 =	vadd.f32 v7, v6  }
0x1c3: {  	s6 =	simm.s32 $0x1000;
	s9 =	simm.s32 $0x0;
	v11 =	vld [tilespmem:s7+$0x470];
	v14 =	vadd.f32 v13, v14;
	v13 =	vadd.f32 v63, v15;
	v7 =	vimm.f32 $0.0e+00  }
.LBB2_11:
0x1c4: {  	p0 =	sne.s32 s6, $0x18800;
	v15 =	vld [tilespmem:s7+$0x4F0]  }
0x1c5: {  	v16 =	vld [tilespmem:s7+$0x300];
	v6 =	vadd.f32 v14, v6;
	v9 =	vadd.f32 v12, v9  }
0x1c6: {  	v12 =	vld [tilespmem:s7+$0x380]  }
0x1c7: {  	v14 =	vld [tilespmem:s7+$0x400];
	v9 =	vadd.f32 v9, v13  }
0x1c8: {  	v13 =	vld [tilespmem:s7+$0x480]  }
0x1c9: {  	v8 =	vadd.f32 v10, v8;
	v17 =	vld [tilespmem:s7+$0x310];
	v10 =	vadd.f32 v15, v11  }
0x1ca: {  	v7 =	vadd.f32 v9, v7;
	v11 =	vld [tilespmem:s7+$0x390]  }
0x1cb: {  	v9 =	vadd.f32 v12, v16;
	v12 =	vld [tilespmem:s7+$0x410];
	v8 =	vadd.f32 v10, v8  }
0x1cc: {  	v10 =	vld [tilespmem:s7+$0x490]  }
0x1cd: {  	v13 =	vadd.f32 v13, v14;
	v14 =	vld [tilespmem:s7+$0x320];
	v0 =	vadd.f32 v8, v0  }
0x1ce: {  	v8 =	vld [tilespmem:s7+$0x3A0]  }
0x1cf: {  	v9 =	vadd.f32 v13, v9;
	v11 =	vadd.f32 v11, v17;
	v13 =	vld [tilespmem:s7+$0x420]  }
0x1d0: {  	v15 =	vld [tilespmem:s7+$0x4A0]  }
0x1d1: {  	v5 =	vadd.f32 v9, v5;
	v9 =	vadd.f32 v10, v12;
	v10 =	vld [tilespmem:s7+$0x330]  }
0x1d2: {  	v12 =	vld [tilespmem:s7+$0x3B0]  }
0x1d3: {  	v9 =	vadd.f32 v9, v11;
	v8 =	vadd.f32 v8, v14;
	v11 =	vld [tilespmem:s7+$0x430]  }
0x1d4: {  	v14 =	vld [tilespmem:s7+$0x4B0]  }
0x1d5: {  	v2 =	vadd.f32 v9, v2;
	v9 =	vadd.f32 v15, v13;
	v13 =	vld [tilespmem:s7+$0x340]  }
0x1d6: {  	v15 =	vld [tilespmem:s7+$0x3C0]  }
0x1d7: {  	v8 =	vadd.f32 v9, v8;
	v9 =	vadd.f32 v12, v10;
	v10 =	vld [tilespmem:s7+$0x440]  }
0x1d8: {  	v12 =	vld [tilespmem:s7+$0x4C0]  }
0x1d9: {  	v3 =	vadd.f32 v8, v3;
	v8 =	vadd.f32 v14, v11;
	v11 =	vld [tilespmem:s7+$0x350]  }
0x1da: {  	v14 =	vld [tilespmem:s7+$0x3D0]  }
0x1db: {  	v8 =	vadd.f32 v8, v9;
	v9 =	vadd.f32 v15, v13;
	v13 =	vld [tilespmem:s7+$0x450]  }
0x1dc: {  	v15 =	vld [tilespmem:s7+$0x4D0]  }
0x1dd: {  	v4 =	vadd.f32 v8, v4;
	v8 =	vadd.f32 v12, v10;
	v16 =	vld [tilespmem:s7+$0x360]  }
0x1de: {  	v17 =	vld [tilespmem:s7+$0x3E0]  }
.Ltmp5:
0x1df: {  	v10 =	vadd.f32 v8, v9;
	v14 =	vadd.f32 v14, v11;
	v9 =	vld [tilespmem:s7+$0x460];
	(pc) =	sbr.rel @p0 .LBB2_11-.Ltmp5, $4  }
0x1e0: {  	v12 =	vld [tilespmem:s7+$0x4E0];
	s7 =	sshra.s32 s6, $0x2  }
0x1e1: {  	v8 =	vld [tilespmem:s7+$0x370];
	v1 =	vadd.f32 v10, v1;
	v13 =	vadd.f32 v15, v13  }
0x1e2: {  	v10 =	vld [tilespmem:s7+$0x3F0]  }
0x1e3: {  	s6 =	sadd.s32 $0x800, s6;
	v11 =	vld [tilespmem:s7+$0x470];
	v14 =	vadd.f32 v13, v14;
	v13 =	vadd.f32 v17, v16  }
0x1e4: {  	v15 =	vld [tilespmem:s7+$0x4F0]  }
0x1e5: {  	v16 =	vld [tilespmem:s7+$0x300]  }
0x1e6: {  	v17 =	vld [tilespmem:s7+$0x380]  }
0x1e7: {  	v18 =	vld [tilespmem:s7+$0x400]  }
0x1e8: {  	v19 =	vld [tilespmem:s7+$0x480]  }
0x1e9: {  	v20 =	vld [tilespmem:s7+$0x310]  }
0x1ea: {  	v21 =	vld [tilespmem:s7+$0x390]  }
0x1eb: {  	v22 =	vld [tilespmem:s7+$0x410]  }
0x1ec: {  	v23 =	vld [tilespmem:s7+$0x490]  }
0x1ed: {  	v24 =	vld [tilespmem:s7+$0x320]  }
0x1ee: {  	v25 =	vld [tilespmem:s7+$0x3A0]  }
0x1ef: {  	v26 =	vld [tilespmem:s7+$0x420]  }
0x1f0: {  	v27 =	vld [tilespmem:s7+$0x4A0]  }
0x1f1: {  	v28 =	vld [tilespmem:s7+$0x330]  }
0x1f2: {  	v29 =	vld [tilespmem:s7+$0x3B0]  }
0x1f3: {  	v30 =	vld [tilespmem:s7+$0x430]  }
0x1f4: {  	v31 =	vld [tilespmem:s7+$0x4B0]  }
0x1f5: {  	v32 =	vld [tilespmem:s7+$0x340]  }
0x1f6: {  	v33 =	vld [tilespmem:s7+$0x3C0];
	v9 =	vadd.f32 v12, v9  }
0x1f7: {  	v34 =	vld [tilespmem:s7+$0x440];
	v6 =	vadd.f32 v14, v6  }
0x1f8: {  	v12 =	vld [tilespmem:s7+$0x4C0];
	v9 =	vadd.f32 v9, v13;
	v8 =	vadd.f32 v10, v8  }
0x1f9: {  	v48 =	vld [tilespmem:s7+$0x350];
	v14 =	vadd.f32 v17, v16;
	v47 =	vadd.f32 v19, v18  }
0x1fa: {  	v53 =	vld [tilespmem:s7+$0x360];
	v11 =	vadd.f32 v15, v11;
	v15 =	vadd.f32 v21, v20  }
0x1fb: {  	v54 =	vld [tilespmem:s7+$0x460];
	v49 =	vadd.f32 v23, v22;
	v51 =	vadd.f32 v25, v24  }
0x1fc: {  	v10 =	vld [tilespmem:s7+$0x3D0];
	v52 =	vadd.f32 v27, v26;
	v7 =	vadd.f32 v9, v7  }
0x1fd: {  	v9 =	vld [tilespmem:s7+$0x3E0];
	v58 =	vadd.f32 v33, v32;
	v12 =	vadd.f32 v12, v34  }
0x1fe: {  	v57 =	vld [tilespmem:s7+$0x4E0];
	v55 =	vadd.f32 v29, v28;
	v13 =	vadd.f32 v47, v14  }
0x1ff: {  	v50 =	vld [tilespmem:s7+$0x4D0];
	v56 =	vadd.f32 v31, v30;
	v12 =	vadd.f32 v12, v58  }
0x200: {  	v14 =	vld [tilespmem:s7+$0x450];
	v5 =	vadd.f32 v13, v5;
	v13 =	vadd.f32 v49, v15  }
0x201: {  	v10 =	vadd.f32 v10, v48;
	v15 =	vadd.f32 v52, v51  }
0x202: {  	v9 =	vadd.f32 v9, v53;
	v2 =	vadd.f32 v13, v2  }
0x203: {  	v3 =	vadd.f32 v15, v3;
	v15 =	vadd.f32 v57, v54  }
0x204: {  	v1 =	vadd.f32 v12, v1;
	v13 =	vadd.f32 v56, v55;
	[tilespmem:$0x16E00] =	vst v5  }
0x205: {  	v14 =	vadd.f32 v50, v14;
	[tilespmem:$0x16E10] =	vst v2;
	v2 =	vadd.f32 v15, v9  }
0x206: {  	v4 =	vadd.f32 v13, v4;
	[tilespmem:$0x16E20] =	vst v3;
	v3 =	vadd.f32 v11, v8  }
0x207: {  	[tilespmem:$0x16E40] =	vst v1;
	v5 =	vadd.f32 v14, v10;
	v2 =	vadd.f32 v2, v7  }
0x208: {  	[tilespmem:$0x16E30] =	vst v4;
	v0 =	vadd.f32 v3, v0  }
0x209: {  	v5 =	vadd.f32 v5, v6;
	[tilespmem:$0x16E60] =	vst v2  }
0x20a: {  	[tilespmem:$0x16E70] =	vst v0  }
0x20b: {  	[tilespmem:$0x16E50] =	vst v5  }
0x20c: {  	_ =	swait.ge [sflag:s30], $0x3400  }
0x20d: {  	[sflag:s30] =	ssyncset.done $0x0  }
0x20e: {  	[sflag:s30] =	ssyncadd.s32 $0xFFFFCC00  }
0x20f: {  	_ =	swait.ge [sflag:s30], $0x3000  }
0x210: {  	[sflag:s30] =	ssyncset.done $0x0  }
0x211: {  	s4 =	simm.s32 $0x0;
	[sflag:s30] =	ssyncadd.s32 $0xFFFFD000  }
0x212: {  	v0 =	vld [tilespmem:s4+$0x6770]  }
0x213: {  	v1 =	vld [tilespmem:s4+$0x67F0]  }
0x214: {  	v2 =	vld [tilespmem:s4+$0x6870]  }
0x215: {  	v3 =	vld [tilespmem:s4+$0x68F0]  }
0x216: {  	v4 =	vld [tilespmem:s4+$0x6700]  }
0x217: {  	v5 =	vld [tilespmem:s4+$0x6780]  }
0x218: {  	v6 =	vld [tilespmem:s4+$0x6800]  }
0x219: {  	v7 =	vld [tilespmem:s4+$0x6880]  }
0x21a: {  	v8 =	vld [tilespmem:s4+$0x6710]  }
0x21b: {  	v9 =	vld [tilespmem:s4+$0x6790]  }
0x21c: {  	v10 =	vld [tilespmem:s4+$0x6810]  }
0x21d: {  	v11 =	vld [tilespmem:s4+$0x6890]  }
0x21e: {  	v12 =	vld [tilespmem:s4+$0x6720]  }
0x21f: {  	v13 =	vld [tilespmem:s4+$0x67A0]  }
0x220: {  	v14 =	vld [tilespmem:s4+$0x6820]  }
0x221: {  	v15 =	vld [tilespmem:s4+$0x68A0]  }
0x222: {  	v59 =	vld [tilespmem:s4+$0x6730]  }
0x223: {  	v60 =	vld [tilespmem:s4+$0x67B0]  }
0x224: {  	v61 =	vld [tilespmem:s4+$0x6830]  }
0x225: {  	v62 =	vld [tilespmem:s4+$0x68B0]  }
0x226: {  	v0 =	vadd.f32 v1, v0;
	v1 =	vadd.f32 v3, v2;
	v2 =	vld [tilespmem:s4+$0x6740]  }
0x227: {  	v3 =	vadd.f32 v5, v4;
	v4 =	vadd.f32 v7, v6;
	v5 =	vld [tilespmem:s4+$0x67C0]  }
0x228: {  	v7 =	vld [tilespmem:s4+$0x6840]  }
0x229: {  	v0 =	vadd.f32 v1, v0;
	v1 =	vadd.f32 v4, v3;
	v3 =	vld [tilespmem:s4+$0x68C0]  }
0x22a: {  	v4 =	vadd.f32 v9, v8;
	v8 =	vadd.f32 v11, v10;
	v10 =	vld [tilespmem:s4+$0x6750]  }
0x22b: {  	v9 =	vadd.f32 v13, v12;
	v11 =	vadd.f32 v15, v14;
	v13 =	vld [tilespmem:s4+$0x67D0]  }
0x22c: {  	v14 =	vld [tilespmem:s4+$0x6850];
	v12 =	vadd.f32 v60, v59;
	v15 =	vadd.f32 v62, v61  }
0x22d: {  	v6 =	vimm.f32 $0.0e+00;
	v4 =	vadd.f32 v8, v4;
	v8 =	vadd.f32 v11, v9;
	v11 =	vld [tilespmem:s4+$0x68D0]  }
0x22e: {  	v63 =	vld [tilespmem:s4+$0x6760];
	v0 =	vadd.f32 v0, v6;
	v1 =	vadd.f32 v1, v6  }
0x22f: {  	v2 =	vadd.f32 v5, v2;
	v5 =	vadd.f32 v3, v7;
	v7 =	vld [tilespmem:s4+$0x67E0]  }
0x230: {  	v9 =	vld [tilespmem:s4+$0x6860];
	v15 =	vadd.f32 v15, v12;
	v3 =	vadd.f32 v4, v6  }
0x231: {  	s7 =	simm.s32 $0x200;
	v12 =	vld [tilespmem:s4+$0x68E0];
	v4 =	vadd.f32 v8, v6;
	v2 =	vadd.f32 v5, v2  }
0x232: {  	v13 =	vadd.f32 v13, v10;
	v8 =	vld [tilespmem:s7+$0x6770];
	v14 =	vadd.f32 v11, v14  }
0x233: {  	v10 =	vld [tilespmem:s7+$0x67F0];
	v5 =	vadd.f32 v15, v6;
	v2 =	vadd.f32 v2, v6  }
0x234: {  	s6 =	simm.s32 $0x1000;
	v11 =	vld [tilespmem:s7+$0x6870];
	v14 =	vadd.f32 v14, v13;
	v13 =	vadd.f32 v7, v63;
	v7 =	vimm.f32 $0.0e+00  }
.LBB2_13:
0x235: {  	p0 =	sne.s32 s6, $0x18800;
	v15 =	vld [tilespmem:s7+$0x68F0]  }
0x236: {  	v16 =	vld [tilespmem:s7+$0x6700];
	v6 =	vadd.f32 v14, v6;
	v9 =	vadd.f32 v12, v9  }
0x237: {  	v12 =	vld [tilespmem:s7+$0x6780]  }
0x238: {  	v14 =	vld [tilespmem:s7+$0x6800];
	v9 =	vadd.f32 v9, v13  }
0x239: {  	v13 =	vld [tilespmem:s7+$0x6880]  }
0x23a: {  	v8 =	vadd.f32 v10, v8;
	v17 =	vld [tilespmem:s7+$0x6710];
	v10 =	vadd.f32 v15, v11  }
0x23b: {  	v7 =	vadd.f32 v9, v7;
	v11 =	vld [tilespmem:s7+$0x6790]  }
0x23c: {  	v9 =	vadd.f32 v12, v16;
	v12 =	vld [tilespmem:s7+$0x6810];
	v8 =	vadd.f32 v10, v8  }
0x23d: {  	v10 =	vld [tilespmem:s7+$0x6890]  }
0x23e: {  	v13 =	vadd.f32 v13, v14;
	v14 =	vld [tilespmem:s7+$0x6720];
	v0 =	vadd.f32 v8, v0  }
0x23f: {  	v8 =	vld [tilespmem:s7+$0x67A0]  }
0x240: {  	v9 =	vadd.f32 v13, v9;
	v11 =	vadd.f32 v11, v17;
	v13 =	vld [tilespmem:s7+$0x6820]  }
0x241: {  	v15 =	vld [tilespmem:s7+$0x68A0]  }
0x242: {  	v1 =	vadd.f32 v9, v1;
	v9 =	vadd.f32 v10, v12;
	v10 =	vld [tilespmem:s7+$0x6730]  }
0x243: {  	v12 =	vld [tilespmem:s7+$0x67B0]  }
0x244: {  	v9 =	vadd.f32 v9, v11;
	v8 =	vadd.f32 v8, v14;
	v11 =	vld [tilespmem:s7+$0x6830]  }
0x245: {  	v14 =	vld [tilespmem:s7+$0x68B0]  }
0x246: {  	v3 =	vadd.f32 v9, v3;
	v9 =	vadd.f32 v15, v13;
	v13 =	vld [tilespmem:s7+$0x6740]  }
0x247: {  	v15 =	vld [tilespmem:s7+$0x67C0]  }
0x248: {  	v8 =	vadd.f32 v9, v8;
	v9 =	vadd.f32 v12, v10;
	v10 =	vld [tilespmem:s7+$0x6840]  }
0x249: {  	v12 =	vld [tilespmem:s7+$0x68C0]  }
0x24a: {  	v4 =	vadd.f32 v8, v4;
	v8 =	vadd.f32 v14, v11;
	v11 =	vld [tilespmem:s7+$0x6750]  }
0x24b: {  	v14 =	vld [tilespmem:s7+$0x67D0]  }
0x24c: {  	v8 =	vadd.f32 v8, v9;
	v9 =	vadd.f32 v15, v13;
	v13 =	vld [tilespmem:s7+$0x6850]  }
0x24d: {  	v15 =	vld [tilespmem:s7+$0x68D0]  }
0x24e: {  	v5 =	vadd.f32 v8, v5;
	v8 =	vadd.f32 v12, v10;
	v16 =	vld [tilespmem:s7+$0x6760]  }
0x24f: {  	v17 =	vld [tilespmem:s7+$0x67E0]  }
.Ltmp6:
0x250: {  	v10 =	vadd.f32 v8, v9;
	v14 =	vadd.f32 v14, v11;
	v9 =	vld [tilespmem:s7+$0x6860];
	(pc) =	sbr.rel @p0 .LBB2_13-.Ltmp6, $4  }
0x251: {  	v12 =	vld [tilespmem:s7+$0x68E0];
	s7 =	sshra.s32 s6, $0x2  }
0x252: {  	v8 =	vld [tilespmem:s7+$0x6770];
	v2 =	vadd.f32 v10, v2;
	v13 =	vadd.f32 v15, v13  }
0x253: {  	v10 =	vld [tilespmem:s7+$0x67F0]  }
0x254: {  	s6 =	sadd.s32 $0x800, s6;
	v11 =	vld [tilespmem:s7+$0x6870];
	v14 =	vadd.f32 v13, v14;
	v13 =	vadd.f32 v17, v16  }
0x255: {  	v15 =	vld [tilespmem:s7+$0x68F0]  }
0x256: {  	v16 =	vld [tilespmem:s7+$0x6700]  }
0x257: {  	v17 =	vld [tilespmem:s7+$0x6780]  }
0x258: {  	v18 =	vld [tilespmem:s7+$0x6800]  }
0x259: {  	v19 =	vld [tilespmem:s7+$0x6880]  }
0x25a: {  	v20 =	vld [tilespmem:s7+$0x6710]  }
0x25b: {  	v21 =	vld [tilespmem:s7+$0x6790]  }
0x25c: {  	v22 =	vld [tilespmem:s7+$0x6810]  }
0x25d: {  	v23 =	vld [tilespmem:s7+$0x6890]  }
0x25e: {  	v24 =	vld [tilespmem:s7+$0x6720]  }
0x25f: {  	v25 =	vld [tilespmem:s7+$0x67A0]  }
0x260: {  	v26 =	vld [tilespmem:s7+$0x6820]  }
0x261: {  	v27 =	vld [tilespmem:s7+$0x68A0]  }
0x262: {  	v28 =	vld [tilespmem:s7+$0x6730]  }
0x263: {  	v29 =	vld [tilespmem:s7+$0x67B0]  }
0x264: {  	v30 =	vld [tilespmem:s7+$0x6830]  }
0x265: {  	v31 =	vld [tilespmem:s7+$0x68B0]  }
0x266: {  	v32 =	vld [tilespmem:s7+$0x6740]  }
0x267: {  	v33 =	vld [tilespmem:s7+$0x67C0]  }
0x268: {  	v34 =	vld [tilespmem:s7+$0x6840]  }
0x269: {  	v36 =	vld [tilespmem:s7+$0x68C0]  }
0x26a: {  	v39 =	vld [tilespmem:s7+$0x6750]  }
0x26b: {  	v40 =	vld [tilespmem:s7+$0x67D0];
	v9 =	vadd.f32 v12, v9  }
0x26c: {  	v42 =	vld [tilespmem:s7+$0x6850];
	v6 =	vadd.f32 v14, v6  }
0x26d: {  	v45 =	vld [tilespmem:s7+$0x68D0];
	v9 =	vadd.f32 v9, v13;
	v8 =	vadd.f32 v10, v8  }
0x26e: {  	v48 =	vld [tilespmem:s7+$0x6760];
	v37 =	vadd.f32 v17, v16;
	v38 =	vadd.f32 v19, v18  }
0x26f: {  	v49 =	vld [tilespmem:s7+$0x67E0];
	v11 =	vadd.f32 v15, v11;
	v43 =	vadd.f32 v21, v20  }
0x270: {  	v52 =	vld [tilespmem:s7+$0x6860];
	v44 =	vadd.f32 v23, v22;
	v46 =	vadd.f32 v25, v24  }
0x271: {  	v55 =	vld [tilespmem:s7+$0x68E0];
	v47 =	vadd.f32 v27, v26;
	v7 =	vadd.f32 v9, v7  }
0x272: {  	v53 =	vadd.f32 v29, v28;
	v54 =	vadd.f32 v31, v30  }
0x273: {  	v56 =	vadd.f32 v33, v32;
	v12 =	vadd.f32 v36, v34  }
0x274: {  	v10 =	vadd.f32 v40, v39;
	v14 =	vadd.f32 v45, v42  }
0x275: {  	v9 =	vadd.f32 v49, v48;
	v41 =	vadd.f32 v38, v37  }
0x276: {  	v58 =	vadd.f32 v55, v52;
	v50 =	vadd.f32 v44, v43  }
0x277: {  	v51 =	vadd.f32 v47, v46;
	v1 =	vadd.f32 v41, v1  }
0x278: {  	v57 =	vadd.f32 v54, v53;
	v3 =	vadd.f32 v50, v3  }
0x279: {  	v12 =	vadd.f32 v12, v56;
	v4 =	vadd.f32 v51, v4;
	[tilespmem:$0x16E80] =	vst v1  }
0x27a: {  	v60 =	vadd.f32 v14, v10;
	v59 =	vadd.f32 v57, v5;
	[tilespmem:$0x16E90] =	vst v3  }
0x27b: {  	v61 =	vadd.f32 v58, v9;
	v2 =	vadd.f32 v12, v2;
	[tilespmem:$0x16EA0] =	vst v4  }
0x27c: {  	v62 =	vadd.f32 v11, v8;
	v5 =	vadd.f32 v60, v6;
	[tilespmem:$0x16EB0] =	vst v59  }
0x27d: {  	v63 =	vadd.f32 v61, v7;
	[tilespmem:$0x16EC0] =	vst v2  }
0x27e: {  	v0 =	vadd.f32 v62, v0;
	[tilespmem:$0x16ED0] =	vst v5  }
0x27f: {  	[tilespmem:$0x16EE0] =	vst v63  }
0x280: {  	s4 =	rddreg [dreg:$0x7];
	s6 =	simm.s32 $0x12F00;
	[tilespmem:$0x16EF0] =	vst v0  }
0x281: {  	[hbm4b:s4+s9] =	stream.linear.scatter [tilespmem:s6], [sflag:$0x7], $0x4000, $0x38;
	[tilespmem:$0x16F00] =	vst v63  }
0x282: {  	_ =	swait.ge [sflag:s3], $0x4000  }
0x283: {  	s0 =	sadd.s32 $0x1, s0;
	s10 =	rddreg [dreg:$0x8]  }
0x284: {  	p0 =	sne.s32 s0, s10  }
.Ltmp7:
0x285: {  	_ = 	snop;
	(pc) =	sbr.rel @p0 .LBB2_1-.Ltmp7, $3  }
0x286: {  	_ =	sdelay $0x1  }
0x287: {  	[sflag:s3] =	ssyncset.done $0x0  }
0x288: {  	[sflag:s3] =	ssyncadd.s32 $0xFFFFC000  }
0x289: {  	_ =	sfence.sel $0x180000  }
0x28a: {  	[bflag:$0x0] =	sbarrier.arrive $0xFFFF  }
0x28b: {  	_ =	strace $0x90000047  }
0x28c: {  	s0 =	stileid.u32;
	[bflag:$0x2] =	sbarrier.arrive $0xFFFF  }
0x28d: {  	p0 =	sne.s32 s0, $0x0;
	s0 =	rddreg [dreg:$0x3]  }
0x28e: {  	s0 =	sadd.s32 @!p0 $0x100000, s0  }
0x28f: {  	[sflag:s0] =	ssyncadd.tile.s32 @!p0 $0x1;
	_ =	shalt  }
.Lfunc_end2:
_tile_overlayer_lowered:
.L_overlay_start_2:
0x290: {  	(tag) =	ssettag $0x2  }
0x291: {  	s0 =	rddreg [dreg:$0x0];
	s2 =	stileid.u32  }
0x292: {  	s1 =	rddreg [dreg:$0x1];
	p0 =	sne.s32 s2, $0x0  }
0x293: {  	s3 =	rddreg [dreg:$0x2];
	[bflag:$0x3] =	sbarrier.arrive $0xFFFF;
	s2 =	simm.s32 @!p0 $0x1C07  }
0x294: {  	[timem:s3], [sflag:s2] =	dma.local @!p0 [hbm:s0], s1  }
0x295: {  	s0 =	simm.s32 @!p0 $0x7  }
0x296: {  	_ =	swait.ge @!p0 [sflag:s0], s1  }
0x297: {  	s1 =	ssub.s32 @!p0 $0x0, s1;
	[sflag:s0] =	ssyncset.done @!p0 $0x0  }
0x298: {  	[sflag:s0] =	ssyncadd.s32 @!p0 s1  }
0x299: {  	[bflag:$0x3] =	sbarrier.arrive $0xFFFF  }
0x29a: {  	_ =	shalt  }

</sc_bundles>
